<compile_context>
chip_gen: v7x
topology: tpu7x:2x2x1
jax: 0.10.2.dev20260603
libtpu: 0.0.44.dev20260713+nightly
codegen_flags: <defaults>
</compile_context>

<pallas_src>
import functools
import math

import jax
import jax.numpy as jnp
from jax import lax
from jax.experimental import pallas as pl
from jax.experimental.pallas import tpu as pltpu
from jax.experimental.pallas import tpu_sc as plsc

B, N, C, S, D = 4, 4096, 64, 64, 256
R = B * N
NC, NS = 2, 16
NW = NC * NS
CHUNK = 128

ROWS_PER_W = R // NW
NCHUNK = ROWS_PER_W // CHUNK

P = 2
RH = R // P
ROWS_PER_W_H = RH // NW
NCHUNK_H = ROWS_PER_W_H // CHUNK
NIT_H = 2 * NCHUNK_H
NBUF = 3

_CT = (((1,), (1,)), ((), ()))


@functools.cache
def _sc_kernels():
    mesh = plsc.VectorSubcoreMesh(core_axis_name="c", subcore_axis_name="s")

    def make_gather(h):
        @functools.partial(
            pl.kernel,
            out_type=(jax.ShapeDtypeStruct((RH, D), jnp.float32),
                      jax.ShapeDtypeStruct((RH, D), jnp.float32)),
            mesh=mesh,
            scratch_types=(
                [pltpu.VMEM((NCHUNK_H, CHUNK), jnp.int32)]
                + [pltpu.VMEM((CHUNK, D), jnp.float32)] * NBUF
                + [pltpu.SemaphoreType.DMA] * (2 * NBUF)
            ),
        )
        def sc_gather(geo_hbm, pos_hbm, idx3_hbm, outg_hbm, outp_hbm,
                      idx_v, *rest):
            bufs = rest[:NBUF]
            gsems = rest[NBUF:2 * NBUF]
            wsems = rest[2 * NBUF:]
            wid = lax.axis_index("s") * NC + lax.axis_index("c")
            base = wid * ROWS_PER_W_H
            boff = (h * 2 + wid // (NW // 2)) * N
            gw = h * (NW // 2) + wid // 2
            pltpu.sync_copy(
                idx3_hbm.at[gw, pl.ds((wid % 2) * NCHUNK_H, NCHUNK_H)],
                idx_v)

            def src(j):
                tbl = geo_hbm if j % 2 == 0 else pos_hbm
                return tbl.at[pl.ds(boff, N)].at[idx_v.at[j // 2]]

            def dst(j):
                out = outg_hbm if j % 2 == 0 else outp_hbm
                return out.at[pl.ds(base + (j // 2) * CHUNK, CHUNK)]

            gcopies = [None] * NIT_H
            wcopies = [None] * NIT_H
            waited = [False] * NIT_H

            def start_gather(j):
                gcopies[j] = pltpu.async_copy(src(j), bufs[j % NBUF],
                                              gsems[j % NBUF])

            start_gather(0)
            start_gather(1)
            for j in range(NIT_H):
                gcopies[j].wait()
                wcopies[j] = pltpu.async_copy(bufs[j % NBUF], dst(j),
                                              wsems[j % NBUF])
                nxt = j + 2
                if nxt < NIT_H:
                    if nxt >= NBUF:
                        wcopies[nxt - NBUF].wait()
                        waited[nxt - NBUF] = True
                    start_gather(nxt)
            for j in range(NIT_H):
                if not waited[j]:
                    wcopies[j].wait()

        return sc_gather

    @functools.partial(
        pl.kernel,
        out_type=jax.ShapeDtypeStruct((R, D), jnp.float32),
        mesh=mesh,
        scratch_types=(
            [pltpu.VMEM((NCHUNK, CHUNK), jnp.int32)]
            + [pltpu.VMEM((CHUNK, D), jnp.float32)] * 2
            + [pltpu.SemaphoreType.DMA] * 4
        ),
    )
    def sc_scatter(y0_hbm, y1_hbm, idx3_hbm, out_hbm, idx_v, buf0, buf1,
                   lsem0, lsem1, ssem0, ssem1):
        bufs = (buf0, buf1)
        lsems = (lsem0, lsem1)
        ssems = (ssem0, ssem1)
        wid = lax.axis_index("s") * NC + lax.axis_index("c")
        boff = (wid // (N // ROWS_PER_W)) * N
        pltpu.sync_copy(idx3_hbm.at[wid], idx_v)

        def run(y_hbm, base):
            loads = [None] * NCHUNK
            scats = [None] * NCHUNK
            waited = [False] * NCHUNK

            def start_load(ci):
                loads[ci] = pltpu.async_copy(
                    y_hbm.at[pl.ds(base + ci * CHUNK, CHUNK)],
                    bufs[ci % 2], lsems[ci % 2])

            start_load(0)
            start_load(1)
            for ci in range(NCHUNK):
                loads[ci].wait()
                scats[ci] = pltpu.async_copy(
                    bufs[ci % 2],
                    out_hbm.at[pl.ds(boff, N)].at[idx_v.at[ci]],
                    ssems[ci % 2])
                nxt = ci + 2
                if nxt < NCHUNK:
                    scats[nxt - 2].wait()
                    waited[nxt - 2] = True
                    start_load(nxt)
            for ci in range(NCHUNK):
                if not waited[ci]:
                    scats[ci].wait()

        half = NW // 2

        @pl.when(wid < half)
        def _():
            run(y0_hbm, wid * ROWS_PER_W)

        @pl.when(wid >= half)
        def _():
            run(y1_hbm, wid * ROWS_PER_W - RH)

    return make_gather(0), make_gather(1), sc_scatter


def _fold_body(wo_ref, wv_ref, wq_ref, wk_ref, bv_ref, bo_ref, bq_ref,
               wvob_ref, wqb_ref, wkb_ref, bf_ref, bqs_ref):
    scale = 1.0 / math.sqrt(D)
    wvo = lax.dot_general(wo_ref[...], wv_ref[...],
                          (((1,), (0,)), ((), ())),
                          preferred_element_type=jnp.float32)
    wvob_ref[...] = wvo.astype(jnp.bfloat16)
    wqb_ref[...] = (wq_ref[...] * scale).astype(jnp.bfloat16)
    wkb_ref[...] = wk_ref[...].astype(jnp.bfloat16)
    bf_ref[...] = lax.dot_general(bv_ref[...], wo_ref[...], _CT,
                                  preferred_element_type=jnp.float32) + bo_ref[...]
    bqs_ref[...] = bq_ref[...] * scale


_fold_call = pl.pallas_call(
    _fold_body,
    out_shape=(jax.ShapeDtypeStruct((D, D), jnp.bfloat16),
               jax.ShapeDtypeStruct((D, D), jnp.bfloat16),
               jax.ShapeDtypeStruct((D, D), jnp.bfloat16),
               jax.ShapeDtypeStruct((1, D), jnp.float32),
               jax.ShapeDtypeStruct((1, D), jnp.float32)),
)

G = 32
ROWS_BLK = G * S
N_BLK = RH // ROWS_BLK


def _attn_body(xg_ref, xp_ref, wqb_ref, wkb_ref, wvob_ref, bqs_ref, bf_ref,
               y_ref):
    xgb = xg_ref[...].astype(jnp.bfloat16)
    xpb = xp_ref[...].astype(jnp.bfloat16)
    q = lax.dot_general(xgb, wqb_ref[...], _CT,
                        preferred_element_type=jnp.float32) + bqs_ref[...]
    k = lax.dot_general(xgb, wkb_ref[...], _CT,
                        preferred_element_type=jnp.float32)
    v = lax.dot_general(xpb, wvob_ref[...], _CT,
                        preferred_element_type=jnp.float32) + bf_ref[...]
    for g in range(G):
        qg = q[g * S:(g + 1) * S]
        kg = k[g * S:(g + 1) * S]
        vg = v[g * S:(g + 1) * S]
        logits = lax.dot_general(qg, kg, _CT,
                                 preferred_element_type=jnp.float32)
        p = jnp.exp(logits)
        attn = p / jnp.sum(p, axis=1, keepdims=True)
        y_ref[pl.ds(g * S, S), :] = jnp.dot(attn, vg,
                                            preferred_element_type=jnp.float32)


_attn_call = pl.pallas_call(
    _attn_body,
    grid=(N_BLK,),
    in_specs=[
        pl.BlockSpec((ROWS_BLK, D), lambda i: (i, 0)),
        pl.BlockSpec((ROWS_BLK, D), lambda i: (i, 0)),
        pl.BlockSpec((D, D), lambda i: (0, 0)),
        pl.BlockSpec((D, D), lambda i: (0, 0)),
        pl.BlockSpec((D, D), lambda i: (0, 0)),
        pl.BlockSpec((1, D), lambda i: (0, 0)),
        pl.BlockSpec((1, D), lambda i: (0, 0)),
    ],
    out_specs=pl.BlockSpec((ROWS_BLK, D), lambda i: (i, 0)),
    out_shape=jax.ShapeDtypeStruct((RH, D), jnp.float32),
    compiler_params=pltpu.CompilerParams(
        dimension_semantics=("parallel",)),
)


def kernel(h_pos, h_geo, kmeans_idx, Wq, bq, Wk, bk, Wv, bv, Wo, bo):
    geo = h_geo.reshape(R, D)
    pos = h_pos.reshape(R, D)
    idx3 = kmeans_idx.reshape(NW, NCHUNK, CHUNK)

    sc_gather0, sc_gather1, sc_scatter = _sc_kernels()
    xg0, xp0 = sc_gather0(geo, pos, idx3)
    xg1, xp1 = sc_gather1(geo, pos, idx3)
    wvob, wqb, wkb, bfold, bqs = _fold_call(Wo, Wv, Wq, Wk, bv[None, :],
                                            bo[None, :], bq[None, :])
    y0 = _attn_call(xg0, xp0, wqb, wkb, wvob, bqs, bfold)
    y1 = _attn_call(xg1, xp1, wqb, wkb, wvob, bqs, bfold)
    out = sc_scatter(y0, y1, idx3)
    return out.reshape(B, N, D)

# --- scband reference (transcript-rebuilt; emitter-appended) ---
"""Pipeline reference for scband-dlsablock-9612136808570 (READ-ONLY COPY).

The authoritative reference and input builder live on the scoring server;
editing this copy changes nothing except your own understanding.
"""

import jax, jax.numpy as jnp
import numpy as np
import math

B, N, C, S, D = 4, 4096, 64, 64, 256


def setup_inputs(seed: int = 0) -> dict:
    key = jax.random.key(seed)
    ks = jax.random.split(key, 8)
    h_pos = jax.random.normal(ks[0], (B, N, D), dtype=jnp.float32)
    h_geo = jax.random.normal(ks[1], (B, N, D), dtype=jnp.float32)
    # kmeans cluster assignment: per-batch permutation of [0, N) split into C equal clusters
    kmeans_idx = jnp.stack([
        jax.random.permutation(jax.random.fold_in(ks[2], b), N).reshape(C, S)
        for b in range(B)
    ]).astype(jnp.int32)
    Wq = jax.random.normal(ks[3], (D, D), dtype=jnp.float32) * 0.02
    Wk = jax.random.normal(ks[4], (D, D), dtype=jnp.float32) * 0.02
    Wv = jax.random.normal(ks[5], (D, D), dtype=jnp.float32) * 0.02
    Wo = jax.random.normal(ks[6], (D, D), dtype=jnp.float32) * 0.02
    bq = jnp.zeros((D,), dtype=jnp.float32)
    bk = jnp.zeros((D,), dtype=jnp.float32)
    bv = jnp.zeros((D,), dtype=jnp.float32)
    bo = jnp.zeros((D,), dtype=jnp.float32)
    return {"h_pos": h_pos, "h_geo": h_geo, "kmeans_idx": kmeans_idx,
            "Wq": Wq, "bq": bq, "Wk": Wk, "bk": bk, "Wv": Wv, "bv": bv,
            "Wo": Wo, "bo": bo}


def reference(h_pos, h_geo, kmeans_idx, Wq, bq, Wk, bk, Wv, bv, Wo, bo):
    d_embed = Wq.shape[0]
    # torch nn.Linear: y = x @ W.T + b
    Q = h_geo @ Wq.T + bq
    K = h_geo @ Wk.T + bk
    V = h_pos @ Wv.T + bv
    scale = 1.0 / math.sqrt(d_embed)

    def per_batch(Qb, Kb, Vb, idxb):
        Qc = Qb[idxb] * scale            # [C, S, D] gather
        Kc = Kb[idxb]                    # [C, S, D]
        Vc = Vb[idxb]                    # [C, S, D]
        logits = jnp.einsum('csd,ctd->cst', Qc, Kc)
        attn_c = jax.nn.softmax(logits, axis=-1)
        out_c = jnp.einsum('cst,ctd->csd', attn_c, Vc)  # [C, S, D]
        # scatter results back to point order (idx is a partition of [0, N))
        out = jnp.zeros_like(Qb).at[idxb.reshape(-1)].set(out_c.reshape(-1, d_embed))
        return out

    attn = jax.vmap(per_batch)(Q, K, V, kmeans_idx)
    return attn @ Wo.T + bo

if __name__ == "__main__":
    import jax
    _d = setup_inputs()
    print(jax.jit(kernel)(*tuple(_d.values())))

</pallas_src>

<mosaic_0001>
#map = affine_map<(d0, d1) -> (0, 0)>
#map1 = affine_map<(d0, d1) -> (0, 0, 0)>
module attributes {stable_mosaic.version = 14 : i64} {
  func.func @sc_gather(%arg0: i32, %arg1: i32, %arg2: memref<16384x256xf32, #tpu.memory_space<hbm>>, %arg3: memref<16384x256xf32, #tpu.memory_space<hbm>>, %arg4: memref<32x4x128xi32, #tpu.memory_space<hbm>>, %arg5: memref<8192x256xf32, #tpu.memory_space<hbm>>, %arg6: memref<8192x256xf32, #tpu.memory_space<hbm>>, %arg7: memref<2x128xi32, #tpu.memory_space<vmem>>, %arg8: memref<128x256xf32, #tpu.memory_space<vmem>>, %arg9: memref<128x256xf32, #tpu.memory_space<vmem>>, %arg10: memref<128x256xf32, #tpu.memory_space<vmem>>, %arg11: memref<!tpu.dma_semaphore, #tpu.memory_space<semaphore_mem>>, %arg12: memref<!tpu.dma_semaphore, #tpu.memory_space<semaphore_mem>>, %arg13: memref<!tpu.dma_semaphore, #tpu.memory_space<semaphore_mem>>, %arg14: memref<!tpu.dma_semaphore, #tpu.memory_space<semaphore_mem>>, %arg15: memref<!tpu.dma_semaphore, #tpu.memory_space<semaphore_mem>>, %arg16: memref<!tpu.dma_semaphore, #tpu.memory_space<semaphore_mem>>) attributes {dimension_semantics = [#tpu.dimension_semantics<core_parallel>, #tpu.dimension_semantics<subcore_parallel>], iteration_bounds = array<i64: 2, 16>, scalar_prefetch = 0 : i64, scratch_operands = 10 : i64, tpu.core_type = #tpu.core_type<sc_vector_subcore>, window_params = [{transform_indices = #map}, {transform_indices = #map}, {transform_indices = #map1}, {transform_indices = #map}, {transform_indices = #map}]} {
    %mul3A = arith.constant 2 : i32
    %mul3A_0 = arith.muli %arg1, %mul3A : i32
    %add3A = arith.addi %mul3A_0, %arg0 : i32
    %mul3A_1 = arith.constant 256 : i32
    %mul3A_2 = arith.muli %add3A, %mul3A_1 : i32
    %jit3A = arith.constant 16 : i32
    %div3A = arith.divsi %add3A, %jit3A : i32
    %sign3A = arith.constant 0 : i32
    %sign3A_3 = arith.cmpi sgt, %add3A, %sign3A : i32
    %sign3A_4 = arith.extui %sign3A_3 : i1 to i32
    %sign3A_5 = arith.constant 0 : i32
    %sign3A_6 = arith.cmpi slt, %add3A, %sign3A_5 : i32
    %sign3A_7 = arith.extui %sign3A_6 : i1 to i32
    %sign3A_8 = arith.subi %sign3A_4, %sign3A_7 : i32
    %sign3A_9 = arith.constant 0 : i32
    %sign3A_10 = arith.cmpi sgt, %jit3A, %sign3A_9 : i32
    %sign3A_11 = arith.extui %sign3A_10 : i1 to i32
    %sign3A_12 = arith.constant 0 : i32
    %sign3A_13 = arith.cmpi slt, %jit3A, %sign3A_12 : i32
    %sign3A_14 = arith.extui %sign3A_13 : i1 to i32
    %sign3A_15 = arith.subi %sign3A_11, %sign3A_14 : i32
    %ne3A = arith.cmpi ne, %sign3A_8, %sign3A_15 : i32
    %rem3A = arith.remsi %add3A, %jit3A : i32
    %ne3A_16 = arith.constant 0 : i32
    %ne3A_17 = arith.cmpi ne, %rem3A, %ne3A_16 : i32
    %and3A = arith.andi %ne3A, %ne3A_17 : i1
    %sub3A = arith.constant 1 : i32
    %sub3A_18 = arith.subi %div3A, %sub3A : i32
    %select_n3A = arith.select %and3A, %sub3A_18, %div3A : i32
    %add3A_19 = arith.constant 0 : i32
    %add3A_20 = arith.addi %add3A_19, %select_n3A : i32
    %mul3A_21 = arith.constant 4096 : i32
    %mul3A_22 = arith.muli %add3A_20, %mul3A_21 : i32
    %jit3A_23 = arith.constant 2 : i32
    %div3A_24 = arith.divsi %add3A, %jit3A_23 : i32
    %sign3A_25 = arith.constant 0 : i32
    %sign3A_26 = arith.cmpi sgt, %add3A, %sign3A_25 : i32
    %sign3A_27 = arith.extui %sign3A_26 : i1 to i32
    %sign3A_28 = arith.constant 0 : i32
    %sign3A_29 = arith.cmpi slt, %add3A, %sign3A_28 : i32
    %sign3A_30 = arith.extui %sign3A_29 : i1 to i32
    %sign3A_31 = arith.subi %sign3A_27, %sign3A_30 : i32
    %sign3A_32 = arith.constant 0 : i32
    %sign3A_33 = arith.cmpi sgt, %jit3A_23, %sign3A_32 : i32
    %sign3A_34 = arith.extui %sign3A_33 : i1 to i32
    %sign3A_35 = arith.constant 0 : i32
    %sign3A_36 = arith.cmpi slt, %jit3A_23, %sign3A_35 : i32
    %sign3A_37 = arith.extui %sign3A_36 : i1 to i32
    %sign3A_38 = arith.subi %sign3A_34, %sign3A_37 : i32
    %ne3A_39 = arith.cmpi ne, %sign3A_31, %sign3A_38 : i32
    %rem3A_40 = arith.remsi %add3A, %jit3A_23 : i32
    %ne3A_41 = arith.constant 0 : i32
    %ne3A_42 = arith.cmpi ne, %rem3A_40, %ne3A_41 : i32
    %and3A_43 = arith.andi %ne3A_39, %ne3A_42 : i1
    %sub3A_44 = arith.constant 1 : i32
    %sub3A_45 = arith.subi %div3A_24, %sub3A_44 : i32
    %select_n3A_46 = arith.select %and3A_43, %sub3A_45, %div3A_24 : i32
    %add3A_47 = arith.constant 0 : i32
    %add3A_48 = arith.addi %add3A_47, %select_n3A_46 : i32
    %jit3A_49 = arith.constant 2 : i32
    %eq3A = arith.constant 0 : i32
    %eq3A_50 = arith.cmpi eq, %jit3A_49, %eq3A : i32
    %jit3A_51 = arith.constant 1 : i32
    %select_n3A_52 = arith.select %eq3A_50, %jit3A_51, %jit3A_49 : i32
    %rem3A_53 = arith.remsi %add3A, %select_n3A_52 : i32
    %ne3A_54 = arith.constant 0 : i32
    %ne3A_55 = arith.cmpi ne, %rem3A_53, %ne3A_54 : i32
    %lt3A = arith.constant 0 : i32
    %lt3A_56 = arith.cmpi slt, %rem3A_53, %lt3A : i32
    %lt3A_57 = arith.constant 0 : i32
    %lt3A_58 = arith.cmpi slt, %select_n3A_52, %lt3A_57 : i32
    %ne3A_59 = arith.xori %lt3A_56, %lt3A_58 : i1
    %and3A_60 = arith.andi %ne3A_59, %ne3A_55 : i1
    %add3A_61 = arith.addi %rem3A_53, %select_n3A_52 : i32
    %select_n3A_62 = arith.select %and3A_60, %add3A_61, %rem3A_53 : i32
    %mul3A_63 = arith.constant 2 : i32
    %mul3A_64 = arith.muli %select_n3A_62, %mul3A_63 : i32
    "tpu.region"() ({
      %run_scoped3A = tpu.sem_alloc : memref<!tpu.dma_semaphore, #tpu.memory_space<semaphore_mem>>
      %dma_start3A_175 = arith.constant 0 : i32
      %dma_start3A_176 = tpu.memref_slice %arg4[%add3A_48, %mul3A_64, %dma_start3A_175] : memref<32x4x128xi32, #tpu.memory_space<hbm>> -> memref<1x2x128xi32, #tpu.memory_space<hbm>>
      %dma_start3A_177 = tpu.memref_squeeze %dma_start3A_176 : memref<1x2x128xi32, #tpu.memory_space<hbm>> -> memref<2x128xi32, #tpu.memory_space<hbm>>
      %dma_start3A_178 = arith.constant 0 : i32
      %dma_start3A_179 = tpu.memref_slice %arg4[%add3A_48, %mul3A_64, %dma_start3A_178] : memref<32x4x128xi32, #tpu.memory_space<hbm>> -> memref<1x2x128xi32, #tpu.memory_space<hbm>>
      %dma_start3A_180 = tpu.memref_squeeze %dma_start3A_179 : memref<1x2x128xi32, #tpu.memory_space<hbm>> -> memref<2x128xi32, #tpu.memory_space<hbm>>
      tpu.enqueue_dma source(%dma_start3A_180 : memref<2x128xi32, #tpu.memory_space<hbm>>) target(%arg7 : memref<2x128xi32, #tpu.memory_space<vmem>>) target_semaphore(%run_scoped3A : memref<!tpu.dma_semaphore, #tpu.memory_space<semaphore_mem>>)
      %dma_wait3A_181 = arith.constant 0 : i32
      %dma_wait3A_182 = tpu.memref_slice %arg4[%add3A_48, %mul3A_64, %dma_wait3A_181] : memref<32x4x128xi32, #tpu.memory_space<hbm>> -> memref<1x2x128xi32, #tpu.memory_space<hbm>>
      %dma_wait3A_183 = tpu.memref_squeeze %dma_wait3A_182 : memref<1x2x128xi32, #tpu.memory_space<hbm>> -> memref<2x128xi32, #tpu.memory_space<hbm>>
      %dma_wait3A_184 = arith.constant 0 : i32
      %dma_wait3A_185 = tpu.memref_slice %arg4[%add3A_48, %mul3A_64, %dma_wait3A_184] : memref<32x4x128xi32, #tpu.memory_space<hbm>> -> memref<1x2x128xi32, #tpu.memory_space<hbm>>
      %dma_wait3A_186 = tpu.memref_squeeze %dma_wait3A_185 : memref<1x2x128xi32, #tpu.memory_space<hbm>> -> memref<2x128xi32, #tpu.memory_space<hbm>>
      tpu.wait_dma2 semaphore(%run_scoped3A : memref<!tpu.dma_semaphore, #tpu.memory_space<semaphore_mem>>) src(%dma_wait3A_186 : memref<2x128xi32, #tpu.memory_space<hbm>>) dst(%arg7 : memref<2x128xi32, #tpu.memory_space<vmem>>)
      tpu.yield
    }) : () -> ()
    %dma_start3A = arith.constant 0 : i32
    %dma_start3A_65 = arith.constant 0 : i32
    %dma_start3A_66 = tpu.memref_slice %arg7[%dma_start3A, %dma_start3A_65] : memref<2x128xi32, #tpu.memory_space<vmem>> -> memref<1x128xi32, #tpu.memory_space<vmem>>
    %dma_start3A_67 = tpu.memref_squeeze %dma_start3A_66 : memref<1x128xi32, #tpu.memory_space<vmem>> -> memref<128xi32, #tpu.memory_space<vmem>>
    %dma_start3A_68 = arith.constant 0 : i32
    %dma_start3A_69 = tpu.memref_slice %arg2[%mul3A_22, %dma_start3A_68] : memref<16384x256xf32, #tpu.memory_space<hbm>> -> memref<4096x256xf32, #tpu.memory_space<hbm>>
    %dma_start3A_70 = arith.constant 0 : i32
    %dma_start3A_71 = arith.constant 0 : i32
    %dma_start3A_72 = tpu.memref_slice %dma_start3A_69[%dma_start3A_70, %dma_start3A_71] : memref<4096x256xf32, #tpu.memory_space<hbm>> -> memref<4096x256xf32, #tpu.memory_space<hbm>>
    tpu.enqueue_indirect_dma source(%dma_start3A_72 : memref<4096x256xf32, #tpu.memory_space<hbm>>) target(%arg8 : memref<128x256xf32, #tpu.memory_space<vmem>>) offsets(%dma_start3A_67 : memref<128xi32, #tpu.memory_space<vmem>>) semaphore(%arg11 : memref<!tpu.dma_semaphore, #tpu.memory_space<semaphore_mem>>)
    %dma_start3A_73 = arith.constant 0 : i32
    %dma_start3A_74 = arith.constant 0 : i32
    %dma_start3A_75 = tpu.memref_slice %arg7[%dma_start3A_73, %dma_start3A_74] : memref<2x128xi32, #tpu.memory_space<vmem>> -> memref<1x128xi32, #tpu.memory_space<vmem>>
    %dma_start3A_76 = tpu.memref_squeeze %dma_start3A_75 : memref<1x128xi32, #tpu.memory_space<vmem>> -> memref<128xi32, #tpu.memory_space<vmem>>
    %dma_start3A_77 = arith.constant 0 : i32
    %dma_start3A_78 = tpu.memref_slice %arg3[%mul3A_22, %dma_start3A_77] : memref<16384x256xf32, #tpu.memory_space<hbm>> -> memref<4096x256xf32, #tpu.memory_space<hbm>>
    %dma_start3A_79 = arith.constant 0 : i32
    %dma_start3A_80 = arith.constant 0 : i32
    %dma_start3A_81 = tpu.memref_slice %dma_start3A_78[%dma_start3A_79, %dma_start3A_80] : memref<4096x256xf32, #tpu.memory_space<hbm>> -> memref<4096x256xf32, #tpu.memory_space<hbm>>
    tpu.enqueue_indirect_dma source(%dma_start3A_81 : memref<4096x256xf32, #tpu.memory_space<hbm>>) target(%arg9 : memref<128x256xf32, #tpu.memory_space<vmem>>) offsets(%dma_start3A_76 : memref<128xi32, #tpu.memory_space<vmem>>) semaphore(%arg12 : memref<!tpu.dma_semaphore, #tpu.memory_space<semaphore_mem>>)
    %dma_wait3A = arith.constant 0 : i32
    %dma_wait3A_82 = arith.constant 0 : i32
    %dma_wait3A_83 = tpu.memref_slice %arg7[%dma_wait3A, %dma_wait3A_82] : memref<2x128xi32, #tpu.memory_space<vmem>> -> memref<1x128xi32, #tpu.memory_space<vmem>>
    %dma_wait3A_84 = tpu.memref_squeeze %dma_wait3A_83 : memref<1x128xi32, #tpu.memory_space<vmem>> -> memref<128xi32, #tpu.memory_space<vmem>>
    %dma_wait3A_85 = arith.constant 0 : i32
    %dma_wait3A_86 = tpu.memref_slice %arg2[%mul3A_22, %dma_wait3A_85] : memref<16384x256xf32, #tpu.memory_space<hbm>> -> memref<4096x256xf32, #tpu.memory_space<hbm>>
    %dma_wait3A_87 = arith.constant 0 : i32
    %dma_wait3A_88 = arith.constant 0 : i32
    %dma_wait3A_89 = tpu.memref_slice %dma_wait3A_86[%dma_wait3A_87, %dma_wait3A_88] : memref<4096x256xf32, #tpu.memory_space<hbm>> -> memref<4096x256xf32, #tpu.memory_space<hbm>>
    tpu.wait_indirect_dma semaphore(%arg11 : memref<!tpu.dma_semaphore, #tpu.memory_space<semaphore_mem>>) src(%dma_wait3A_89 : memref<4096x256xf32, #tpu.memory_space<hbm>>) dst(%arg8 : memref<128x256xf32, #tpu.memory_space<vmem>>)
    %add3A_90 = arith.constant 0 : i32
    %add3A_91 = arith.addi %mul3A_2, %add3A_90 : i32
    %dma_start3A_92 = arith.constant 0 : i32
    %dma_start3A_93 = tpu.memref_slice %arg5[%add3A_91, %dma_start3A_92] : memref<8192x256xf32, #tpu.memory_space<hbm>> -> memref<128x256xf32, #tpu.memory_space<hbm>>
    %dma_start3A_94 = arith.constant 0 : i32
    %dma_start3A_95 = tpu.memref_slice %arg5[%add3A_91, %dma_start3A_94] : memref<8192x256xf32, #tpu.memory_space<hbm>> -> memref<128x256xf32, #tpu.memory_space<hbm>>
    tpu.enqueue_dma source(%arg8 : memref<128x256xf32, #tpu.memory_space<vmem>>) target(%dma_start3A_95 : memref<128x256xf32, #tpu.memory_space<hbm>>) target_semaphore(%arg14 : memref<!tpu.dma_semaphore, #tpu.memory_space<semaphore_mem>>)
    %dma_start3A_96 = arith.constant 1 : i32
    %dma_start3A_97 = arith.constant 0 : i32
    %dma_start3A_98 = tpu.memref_slice %arg7[%dma_start3A_96, %dma_start3A_97] : memref<2x128xi32, #tpu.memory_space<vmem>> -> memref<1x128xi32, #tpu.memory_space<vmem>>
    %dma_start3A_99 = tpu.memref_squeeze %dma_start3A_98 : memref<1x128xi32, #tpu.memory_space<vmem>> -> memref<128xi32, #tpu.memory_space<vmem>>
    %dma_start3A_100 = arith.constant 0 : i32
    %dma_start3A_101 = tpu.memref_slice %arg2[%mul3A_22, %dma_start3A_100] : memref<16384x256xf32, #tpu.memory_space<hbm>> -> memref<4096x256xf32, #tpu.memory_space<hbm>>
    %dma_start3A_102 = arith.constant 0 : i32
    %dma_start3A_103 = arith.constant 0 : i32
    %dma_start3A_104 = tpu.memref_slice %dma_start3A_101[%dma_start3A_102, %dma_start3A_103] : memref<4096x256xf32, #tpu.memory_space<hbm>> -> memref<4096x256xf32, #tpu.memory_space<hbm>>
    tpu.enqueue_indirect_dma source(%dma_start3A_104 : memref<4096x256xf32, #tpu.memory_space<hbm>>) target(%arg10 : memref<128x256xf32, #tpu.memory_space<vmem>>) offsets(%dma_start3A_99 : memref<128xi32, #tpu.memory_space<vmem>>) semaphore(%arg13 : memref<!tpu.dma_semaphore, #tpu.memory_space<semaphore_mem>>)
    %dma_wait3A_105 = arith.constant 0 : i32
    %dma_wait3A_106 = arith.constant 0 : i32
    %dma_wait3A_107 = tpu.memref_slice %arg7[%dma_wait3A_105, %dma_wait3A_106] : memref<2x128xi32, #tpu.memory_space<vmem>> -> memref<1x128xi32, #tpu.memory_space<vmem>>
    %dma_wait3A_108 = tpu.memref_squeeze %dma_wait3A_107 : memref<1x128xi32, #tpu.memory_space<vmem>> -> memref<128xi32, #tpu.memory_space<vmem>>
    %dma_wait3A_109 = arith.constant 0 : i32
    %dma_wait3A_110 = tpu.memref_slice %arg3[%mul3A_22, %dma_wait3A_109] : memref<16384x256xf32, #tpu.memory_space<hbm>> -> memref<4096x256xf32, #tpu.memory_space<hbm>>
    %dma_wait3A_111 = arith.constant 0 : i32
    %dma_wait3A_112 = arith.constant 0 : i32
    %dma_wait3A_113 = tpu.memref_slice %dma_wait3A_110[%dma_wait3A_111, %dma_wait3A_112] : memref<4096x256xf32, #tpu.memory_space<hbm>> -> memref<4096x256xf32, #tpu.memory_space<hbm>>
    tpu.wait_indirect_dma semaphore(%arg12 : memref<!tpu.dma_semaphore, #tpu.memory_space<semaphore_mem>>) src(%dma_wait3A_113 : memref<4096x256xf32, #tpu.memory_space<hbm>>) dst(%arg9 : memref<128x256xf32, #tpu.memory_space<vmem>>)
    %add3A_114 = arith.constant 0 : i32
    %add3A_115 = arith.addi %mul3A_2, %add3A_114 : i32
    %dma_start3A_116 = arith.constant 0 : i32
    %dma_start3A_117 = tpu.memref_slice %arg6[%add3A_115, %dma_start3A_116] : memref<8192x256xf32, #tpu.memory_space<hbm>> -> memref<128x256xf32, #tpu.memory_space<hbm>>
    %dma_start3A_118 = arith.constant 0 : i32
    %dma_start3A_119 = tpu.memref_slice %arg6[%add3A_115, %dma_start3A_118] : memref<8192x256xf32, #tpu.memory_space<hbm>> -> memref<128x256xf32, #tpu.memory_space<hbm>>
    tpu.enqueue_dma source(%arg9 : memref<128x256xf32, #tpu.memory_space<vmem>>) target(%dma_start3A_119 : memref<128x256xf32, #tpu.memory_space<hbm>>) target_semaphore(%arg15 : memref<!tpu.dma_semaphore, #tpu.memory_space<semaphore_mem>>)
    %dma_wait3A_120 = arith.constant 0 : i32
    %dma_wait3A_121 = tpu.memref_slice %arg5[%add3A_91, %dma_wait3A_120] : memref<8192x256xf32, #tpu.memory_space<hbm>> -> memref<128x256xf32, #tpu.memory_space<hbm>>
    %dma_wait3A_122 = arith.constant 0 : i32
    %dma_wait3A_123 = tpu.memref_slice %arg5[%add3A_91, %dma_wait3A_122] : memref<8192x256xf32, #tpu.memory_space<hbm>> -> memref<128x256xf32, #tpu.memory_space<hbm>>
    tpu.wait_dma2 semaphore(%arg14 : memref<!tpu.dma_semaphore, #tpu.memory_space<semaphore_mem>>) src(%arg8 : memref<128x256xf32, #tpu.memory_space<vmem>>) dst(%dma_wait3A_123 : memref<128x256xf32, #tpu.memory_space<hbm>>)
    %dma_start3A_124 = arith.constant 1 : i32
    %dma_start3A_125 = arith.constant 0 : i32
    %dma_start3A_126 = tpu.memref_slice %arg7[%dma_start3A_124, %dma_start3A_125] : memref<2x128xi32, #tpu.memory_space<vmem>> -> memref<1x128xi32, #tpu.memory_space<vmem>>
    %dma_start3A_127 = tpu.memref_squeeze %dma_start3A_126 : memref<1x128xi32, #tpu.memory_space<vmem>> -> memref<128xi32, #tpu.memory_space<vmem>>
    %dma_start3A_128 = arith.constant 0 : i32
    %dma_start3A_129 = tpu.memref_slice %arg3[%mul3A_22, %dma_start3A_128] : memref<16384x256xf32, #tpu.memory_space<hbm>> -> memref<4096x256xf32, #tpu.memory_space<hbm>>
    %dma_start3A_130 = arith.constant 0 : i32
    %dma_start3A_131 = arith.constant 0 : i32
    %dma_start3A_132 = tpu.memref_slice %dma_start3A_129[%dma_start3A_130, %dma_start3A_131] : memref<4096x256xf32, #tpu.memory_space<hbm>> -> memref<4096x256xf32, #tpu.memory_space<hbm>>
    tpu.enqueue_indirect_dma source(%dma_start3A_132 : memref<4096x256xf32, #tpu.memory_space<hbm>>) target(%arg8 : memref<128x256xf32, #tpu.memory_space<vmem>>) offsets(%dma_start3A_127 : memref<128xi32, #tpu.memory_space<vmem>>) semaphore(%arg11 : memref<!tpu.dma_semaphore, #tpu.memory_space<semaphore_mem>>)
    %dma_wait3A_133 = arith.constant 1 : i32
    %dma_wait3A_134 = arith.constant 0 : i32
    %dma_wait3A_135 = tpu.memref_slice %arg7[%dma_wait3A_133, %dma_wait3A_134] : memref<2x128xi32, #tpu.memory_space<vmem>> -> memref<1x128xi32, #tpu.memory_space<vmem>>
    %dma_wait3A_136 = tpu.memref_squeeze %dma_wait3A_135 : memref<1x128xi32, #tpu.memory_space<vmem>> -> memref<128xi32, #tpu.memory_space<vmem>>
    %dma_wait3A_137 = arith.constant 0 : i32
    %dma_wait3A_138 = tpu.memref_slice %arg2[%mul3A_22, %dma_wait3A_137] : memref<16384x256xf32, #tpu.memory_space<hbm>> -> memref<4096x256xf32, #tpu.memory_space<hbm>>
    %dma_wait3A_139 = arith.constant 0 : i32
    %dma_wait3A_140 = arith.constant 0 : i32
    %dma_wait3A_141 = tpu.memref_slice %dma_wait3A_138[%dma_wait3A_139, %dma_wait3A_140] : memref<4096x256xf32, #tpu.memory_space<hbm>> -> memref<4096x256xf32, #tpu.memory_space<hbm>>
    tpu.wait_indirect_dma semaphore(%arg13 : memref<!tpu.dma_semaphore, #tpu.memory_space<semaphore_mem>>) src(%dma_wait3A_141 : memref<4096x256xf32, #tpu.memory_space<hbm>>) dst(%arg10 : memref<128x256xf32, #tpu.memory_space<vmem>>)
    %add3A_142 = arith.constant 128 : i32
    %add3A_143 = arith.addi %mul3A_2, %add3A_142 : i32
    %dma_start3A_144 = arith.constant 0 : i32
    %dma_start3A_145 = tpu.memref_slice %arg5[%add3A_143, %dma_start3A_144] : memref<8192x256xf32, #tpu.memory_space<hbm>> -> memref<128x256xf32, #tpu.memory_space<hbm>>
    %dma_start3A_146 = arith.constant 0 : i32
    %dma_start3A_147 = tpu.memref_slice %arg5[%add3A_143, %dma_start3A_146] : memref<8192x256xf32, #tpu.memory_space<hbm>> -> memref<128x256xf32, #tpu.memory_space<hbm>>
    tpu.enqueue_dma source(%arg10 : memref<128x256xf32, #tpu.memory_space<vmem>>) target(%dma_start3A_147 : memref<128x256xf32, #tpu.memory_space<hbm>>) target_semaphore(%arg16 : memref<!tpu.dma_semaphore, #tpu.memory_space<semaphore_mem>>)
    %dma_wait3A_148 = arith.constant 1 : i32
    %dma_wait3A_149 = arith.constant 0 : i32
    %dma_wait3A_150 = tpu.memref_slice %arg7[%dma_wait3A_148, %dma_wait3A_149] : memref<2x128xi32, #tpu.memory_space<vmem>> -> memref<1x128xi32, #tpu.memory_space<vmem>>
    %dma_wait3A_151 = tpu.memref_squeeze %dma_wait3A_150 : memref<1x128xi32, #tpu.memory_space<vmem>> -> memref<128xi32, #tpu.memory_space<vmem>>
    %dma_wait3A_152 = arith.constant 0 : i32
    %dma_wait3A_153 = tpu.memref_slice %arg3[%mul3A_22, %dma_wait3A_152] : memref<16384x256xf32, #tpu.memory_space<hbm>> -> memref<4096x256xf32, #tpu.memory_space<hbm>>
    %dma_wait3A_154 = arith.constant 0 : i32
    %dma_wait3A_155 = arith.constant 0 : i32
    %dma_wait3A_156 = tpu.memref_slice %dma_wait3A_153[%dma_wait3A_154, %dma_wait3A_155] : memref<4096x256xf32, #tpu.memory_space<hbm>> -> memref<4096x256xf32, #tpu.memory_space<hbm>>
    tpu.wait_indirect_dma semaphore(%arg11 : memref<!tpu.dma_semaphore, #tpu.memory_space<semaphore_mem>>) src(%dma_wait3A_156 : memref<4096x256xf32, #tpu.memory_space<hbm>>) dst(%arg8 : memref<128x256xf32, #tpu.memory_space<vmem>>)
    %add3A_157 = arith.constant 128 : i32
    %add3A_158 = arith.addi %mul3A_2, %add3A_157 : i32
    %dma_start3A_159 = arith.constant 0 : i32
    %dma_start3A_160 = tpu.memref_slice %arg6[%add3A_158, %dma_start3A_159] : memref<8192x256xf32, #tpu.memory_space<hbm>> -> memref<128x256xf32, #tpu.memory_space<hbm>>
    %dma_start3A_161 = arith.constant 0 : i32
    %dma_start3A_162 = tpu.memref_slice %arg6[%add3A_158, %dma_start3A_161] : memref<8192x256xf32, #tpu.memory_space<hbm>> -> memref<128x256xf32, #tpu.memory_space<hbm>>
    tpu.enqueue_dma source(%arg8 : memref<128x256xf32, #tpu.memory_space<vmem>>) target(%dma_start3A_162 : memref<128x256xf32, #tpu.memory_space<hbm>>) target_semaphore(%arg14 : memref<!tpu.dma_semaphore, #tpu.memory_space<semaphore_mem>>)
    %dma_wait3A_163 = arith.constant 0 : i32
    %dma_wait3A_164 = tpu.memref_slice %arg6[%add3A_115, %dma_wait3A_163] : memref<8192x256xf32, #tpu.memory_space<hbm>> -> memref<128x256xf32, #tpu.memory_space<hbm>>
    %dma_wait3A_165 = arith.constant 0 : i32
    %dma_wait3A_166 = tpu.memref_slice %arg6[%add3A_115, %dma_wait3A_165] : memref<8192x256xf32, #tpu.memory_space<hbm>> -> memref<128x256xf32, #tpu.memory_space<hbm>>
    tpu.wait_dma2 semaphore(%arg15 : memref<!tpu.dma_semaphore, #tpu.memory_space<semaphore_mem>>) src(%arg9 : memref<128x256xf32, #tpu.memory_space<vmem>>) dst(%dma_wait3A_166 : memref<128x256xf32, #tpu.memory_space<hbm>>)
    %dma_wait3A_167 = arith.constant 0 : i32
    %dma_wait3A_168 = tpu.memref_slice %arg5[%add3A_143, %dma_wait3A_167] : memref<8192x256xf32, #tpu.memory_space<hbm>> -> memref<128x256xf32, #tpu.memory_space<hbm>>
    %dma_wait3A_169 = arith.constant 0 : i32
    %dma_wait3A_170 = tpu.memref_slice %arg5[%add3A_143, %dma_wait3A_169] : memref<8192x256xf32, #tpu.memory_space<hbm>> -> memref<128x256xf32, #tpu.memory_space<hbm>>
    tpu.wait_dma2 semaphore(%arg16 : memref<!tpu.dma_semaphore, #tpu.memory_space<semaphore_mem>>) src(%arg10 : memref<128x256xf32, #tpu.memory_space<vmem>>) dst(%dma_wait3A_170 : memref<128x256xf32, #tpu.memory_space<hbm>>)
    %dma_wait3A_171 = arith.constant 0 : i32
    %dma_wait3A_172 = tpu.memref_slice %arg6[%add3A_158, %dma_wait3A_171] : memref<8192x256xf32, #tpu.memory_space<hbm>> -> memref<128x256xf32, #tpu.memory_space<hbm>>
    %dma_wait3A_173 = arith.constant 0 : i32
    %dma_wait3A_174 = tpu.memref_slice %arg6[%add3A_158, %dma_wait3A_173] : memref<8192x256xf32, #tpu.memory_space<hbm>> -> memref<128x256xf32, #tpu.memory_space<hbm>>
    tpu.wait_dma2 semaphore(%arg14 : memref<!tpu.dma_semaphore, #tpu.memory_space<semaphore_mem>>) src(%arg8 : memref<128x256xf32, #tpu.memory_space<vmem>>) dst(%dma_wait3A_174 : memref<128x256xf32, #tpu.memory_space<hbm>>)
    return
  }
}

#map = affine_map<(d0, d1) -> (0, 0)>
#map1 = affine_map<(d0, d1) -> (0, 0, 0)>
module attributes {stable_mosaic.version = 14 : i64} {
  func.func @sc_gather(%arg0: i32, %arg1: i32, %arg2: memref<16384x256xf32, #tpu.memory_space<hbm>>, %arg3: memref<16384x256xf32, #tpu.memory_space<hbm>>, %arg4: memref<32x4x128xi32, #tpu.memory_space<hbm>>, %arg5: memref<8192x256xf32, #tpu.memory_space<hbm>>, %arg6: memref<8192x256xf32, #tpu.memory_space<hbm>>, %arg7: memref<2x128xi32, #tpu.memory_space<vmem>>, %arg8: memref<128x256xf32, #tpu.memory_space<vmem>>, %arg9: memref<128x256xf32, #tpu.memory_space<vmem>>, %arg10: memref<128x256xf32, #tpu.memory_space<vmem>>, %arg11: memref<!tpu.dma_semaphore, #tpu.memory_space<semaphore_mem>>, %arg12: memref<!tpu.dma_semaphore, #tpu.memory_space<semaphore_mem>>, %arg13: memref<!tpu.dma_semaphore, #tpu.memory_space<semaphore_mem>>, %arg14: memref<!tpu.dma_semaphore, #tpu.memory_space<semaphore_mem>>, %arg15: memref<!tpu.dma_semaphore, #tpu.memory_space<semaphore_mem>>, %arg16: memref<!tpu.dma_semaphore, #tpu.memory_space<semaphore_mem>>) attributes {dimension_semantics = [#tpu.dimension_semantics<core_parallel>, #tpu.dimension_semantics<subcore_parallel>], iteration_bounds = array<i64: 2, 16>, scalar_prefetch = 0 : i64, scratch_operands = 10 : i64, tpu.core_type = #tpu.core_type<sc_vector_subcore>, window_params = [{transform_indices = #map}, {transform_indices = #map}, {transform_indices = #map1}, {transform_indices = #map}, {transform_indices = #map}]} {
    %mul3A = arith.constant 2 : i32
    %mul3A_0 = arith.muli %arg1, %mul3A : i32
    %add3A = arith.addi %mul3A_0, %arg0 : i32
    %mul3A_1 = arith.constant 256 : i32
    %mul3A_2 = arith.muli %add3A, %mul3A_1 : i32
    %jit3A = arith.constant 16 : i32
    %div3A = arith.divsi %add3A, %jit3A : i32
    %sign3A = arith.constant 0 : i32
    %sign3A_3 = arith.cmpi sgt, %add3A, %sign3A : i32
    %sign3A_4 = arith.extui %sign3A_3 : i1 to i32
    %sign3A_5 = arith.constant 0 : i32
    %sign3A_6 = arith.cmpi slt, %add3A, %sign3A_5 : i32
    %sign3A_7 = arith.extui %sign3A_6 : i1 to i32
    %sign3A_8 = arith.subi %sign3A_4, %sign3A_7 : i32
    %sign3A_9 = arith.constant 0 : i32
    %sign3A_10 = arith.cmpi sgt, %jit3A, %sign3A_9 : i32
    %sign3A_11 = arith.extui %sign3A_10 : i1 to i32
    %sign3A_12 = arith.constant 0 : i32
    %sign3A_13 = arith.cmpi slt, %jit3A, %sign3A_12 : i32
    %sign3A_14 = arith.extui %sign3A_13 : i1 to i32
    %sign3A_15 = arith.subi %sign3A_11, %sign3A_14 : i32
    %ne3A = arith.cmpi ne, %sign3A_8, %sign3A_15 : i32
    %rem3A = arith.remsi %add3A, %jit3A : i32
    %ne3A_16 = arith.constant 0 : i32
    %ne3A_17 = arith.cmpi ne, %rem3A, %ne3A_16 : i32
    %and3A = arith.andi %ne3A, %ne3A_17 : i1
    %sub3A = arith.constant 1 : i32
    %sub3A_18 = arith.subi %div3A, %sub3A : i32
    %select_n3A = arith.select %and3A, %sub3A_18, %div3A : i32
    %add3A_19 = arith.constant 2 : i32
    %add3A_20 = arith.addi %add3A_19, %select_n3A : i32
    %mul3A_21 = arith.constant 4096 : i32
    %mul3A_22 = arith.muli %add3A_20, %mul3A_21 : i32
    %jit3A_23 = arith.constant 2 : i32
    %div3A_24 = arith.divsi %add3A, %jit3A_23 : i32
    %sign3A_25 = arith.constant 0 : i32
    %sign3A_26 = arith.cmpi sgt, %add3A, %sign3A_25 : i32
    %sign3A_27 = arith.extui %sign3A_26 : i1 to i32
    %sign3A_28 = arith.constant 0 : i32
    %sign3A_29 = arith.cmpi slt, %add3A, %sign3A_28 : i32
    %sign3A_30 = arith.extui %sign3A_29 : i1 to i32
    %sign3A_31 = arith.subi %sign3A_27, %sign3A_30 : i32
    %sign3A_32 = arith.constant 0 : i32
    %sign3A_33 = arith.cmpi sgt, %jit3A_23, %sign3A_32 : i32
    %sign3A_34 = arith.extui %sign3A_33 : i1 to i32
    %sign3A_35 = arith.constant 0 : i32
    %sign3A_36 = arith.cmpi slt, %jit3A_23, %sign3A_35 : i32
    %sign3A_37 = arith.extui %sign3A_36 : i1 to i32
    %sign3A_38 = arith.subi %sign3A_34, %sign3A_37 : i32
    %ne3A_39 = arith.cmpi ne, %sign3A_31, %sign3A_38 : i32
    %rem3A_40 = arith.remsi %add3A, %jit3A_23 : i32
    %ne3A_41 = arith.constant 0 : i32
    %ne3A_42 = arith.cmpi ne, %rem3A_40, %ne3A_41 : i32
    %and3A_43 = arith.andi %ne3A_39, %ne3A_42 : i1
    %sub3A_44 = arith.constant 1 : i32
    %sub3A_45 = arith.subi %div3A_24, %sub3A_44 : i32
    %select_n3A_46 = arith.select %and3A_43, %sub3A_45, %div3A_24 : i32
    %add3A_47 = arith.constant 16 : i32
    %add3A_48 = arith.addi %add3A_47, %select_n3A_46 : i32
    %jit3A_49 = arith.constant 2 : i32
    %eq3A = arith.constant 0 : i32
    %eq3A_50 = arith.cmpi eq, %jit3A_49, %eq3A : i32
    %jit3A_51 = arith.constant 1 : i32
    %select_n3A_52 = arith.select %eq3A_50, %jit3A_51, %jit3A_49 : i32
    %rem3A_53 = arith.remsi %add3A, %select_n3A_52 : i32
    %ne3A_54 = arith.constant 0 : i32
    %ne3A_55 = arith.cmpi ne, %rem3A_53, %ne3A_54 : i32
    %lt3A = arith.constant 0 : i32
    %lt3A_56 = arith.cmpi slt, %rem3A_53, %lt3A : i32
    %lt3A_57 = arith.constant 0 : i32
    %lt3A_58 = arith.cmpi slt, %select_n3A_52, %lt3A_57 : i32
    %ne3A_59 = arith.xori %lt3A_56, %lt3A_58 : i1
    %and3A_60 = arith.andi %ne3A_59, %ne3A_55 : i1
    %add3A_61 = arith.addi %rem3A_53, %select_n3A_52 : i32
    %select_n3A_62 = arith.select %and3A_60, %add3A_61, %rem3A_53 : i32
    %mul3A_63 = arith.constant 2 : i32
    %mul3A_64 = arith.muli %select_n3A_62, %mul3A_63 : i32
    "tpu.region"() ({
      %run_scoped3A = tpu.sem_alloc : memref<!tpu.dma_semaphore, #tpu.memory_space<semaphore_mem>>
      %dma_start3A_175 = arith.constant 0 : i32
      %dma_start3A_176 = tpu.memref_slice %arg4[%add3A_48, %mul3A_64, %dma_start3A_175] : memref<32x4x128xi32, #tpu.memory_space<hbm>> -> memref<1x2x128xi32, #tpu.memory_space<hbm>>
      %dma_start3A_177 = tpu.memref_squeeze %dma_start3A_176 : memref<1x2x128xi32, #tpu.memory_space<hbm>> -> memref<2x128xi32, #tpu.memory_space<hbm>>
      %dma_start3A_178 = arith.constant 0 : i32
      %dma_start3A_179 = tpu.memref_slice %arg4[%add3A_48, %mul3A_64, %dma_start3A_178] : memref<32x4x128xi32, #tpu.memory_space<hbm>> -> memref<1x2x128xi32, #tpu.memory_space<hbm>>
      %dma_start3A_180 = tpu.memref_squeeze %dma_start3A_179 : memref<1x2x128xi32, #tpu.memory_space<hbm>> -> memref<2x128xi32, #tpu.memory_space<hbm>>
      tpu.enqueue_dma source(%dma_start3A_180 : memref<2x128xi32, #tpu.memory_space<hbm>>) target(%arg7 : memref<2x128xi32, #tpu.memory_space<vmem>>) target_semaphore(%run_scoped3A : memref<!tpu.dma_semaphore, #tpu.memory_space<semaphore_mem>>)
      %dma_wait3A_181 = arith.constant 0 : i32
      %dma_wait3A_182 = tpu.memref_slice %arg4[%add3A_48, %mul3A_64, %dma_wait3A_181] : memref<32x4x128xi32, #tpu.memory_space<hbm>> -> memref<1x2x128xi32, #tpu.memory_space<hbm>>
      %dma_wait3A_183 = tpu.memref_squeeze %dma_wait3A_182 : memref<1x2x128xi32, #tpu.memory_space<hbm>> -> memref<2x128xi32, #tpu.memory_space<hbm>>
      %dma_wait3A_184 = arith.constant 0 : i32
      %dma_wait3A_185 = tpu.memref_slice %arg4[%add3A_48, %mul3A_64, %dma_wait3A_184] : memref<32x4x128xi32, #tpu.memory_space<hbm>> -> memref<1x2x128xi32, #tpu.memory_space<hbm>>
      %dma_wait3A_186 = tpu.memref_squeeze %dma_wait3A_185 : memref<1x2x128xi32, #tpu.memory_space<hbm>> -> memref<2x128xi32, #tpu.memory_space<hbm>>
      tpu.wait_dma2 semaphore(%run_scoped3A : memref<!tpu.dma_semaphore, #tpu.memory_space<semaphore_mem>>) src(%dma_wait3A_186 : memref<2x128xi32, #tpu.memory_space<hbm>>) dst(%arg7 : memref<2x128xi32, #tpu.memory_space<vmem>>)
      tpu.yield
    }) : () -> ()
    %dma_start3A = arith.constant 0 : i32
    %dma_start3A_65 = arith.constant 0 : i32
    %dma_start3A_66 = tpu.memref_slice %arg7[%dma_start3A, %dma_start3A_65] : memref<2x128xi32, #tpu.memory_space<vmem>> -> memref<1x128xi32, #tpu.memory_space<vmem>>
    %dma_start3A_67 = tpu.memref_squeeze %dma_start3A_66 : memref<1x128xi32, #tpu.memory_space<vmem>> -> memref<128xi32, #tpu.memory_space<vmem>>
    %dma_start3A_68 = arith.constant 0 : i32
    %dma_start3A_69 = tpu.memref_slice %arg2[%mul3A_22, %dma_start3A_68] : memref<16384x256xf32, #tpu.memory_space<hbm>> -> memref<4096x256xf32, #tpu.memory_space<hbm>>
    %dma_start3A_70 = arith.constant 0 : i32
    %dma_start3A_71 = arith.constant 0 : i32
    %dma_start3A_72 = tpu.memref_slice %dma_start3A_69[%dma_start3A_70, %dma_start3A_71] : memref<4096x256xf32, #tpu.memory_space<hbm>> -> memref<4096x256xf32, #tpu.memory_space<hbm>>
    tpu.enqueue_indirect_dma source(%dma_start3A_72 : memref<4096x256xf32, #tpu.memory_space<hbm>>) target(%arg8 : memref<128x256xf32, #tpu.memory_space<vmem>>) offsets(%dma_start3A_67 : memref<128xi32, #tpu.memory_space<vmem>>) semaphore(%arg11 : memref<!tpu.dma_semaphore, #tpu.memory_space<semaphore_mem>>)
    %dma_start3A_73 = arith.constant 0 : i32
    %dma_start3A_74 = arith.constant 0 : i32
    %dma_start3A_75 = tpu.memref_slice %arg7[%dma_start3A_73, %dma_start3A_74] : memref<2x128xi32, #tpu.memory_space<vmem>> -> memref<1x128xi32, #tpu.memory_space<vmem>>
    %dma_start3A_76 = tpu.memref_squeeze %dma_start3A_75 : memref<1x128xi32, #tpu.memory_space<vmem>> -> memref<128xi32, #tpu.memory_space<vmem>>
    %dma_start3A_77 = arith.constant 0 : i32
    %dma_start3A_78 = tpu.memref_slice %arg3[%mul3A_22, %dma_start3A_77] : memref<16384x256xf32, #tpu.memory_space<hbm>> -> memref<4096x256xf32, #tpu.memory_space<hbm>>
    %dma_start3A_79 = arith.constant 0 : i32
    %dma_start3A_80 = arith.constant 0 : i32
    %dma_start3A_81 = tpu.memref_slice %dma_start3A_78[%dma_start3A_79, %dma_start3A_80] : memref<4096x256xf32, #tpu.memory_space<hbm>> -> memref<4096x256xf32, #tpu.memory_space<hbm>>
    tpu.enqueue_indirect_dma source(%dma_start3A_81 : memref<4096x256xf32, #tpu.memory_space<hbm>>) target(%arg9 : memref<128x256xf32, #tpu.memory_space<vmem>>) offsets(%dma_start3A_76 : memref<128xi32, #tpu.memory_space<vmem>>) semaphore(%arg12 : memref<!tpu.dma_semaphore, #tpu.memory_space<semaphore_mem>>)
    %dma_wait3A = arith.constant 0 : i32
    %dma_wait3A_82 = arith.constant 0 : i32
    %dma_wait3A_83 = tpu.memref_slice %arg7[%dma_wait3A, %dma_wait3A_82] : memref<2x128xi32, #tpu.memory_space<vmem>> -> memref<1x128xi32, #tpu.memory_space<vmem>>
    %dma_wait3A_84 = tpu.memref_squeeze %dma_wait3A_83 : memref<1x128xi32, #tpu.memory_space<vmem>> -> memref<128xi32, #tpu.memory_space<vmem>>
    %dma_wait3A_85 = arith.constant 0 : i32
    %dma_wait3A_86 = tpu.memref_slice %arg2[%mul3A_22, %dma_wait3A_85] : memref<16384x256xf32, #tpu.memory_space<hbm>> -> memref<4096x256xf32, #tpu.memory_space<hbm>>
    %dma_wait3A_87 = arith.constant 0 : i32
    %dma_wait3A_88 = arith.constant 0 : i32
    %dma_wait3A_89 = tpu.memref_slice %dma_wait3A_86[%dma_wait3A_87, %dma_wait3A_88] : memref<4096x256xf32, #tpu.memory_space<hbm>> -> memref<4096x256xf32, #tpu.memory_space<hbm>>
    tpu.wait_indirect_dma semaphore(%arg11 : memref<!tpu.dma_semaphore, #tpu.memory_space<semaphore_mem>>) src(%dma_wait3A_89 : memref<4096x256xf32, #tpu.memory_space<hbm>>) dst(%arg8 : memref<128x256xf32, #tpu.memory_space<vmem>>)
    %add3A_90 = arith.constant 0 : i32
    %add3A_91 = arith.addi %mul3A_2, %add3A_90 : i32
    %dma_start3A_92 = arith.constant 0 : i32
    %dma_start3A_93 = tpu.memref_slice %arg5[%add3A_91, %dma_start3A_92] : memref<8192x256xf32, #tpu.memory_space<hbm>> -> memref<128x256xf32, #tpu.memory_space<hbm>>
    %dma_start3A_94 = arith.constant 0 : i32
    %dma_start3A_95 = tpu.memref_slice %arg5[%add3A_91, %dma_start3A_94] : memref<8192x256xf32, #tpu.memory_space<hbm>> -> memref<128x256xf32, #tpu.memory_space<hbm>>
    tpu.enqueue_dma source(%arg8 : memref<128x256xf32, #tpu.memory_space<vmem>>) target(%dma_start3A_95 : memref<128x256xf32, #tpu.memory_space<hbm>>) target_semaphore(%arg14 : memref<!tpu.dma_semaphore, #tpu.memory_space<semaphore_mem>>)
    %dma_start3A_96 = arith.constant 1 : i32
    %dma_start3A_97 = arith.constant 0 : i32
    %dma_start3A_98 = tpu.memref_slice %arg7[%dma_start3A_96, %dma_start3A_97] : memref<2x128xi32, #tpu.memory_space<vmem>> -> memref<1x128xi32, #tpu.memory_space<vmem>>
    %dma_start3A_99 = tpu.memref_squeeze %dma_start3A_98 : memref<1x128xi32, #tpu.memory_space<vmem>> -> memref<128xi32, #tpu.memory_space<vmem>>
    %dma_start3A_100 = arith.constant 0 : i32
    %dma_start3A_101 = tpu.memref_slice %arg2[%mul3A_22, %dma_start3A_100] : memref<16384x256xf32, #tpu.memory_space<hbm>> -> memref<4096x256xf32, #tpu.memory_space<hbm>>
    %dma_start3A_102 = arith.constant 0 : i32
    %dma_start3A_103 = arith.constant 0 : i32
    %dma_start3A_104 = tpu.memref_slice %dma_start3A_101[%dma_start3A_102, %dma_start3A_103] : memref<4096x256xf32, #tpu.memory_space<hbm>> -> memref<4096x256xf32, #tpu.memory_space<hbm>>
    tpu.enqueue_indirect_dma source(%dma_start3A_104 : memref<4096x256xf32, #tpu.memory_space<hbm>>) target(%arg10 : memref<128x256xf32, #tpu.memory_space<vmem>>) offsets(%dma_start3A_99 : memref<128xi32, #tpu.memory_space<vmem>>) semaphore(%arg13 : memref<!tpu.dma_semaphore, #tpu.memory_space<semaphore_mem>>)
    %dma_wait3A_105 = arith.constant 0 : i32
    %dma_wait3A_106 = arith.constant 0 : i32
    %dma_wait3A_107 = tpu.memref_slice %arg7[%dma_wait3A_105, %dma_wait3A_106] : memref<2x128xi32, #tpu.memory_space<vmem>> -> memref<1x128xi32, #tpu.memory_space<vmem>>
    %dma_wait3A_108 = tpu.memref_squeeze %dma_wait3A_107 : memref<1x128xi32, #tpu.memory_space<vmem>> -> memref<128xi32, #tpu.memory_space<vmem>>
    %dma_wait3A_109 = arith.constant 0 : i32
    %dma_wait3A_110 = tpu.memref_slice %arg3[%mul3A_22, %dma_wait3A_109] : memref<16384x256xf32, #tpu.memory_space<hbm>> -> memref<4096x256xf32, #tpu.memory_space<hbm>>
    %dma_wait3A_111 = arith.constant 0 : i32
    %dma_wait3A_112 = arith.constant 0 : i32
    %dma_wait3A_113 = tpu.memref_slice %dma_wait3A_110[%dma_wait3A_111, %dma_wait3A_112] : memref<4096x256xf32, #tpu.memory_space<hbm>> -> memref<4096x256xf32, #tpu.memory_space<hbm>>
    tpu.wait_indirect_dma semaphore(%arg12 : memref<!tpu.dma_semaphore, #tpu.memory_space<semaphore_mem>>) src(%dma_wait3A_113 : memref<4096x256xf32, #tpu.memory_space<hbm>>) dst(%arg9 : memref<128x256xf32, #tpu.memory_space<vmem>>)
    %add3A_114 = arith.constant 0 : i32
    %add3A_115 = arith.addi %mul3A_2, %add3A_114 : i32
    %dma_start3A_116 = arith.constant 0 : i32
    %dma_start3A_117 = tpu.memref_slice %arg6[%add3A_115, %dma_start3A_116] : memref<8192x256xf32, #tpu.memory_space<hbm>> -> memref<128x256xf32, #tpu.memory_space<hbm>>
    %dma_start3A_118 = arith.constant 0 : i32
    %dma_start3A_119 = tpu.memref_slice %arg6[%add3A_115, %dma_start3A_118] : memref<8192x256xf32, #tpu.memory_space<hbm>> -> memref<128x256xf32, #tpu.memory_space<hbm>>
    tpu.enqueue_dma source(%arg9 : memref<128x256xf32, #tpu.memory_space<vmem>>) target(%dma_start3A_119 : memref<128x256xf32, #tpu.memory_space<hbm>>) target_semaphore(%arg15 : memref<!tpu.dma_semaphore, #tpu.memory_space<semaphore_mem>>)
    %dma_wait3A_120 = arith.constant 0 : i32
    %dma_wait3A_121 = tpu.memref_slice %arg5[%add3A_91, %dma_wait3A_120] : memref<8192x256xf32, #tpu.memory_space<hbm>> -> memref<128x256xf32, #tpu.memory_space<hbm>>
    %dma_wait3A_122 = arith.constant 0 : i32
    %dma_wait3A_123 = tpu.memref_slice %arg5[%add3A_91, %dma_wait3A_122] : memref<8192x256xf32, #tpu.memory_space<hbm>> -> memref<128x256xf32, #tpu.memory_space<hbm>>
    tpu.wait_dma2 semaphore(%arg14 : memref<!tpu.dma_semaphore, #tpu.memory_space<semaphore_mem>>) src(%arg8 : memref<128x256xf32, #tpu.memory_space<vmem>>) dst(%dma_wait3A_123 : memref<128x256xf32, #tpu.memory_space<hbm>>)
    %dma_start3A_124 = arith.constant 1 : i32
    %dma_start3A_125 = arith.constant 0 : i32
    %dma_start3A_126 = tpu.memref_slice %arg7[%dma_start3A_124, %dma_start3A_125] : memref<2x128xi32, #tpu.memory_space<vmem>> -> memref<1x128xi32, #tpu.memory_space<vmem>>
    %dma_start3A_127 = tpu.memref_squeeze %dma_start3A_126 : memref<1x128xi32, #tpu.memory_space<vmem>> -> memref<128xi32, #tpu.memory_space<vmem>>
    %dma_start3A_128 = arith.constant 0 : i32
    %dma_start3A_129 = tpu.memref_slice %arg3[%mul3A_22, %dma_start3A_128] : memref<16384x256xf32, #tpu.memory_space<hbm>> -> memref<4096x256xf32, #tpu.memory_space<hbm>>
    %dma_start3A_130 = arith.constant 0 : i32
    %dma_start3A_131 = arith.constant 0 : i32
    %dma_start3A_132 = tpu.memref_slice %dma_start3A_129[%dma_start3A_130, %dma_start3A_131] : memref<4096x256xf32, #tpu.memory_space<hbm>> -> memref<4096x256xf32, #tpu.memory_space<hbm>>
    tpu.enqueue_indirect_dma source(%dma_start3A_132 : memref<4096x256xf32, #tpu.memory_space<hbm>>) target(%arg8 : memref<128x256xf32, #tpu.memory_space<vmem>>) offsets(%dma_start3A_127 : memref<128xi32, #tpu.memory_space<vmem>>) semaphore(%arg11 : memref<!tpu.dma_semaphore, #tpu.memory_space<semaphore_mem>>)
    %dma_wait3A_133 = arith.constant 1 : i32
    %dma_wait3A_134 = arith.constant 0 : i32
    %dma_wait3A_135 = tpu.memref_slice %arg7[%dma_wait3A_133, %dma_wait3A_134] : memref<2x128xi32, #tpu.memory_space<vmem>> -> memref<1x128xi32, #tpu.memory_space<vmem>>
    %dma_wait3A_136 = tpu.memref_squeeze %dma_wait3A_135 : memref<1x128xi32, #tpu.memory_space<vmem>> -> memref<128xi32, #tpu.memory_space<vmem>>
    %dma_wait3A_137 = arith.constant 0 : i32
    %dma_wait3A_138 = tpu.memref_slice %arg2[%mul3A_22, %dma_wait3A_137] : memref<16384x256xf32, #tpu.memory_space<hbm>> -> memref<4096x256xf32, #tpu.memory_space<hbm>>
    %dma_wait3A_139 = arith.constant 0 : i32
    %dma_wait3A_140 = arith.constant 0 : i32
    %dma_wait3A_141 = tpu.memref_slice %dma_wait3A_138[%dma_wait3A_139, %dma_wait3A_140] : memref<4096x256xf32, #tpu.memory_space<hbm>> -> memref<4096x256xf32, #tpu.memory_space<hbm>>
    tpu.wait_indirect_dma semaphore(%arg13 : memref<!tpu.dma_semaphore, #tpu.memory_space<semaphore_mem>>) src(%dma_wait3A_141 : memref<4096x256xf32, #tpu.memory_space<hbm>>) dst(%arg10 : memref<128x256xf32, #tpu.memory_space<vmem>>)
    %add3A_142 = arith.constant 128 : i32
    %add3A_143 = arith.addi %mul3A_2, %add3A_142 : i32
    %dma_start3A_144 = arith.constant 0 : i32
    %dma_start3A_145 = tpu.memref_slice %arg5[%add3A_143, %dma_start3A_144] : memref<8192x256xf32, #tpu.memory_space<hbm>> -> memref<128x256xf32, #tpu.memory_space<hbm>>
    %dma_start3A_146 = arith.constant 0 : i32
    %dma_start3A_147 = tpu.memref_slice %arg5[%add3A_143, %dma_start3A_146] : memref<8192x256xf32, #tpu.memory_space<hbm>> -> memref<128x256xf32, #tpu.memory_space<hbm>>
    tpu.enqueue_dma source(%arg10 : memref<128x256xf32, #tpu.memory_space<vmem>>) target(%dma_start3A_147 : memref<128x256xf32, #tpu.memory_space<hbm>>) target_semaphore(%arg16 : memref<!tpu.dma_semaphore, #tpu.memory_space<semaphore_mem>>)
    %dma_wait3A_148 = arith.constant 1 : i32
    %dma_wait3A_149 = arith.constant 0 : i32
    %dma_wait3A_150 = tpu.memref_slice %arg7[%dma_wait3A_148, %dma_wait3A_149] : memref<2x128xi32, #tpu.memory_space<vmem>> -> memref<1x128xi32, #tpu.memory_space<vmem>>
    %dma_wait3A_151 = tpu.memref_squeeze %dma_wait3A_150 : memref<1x128xi32, #tpu.memory_space<vmem>> -> memref<128xi32, #tpu.memory_space<vmem>>
    %dma_wait3A_152 = arith.constant 0 : i32
    %dma_wait3A_153 = tpu.memref_slice %arg3[%mul3A_22, %dma_wait3A_152] : memref<16384x256xf32, #tpu.memory_space<hbm>> -> memref<4096x256xf32, #tpu.memory_space<hbm>>
    %dma_wait3A_154 = arith.constant 0 : i32
    %dma_wait3A_155 = arith.constant 0 : i32
    %dma_wait3A_156 = tpu.memref_slice %dma_wait3A_153[%dma_wait3A_154, %dma_wait3A_155] : memref<4096x256xf32, #tpu.memory_space<hbm>> -> memref<4096x256xf32, #tpu.memory_space<hbm>>
    tpu.wait_indirect_dma semaphore(%arg11 : memref<!tpu.dma_semaphore, #tpu.memory_space<semaphore_mem>>) src(%dma_wait3A_156 : memref<4096x256xf32, #tpu.memory_space<hbm>>) dst(%arg8 : memref<128x256xf32, #tpu.memory_space<vmem>>)
    %add3A_157 = arith.constant 128 : i32
    %add3A_158 = arith.addi %mul3A_2, %add3A_157 : i32
    %dma_start3A_159 = arith.constant 0 : i32
    %dma_start3A_160 = tpu.memref_slice %arg6[%add3A_158, %dma_start3A_159] : memref<8192x256xf32, #tpu.memory_space<hbm>> -> memref<128x256xf32, #tpu.memory_space<hbm>>
    %dma_start3A_161 = arith.constant 0 : i32
    %dma_start3A_162 = tpu.memref_slice %arg6[%add3A_158, %dma_start3A_161] : memref<8192x256xf32, #tpu.memory_space<hbm>> -> memref<128x256xf32, #tpu.memory_space<hbm>>
    tpu.enqueue_dma source(%arg8 : memref<128x256xf32, #tpu.memory_space<vmem>>) target(%dma_start3A_162 : memref<128x256xf32, #tpu.memory_space<hbm>>) target_semaphore(%arg14 : memref<!tpu.dma_semaphore, #tpu.memory_space<semaphore_mem>>)
    %dma_wait3A_163 = arith.constant 0 : i32
    %dma_wait3A_164 = tpu.memref_slice %arg6[%add3A_115, %dma_wait3A_163] : memref<8192x256xf32, #tpu.memory_space<hbm>> -> memref<128x256xf32, #tpu.memory_space<hbm>>
    %dma_wait3A_165 = arith.constant 0 : i32
    %dma_wait3A_166 = tpu.memref_slice %arg6[%add3A_115, %dma_wait3A_165] : memref<8192x256xf32, #tpu.memory_space<hbm>> -> memref<128x256xf32, #tpu.memory_space<hbm>>
    tpu.wait_dma2 semaphore(%arg15 : memref<!tpu.dma_semaphore, #tpu.memory_space<semaphore_mem>>) src(%arg9 : memref<128x256xf32, #tpu.memory_space<vmem>>) dst(%dma_wait3A_166 : memref<128x256xf32, #tpu.memory_space<hbm>>)
    %dma_wait3A_167 = arith.constant 0 : i32
    %dma_wait3A_168 = tpu.memref_slice %arg5[%add3A_143, %dma_wait3A_167] : memref<8192x256xf32, #tpu.memory_space<hbm>> -> memref<128x256xf32, #tpu.memory_space<hbm>>
    %dma_wait3A_169 = arith.constant 0 : i32
    %dma_wait3A_170 = tpu.memref_slice %arg5[%add3A_143, %dma_wait3A_169] : memref<8192x256xf32, #tpu.memory_space<hbm>> -> memref<128x256xf32, #tpu.memory_space<hbm>>
    tpu.wait_dma2 semaphore(%arg16 : memref<!tpu.dma_semaphore, #tpu.memory_space<semaphore_mem>>) src(%arg10 : memref<128x256xf32, #tpu.memory_space<vmem>>) dst(%dma_wait3A_170 : memref<128x256xf32, #tpu.memory_space<hbm>>)
    %dma_wait3A_171 = arith.constant 0 : i32
    %dma_wait3A_172 = tpu.memref_slice %arg6[%add3A_158, %dma_wait3A_171] : memref<8192x256xf32, #tpu.memory_space<hbm>> -> memref<128x256xf32, #tpu.memory_space<hbm>>
    %dma_wait3A_173 = arith.constant 0 : i32
    %dma_wait3A_174 = tpu.memref_slice %arg6[%add3A_158, %dma_wait3A_173] : memref<8192x256xf32, #tpu.memory_space<hbm>> -> memref<128x256xf32, #tpu.memory_space<hbm>>
    tpu.wait_dma2 semaphore(%arg14 : memref<!tpu.dma_semaphore, #tpu.memory_space<semaphore_mem>>) src(%arg8 : memref<128x256xf32, #tpu.memory_space<vmem>>) dst(%dma_wait3A_174 : memref<128x256xf32, #tpu.memory_space<hbm>>)
    return
  }
}

#map = affine_map<(d0, d1) -> (0, 0)>
#map1 = affine_map<(d0, d1) -> (0, 0, 0)>
module attributes {stable_mosaic.version = 14 : i64} {
  func.func @sc_scatter(%arg0: i32, %arg1: i32, %arg2: memref<8192x256xf32, #tpu.memory_space<hbm>>, %arg3: memref<8192x256xf32, #tpu.memory_space<hbm>>, %arg4: memref<32x4x128xi32, #tpu.memory_space<hbm>>, %arg5: memref<16384x256xf32, #tpu.memory_space<hbm>>, %arg6: memref<4x128xi32, #tpu.memory_space<vmem>>, %arg7: memref<128x256xf32, #tpu.memory_space<vmem>>, %arg8: memref<128x256xf32, #tpu.memory_space<vmem>>, %arg9: memref<!tpu.dma_semaphore, #tpu.memory_space<semaphore_mem>>, %arg10: memref<!tpu.dma_semaphore, #tpu.memory_space<semaphore_mem>>, %arg11: memref<!tpu.dma_semaphore, #tpu.memory_space<semaphore_mem>>, %arg12: memref<!tpu.dma_semaphore, #tpu.memory_space<semaphore_mem>>) attributes {dimension_semantics = [#tpu.dimension_semantics<core_parallel>, #tpu.dimension_semantics<subcore_parallel>], iteration_bounds = array<i64: 2, 16>, scalar_prefetch = 0 : i64, scratch_operands = 7 : i64, tpu.core_type = #tpu.core_type<sc_vector_subcore>, window_params = [{transform_indices = #map}, {transform_indices = #map}, {transform_indices = #map1}, {transform_indices = #map}]} {
    %mul3A = arith.constant 2 : i32
    %mul3A_0 = arith.muli %arg1, %mul3A : i32
    %add3A = arith.addi %mul3A_0, %arg0 : i32
    %jit3A = arith.constant 8 : i32
    %div3A = arith.divsi %add3A, %jit3A : i32
    %sign3A = arith.constant 0 : i32
    %sign3A_1 = arith.cmpi sgt, %add3A, %sign3A : i32
    %sign3A_2 = arith.extui %sign3A_1 : i1 to i32
    %sign3A_3 = arith.constant 0 : i32
    %sign3A_4 = arith.cmpi slt, %add3A, %sign3A_3 : i32
    %sign3A_5 = arith.extui %sign3A_4 : i1 to i32
    %sign3A_6 = arith.subi %sign3A_2, %sign3A_5 : i32
    %sign3A_7 = arith.constant 0 : i32
    %sign3A_8 = arith.cmpi sgt, %jit3A, %sign3A_7 : i32
    %sign3A_9 = arith.extui %sign3A_8 : i1 to i32
    %sign3A_10 = arith.constant 0 : i32
    %sign3A_11 = arith.cmpi slt, %jit3A, %sign3A_10 : i32
    %sign3A_12 = arith.extui %sign3A_11 : i1 to i32
    %sign3A_13 = arith.subi %sign3A_9, %sign3A_12 : i32
    %ne3A = arith.cmpi ne, %sign3A_6, %sign3A_13 : i32
    %rem3A = arith.remsi %add3A, %jit3A : i32
    %ne3A_14 = arith.constant 0 : i32
    %ne3A_15 = arith.cmpi ne, %rem3A, %ne3A_14 : i32
    %and3A = arith.andi %ne3A, %ne3A_15 : i1
    %sub3A = arith.constant 1 : i32
    %sub3A_16 = arith.subi %div3A, %sub3A : i32
    %select_n3A = arith.select %and3A, %sub3A_16, %div3A : i32
    %mul3A_17 = arith.constant 4096 : i32
    %mul3A_18 = arith.muli %select_n3A, %mul3A_17 : i32
    "tpu.region"() ({
      %run_scoped3A = tpu.sem_alloc : memref<!tpu.dma_semaphore, #tpu.memory_space<semaphore_mem>>
      %dma_start3A = arith.constant 0 : i32
      %dma_start3A_25 = arith.constant 0 : i32
      %dma_start3A_26 = tpu.memref_slice %arg4[%add3A, %dma_start3A, %dma_start3A_25] : memref<32x4x128xi32, #tpu.memory_space<hbm>> -> memref<1x4x128xi32, #tpu.memory_space<hbm>>
      %dma_start3A_27 = tpu.memref_squeeze %dma_start3A_26 : memref<1x4x128xi32, #tpu.memory_space<hbm>> -> memref<4x128xi32, #tpu.memory_space<hbm>>
      %dma_start3A_28 = arith.constant 0 : i32
      %dma_start3A_29 = arith.constant 0 : i32
      %dma_start3A_30 = tpu.memref_slice %arg4[%add3A, %dma_start3A_28, %dma_start3A_29] : memref<32x4x128xi32, #tpu.memory_space<hbm>> -> memref<1x4x128xi32, #tpu.memory_space<hbm>>
      %dma_start3A_31 = tpu.memref_squeeze %dma_start3A_30 : memref<1x4x128xi32, #tpu.memory_space<hbm>> -> memref<4x128xi32, #tpu.memory_space<hbm>>
      tpu.enqueue_dma source(%dma_start3A_31 : memref<4x128xi32, #tpu.memory_space<hbm>>) target(%arg6 : memref<4x128xi32, #tpu.memory_space<vmem>>) target_semaphore(%run_scoped3A : memref<!tpu.dma_semaphore, #tpu.memory_space<semaphore_mem>>)
      %dma_wait3A = arith.constant 0 : i32
      %dma_wait3A_32 = arith.constant 0 : i32
      %dma_wait3A_33 = tpu.memref_slice %arg4[%add3A, %dma_wait3A, %dma_wait3A_32] : memref<32x4x128xi32, #tpu.memory_space<hbm>> -> memref<1x4x128xi32, #tpu.memory_space<hbm>>
      %dma_wait3A_34 = tpu.memref_squeeze %dma_wait3A_33 : memref<1x4x128xi32, #tpu.memory_space<hbm>> -> memref<4x128xi32, #tpu.memory_space<hbm>>
      %dma_wait3A_35 = arith.constant 0 : i32
      %dma_wait3A_36 = arith.constant 0 : i32
      %dma_wait3A_37 = tpu.memref_slice %arg4[%add3A, %dma_wait3A_35, %dma_wait3A_36] : memref<32x4x128xi32, #tpu.memory_space<hbm>> -> memref<1x4x128xi32, #tpu.memory_space<hbm>>
      %dma_wait3A_38 = tpu.memref_squeeze %dma_wait3A_37 : memref<1x4x128xi32, #tpu.memory_space<hbm>> -> memref<4x128xi32, #tpu.memory_space<hbm>>
      tpu.wait_dma2 semaphore(%run_scoped3A : memref<!tpu.dma_semaphore, #tpu.memory_space<semaphore_mem>>) src(%dma_wait3A_38 : memref<4x128xi32, #tpu.memory_space<hbm>>) dst(%arg6 : memref<4x128xi32, #tpu.memory_space<vmem>>)
      tpu.yield
    }) : () -> ()
    %lt3A = arith.constant 16 : i32
    %lt3A_19 = arith.cmpi slt, %add3A, %lt3A : i32
    %convert_element_type3A = arith.extui %lt3A_19 : i1 to i32
    %cond3A = arith.constant 0 : i32
    %cond3A_20 = arith.cmpi ne, %convert_element_type3A, %cond3A : i32
    scf.if %cond3A_20 {
      %mul3A_25 = arith.constant 512 : i32
      %mul3A_26 = arith.muli %add3A, %mul3A_25 : i32
      %add3A_27 = arith.constant 0 : i32
      %add3A_28 = arith.addi %mul3A_26, %add3A_27 : i32
      %dma_start3A = arith.constant 0 : i32
      %dma_start3A_29 = tpu.memref_slice %arg2[%add3A_28, %dma_start3A] : memref<8192x256xf32, #tpu.memory_space<hbm>> -> memref<128x256xf32, #tpu.memory_space<hbm>>
      %dma_start3A_30 = arith.constant 0 : i32
      %dma_start3A_31 = tpu.memref_slice %arg2[%add3A_28, %dma_start3A_30] : memref<8192x256xf32, #tpu.memory_space<hbm>> -> memref<128x256xf32, #tpu.memory_space<hbm>>
      tpu.enqueue_dma source(%dma_start3A_31 : memref<128x256xf32, #tpu.memory_space<hbm>>) target(%arg7 : memref<128x256xf32, #tpu.memory_space<vmem>>) target_semaphore(%arg9 : memref<!tpu.dma_semaphore, #tpu.memory_space<semaphore_mem>>)
      %add3A_32 = arith.constant 128 : i32
      %add3A_33 = arith.addi %mul3A_26, %add3A_32 : i32
      %dma_start3A_34 = arith.constant 0 : i32
      %dma_start3A_35 = tpu.memref_slice %arg2[%add3A_33, %dma_start3A_34] : memref<8192x256xf32, #tpu.memory_space<hbm>> -> memref<128x256xf32, #tpu.memory_space<hbm>>
      %dma_start3A_36 = arith.constant 0 : i32
      %dma_start3A_37 = tpu.memref_slice %arg2[%add3A_33, %dma_start3A_36] : memref<8192x256xf32, #tpu.memory_space<hbm>> -> memref<128x256xf32, #tpu.memory_space<hbm>>
      tpu.enqueue_dma source(%dma_start3A_37 : memref<128x256xf32, #tpu.memory_space<hbm>>) target(%arg8 : memref<128x256xf32, #tpu.memory_space<vmem>>) target_semaphore(%arg10 : memref<!tpu.dma_semaphore, #tpu.memory_space<semaphore_mem>>)
      %dma_wait3A = arith.constant 0 : i32
      %dma_wait3A_38 = tpu.memref_slice %arg2[%add3A_28, %dma_wait3A] : memref<8192x256xf32, #tpu.memory_space<hbm>> -> memref<128x256xf32, #tpu.memory_space<hbm>>
      %dma_wait3A_39 = arith.constant 0 : i32
      %dma_wait3A_40 = tpu.memref_slice %arg2[%add3A_28, %dma_wait3A_39] : memref<8192x256xf32, #tpu.memory_space<hbm>> -> memref<128x256xf32, #tpu.memory_space<hbm>>
      tpu.wait_dma2 semaphore(%arg9 : memref<!tpu.dma_semaphore, #tpu.memory_space<semaphore_mem>>) src(%dma_wait3A_40 : memref<128x256xf32, #tpu.memory_space<hbm>>) dst(%arg7 : memref<128x256xf32, #tpu.memory_space<vmem>>)
      %dma_start3A_41 = arith.constant 0 : i32
      %dma_start3A_42 = arith.constant 0 : i32
      %dma_start3A_43 = tpu.memref_slice %arg6[%dma_start3A_41, %dma_start3A_42] : memref<4x128xi32, #tpu.memory_space<vmem>> -> memref<1x128xi32, #tpu.memory_space<vmem>>
      %dma_start3A_44 = tpu.memref_squeeze %dma_start3A_43 : memref<1x128xi32, #tpu.memory_space<vmem>> -> memref<128xi32, #tpu.memory_space<vmem>>
      %dma_start3A_45 = arith.constant 0 : i32
      %dma_start3A_46 = tpu.memref_slice %arg5[%mul3A_18, %dma_start3A_45] : memref<16384x256xf32, #tpu.memory_space<hbm>> -> memref<4096x256xf32, #tpu.memory_space<hbm>>
      %dma_start3A_47 = arith.constant 0 : i32
      %dma_start3A_48 = arith.constant 0 : i32
      %dma_start3A_49 = tpu.memref_slice %dma_start3A_46[%dma_start3A_47, %dma_start3A_48] : memref<4096x256xf32, #tpu.memory_space<hbm>> -> memref<4096x256xf32, #tpu.memory_space<hbm>>
      tpu.enqueue_indirect_dma source(%arg7 : memref<128x256xf32, #tpu.memory_space<vmem>>) target(%dma_start3A_49 : memref<4096x256xf32, #tpu.memory_space<hbm>>) offsets(%dma_start3A_44 : memref<128xi32, #tpu.memory_space<vmem>>) semaphore(%arg11 : memref<!tpu.dma_semaphore, #tpu.memory_space<semaphore_mem>>)
      %dma_wait3A_50 = arith.constant 0 : i32
      %dma_wait3A_51 = arith.constant 0 : i32
      %dma_wait3A_52 = tpu.memref_slice %arg6[%dma_wait3A_50, %dma_wait3A_51] : memref<4x128xi32, #tpu.memory_space<vmem>> -> memref<1x128xi32, #tpu.memory_space<vmem>>
      %dma_wait3A_53 = tpu.memref_squeeze %dma_wait3A_52 : memref<1x128xi32, #tpu.memory_space<vmem>> -> memref<128xi32, #tpu.memory_space<vmem>>
      %dma_wait3A_54 = arith.constant 0 : i32
      %dma_wait3A_55 = tpu.memref_slice %arg5[%mul3A_18, %dma_wait3A_54] : memref<16384x256xf32, #tpu.memory_space<hbm>> -> memref<4096x256xf32, #tpu.memory_space<hbm>>
      %dma_wait3A_56 = arith.constant 0 : i32
      %dma_wait3A_57 = arith.constant 0 : i32
      %dma_wait3A_58 = tpu.memref_slice %dma_wait3A_55[%dma_wait3A_56, %dma_wait3A_57] : memref<4096x256xf32, #tpu.memory_space<hbm>> -> memref<4096x256xf32, #tpu.memory_space<hbm>>
      tpu.wait_indirect_dma semaphore(%arg11 : memref<!tpu.dma_semaphore, #tpu.memory_space<semaphore_mem>>) src(%arg7 : memref<128x256xf32, #tpu.memory_space<vmem>>) dst(%dma_wait3A_58 : memref<4096x256xf32, #tpu.memory_space<hbm>>)
      %add3A_59 = arith.constant 256 : i32
      %add3A_60 = arith.addi %mul3A_26, %add3A_59 : i32
      %dma_start3A_61 = arith.constant 0 : i32
      %dma_start3A_62 = tpu.memref_slice %arg2[%add3A_60, %dma_start3A_61] : memref<8192x256xf32, #tpu.memory_space<hbm>> -> memref<128x256xf32, #tpu.memory_space<hbm>>
      %dma_start3A_63 = arith.constant 0 : i32
      %dma_start3A_64 = tpu.memref_slice %arg2[%add3A_60, %dma_start3A_63] : memref<8192x256xf32, #tpu.memory_space<hbm>> -> memref<128x256xf32, #tpu.memory_space<hbm>>
      tpu.enqueue_dma source(%dma_start3A_64 : memref<128x256xf32, #tpu.memory_space<hbm>>) target(%arg7 : memref<128x256xf32, #tpu.memory_space<vmem>>) target_semaphore(%arg9 : memref<!tpu.dma_semaphore, #tpu.memory_space<semaphore_mem>>)
      %dma_wait3A_65 = arith.constant 0 : i32
      %dma_wait3A_66 = tpu.memref_slice %arg2[%add3A_33, %dma_wait3A_65] : memref<8192x256xf32, #tpu.memory_space<hbm>> -> memref<128x256xf32, #tpu.memory_space<hbm>>
      %dma_wait3A_67 = arith.constant 0 : i32
      %dma_wait3A_68 = tpu.memref_slice %arg2[%add3A_33, %dma_wait3A_67] : memref<8192x256xf32, #tpu.memory_space<hbm>> -> memref<128x256xf32, #tpu.memory_space<hbm>>
      tpu.wait_dma2 semaphore(%arg10 : memref<!tpu.dma_semaphore, #tpu.memory_space<semaphore_mem>>) src(%dma_wait3A_68 : memref<128x256xf32, #tpu.memory_space<hbm>>) dst(%arg8 : memref<128x256xf32, #tpu.memory_space<vmem>>)
      %dma_start3A_69 = arith.constant 1 : i32
      %dma_start3A_70 = arith.constant 0 : i32
      %dma_start3A_71 = tpu.memref_slice %arg6[%dma_start3A_69, %dma_start3A_70] : memref<4x128xi32, #tpu.memory_space<vmem>> -> memref<1x128xi32, #tpu.memory_space<vmem>>
      %dma_start3A_72 = tpu.memref_squeeze %dma_start3A_71 : memref<1x128xi32, #tpu.memory_space<vmem>> -> memref<128xi32, #tpu.memory_space<vmem>>
      %dma_start3A_73 = arith.constant 0 : i32
      %dma_start3A_74 = tpu.memref_slice %arg5[%mul3A_18, %dma_start3A_73] : memref<16384x256xf32, #tpu.memory_space<hbm>> -> memref<4096x256xf32, #tpu.memory_space<hbm>>
      %dma_start3A_75 = arith.constant 0 : i32
      %dma_start3A_76 = arith.constant 0 : i32
      %dma_start3A_77 = tpu.memref_slice %dma_start3A_74[%dma_start3A_75, %dma_start3A_76] : memref<4096x256xf32, #tpu.memory_space<hbm>> -> memref<4096x256xf32, #tpu.memory_space<hbm>>
      tpu.enqueue_indirect_dma source(%arg8 : memref<128x256xf32, #tpu.memory_space<vmem>>) target(%dma_start3A_77 : memref<4096x256xf32, #tpu.memory_space<hbm>>) offsets(%dma_start3A_72 : memref<128xi32, #tpu.memory_space<vmem>>) semaphore(%arg12 : memref<!tpu.dma_semaphore, #tpu.memory_space<semaphore_mem>>)
      %dma_wait3A_78 = arith.constant 1 : i32
      %dma_wait3A_79 = arith.constant 0 : i32
      %dma_wait3A_80 = tpu.memref_slice %arg6[%dma_wait3A_78, %dma_wait3A_79] : memref<4x128xi32, #tpu.memory_space<vmem>> -> memref<1x128xi32, #tpu.memory_space<vmem>>
      %dma_wait3A_81 = tpu.memref_squeeze %dma_wait3A_80 : memref<1x128xi32, #tpu.memory_space<vmem>> -> memref<128xi32, #tpu.memory_space<vmem>>
      %dma_wait3A_82 = arith.constant 0 : i32
      %dma_wait3A_83 = tpu.memref_slice %arg5[%mul3A_18, %dma_wait3A_82] : memref<16384x256xf32, #tpu.memory_space<hbm>> -> memref<4096x256xf32, #tpu.memory_space<hbm>>
      %dma_wait3A_84 = arith.constant 0 : i32
      %dma_wait3A_85 = arith.constant 0 : i32
      %dma_wait3A_86 = tpu.memref_slice %dma_wait3A_83[%dma_wait3A_84, %dma_wait3A_85] : memref<4096x256xf32, #tpu.memory_space<hbm>> -> memref<4096x256xf32, #tpu.memory_space<hbm>>
      tpu.wait_indirect_dma semaphore(%arg12 : memref<!tpu.dma_semaphore, #tpu.memory_space<semaphore_mem>>) src(%arg8 : memref<128x256xf32, #tpu.memory_space<vmem>>) dst(%dma_wait3A_86 : memref<4096x256xf32, #tpu.memory_space<hbm>>)
      %add3A_87 = arith.constant 384 : i32
      %add3A_88 = arith.addi %mul3A_26, %add3A_87 : i32
      %dma_start3A_89 = arith.constant 0 : i32
      %dma_start3A_90 = tpu.memref_slice %arg2[%add3A_88, %dma_start3A_89] : memref<8192x256xf32, #tpu.memory_space<hbm>> -> memref<128x256xf32, #tpu.memory_space<hbm>>
      %dma_start3A_91 = arith.constant 0 : i32
      %dma_start3A_92 = tpu.memref_slice %arg2[%add3A_88, %dma_start3A_91] : memref<8192x256xf32, #tpu.memory_space<hbm>> -> memref<128x256xf32, #tpu.memory_space<hbm>>
      tpu.enqueue_dma source(%dma_start3A_92 : memref<128x256xf32, #tpu.memory_space<hbm>>) target(%arg8 : memref<128x256xf32, #tpu.memory_space<vmem>>) target_semaphore(%arg10 : memref<!tpu.dma_semaphore, #tpu.memory_space<semaphore_mem>>)
      %dma_wait3A_93 = arith.constant 0 : i32
      %dma_wait3A_94 = tpu.memref_slice %arg2[%add3A_60, %dma_wait3A_93] : memref<8192x256xf32, #tpu.memory_space<hbm>> -> memref<128x256xf32, #tpu.memory_space<hbm>>
      %dma_wait3A_95 = arith.constant 0 : i32
      %dma_wait3A_96 = tpu.memref_slice %arg2[%add3A_60, %dma_wait3A_95] : memref<8192x256xf32, #tpu.memory_space<hbm>> -> memref<128x256xf32, #tpu.memory_space<hbm>>
      tpu.wait_dma2 semaphore(%arg9 : memref<!tpu.dma_semaphore, #tpu.memory_space<semaphore_mem>>) src(%dma_wait3A_96 : memref<128x256xf32, #tpu.memory_space<hbm>>) dst(%arg7 : memref<128x256xf32, #tpu.memory_space<vmem>>)
      %dma_start3A_97 = arith.constant 2 : i32
      %dma_start3A_98 = arith.constant 0 : i32
      %dma_start3A_99 = tpu.memref_slice %arg6[%dma_start3A_97, %dma_start3A_98] : memref<4x128xi32, #tpu.memory_space<vmem>> -> memref<1x128xi32, #tpu.memory_space<vmem>>
      %dma_start3A_100 = tpu.memref_squeeze %dma_start3A_99 : memref<1x128xi32, #tpu.memory_space<vmem>> -> memref<128xi32, #tpu.memory_space<vmem>>
      %dma_start3A_101 = arith.constant 0 : i32
      %dma_start3A_102 = tpu.memref_slice %arg5[%mul3A_18, %dma_start3A_101] : memref<16384x256xf32, #tpu.memory_space<hbm>> -> memref<4096x256xf32, #tpu.memory_space<hbm>>
      %dma_start3A_103 = arith.constant 0 : i32
      %dma_start3A_104 = arith.constant 0 : i32
      %dma_start3A_105 = tpu.memref_slice %dma_start3A_102[%dma_start3A_103, %dma_start3A_104] : memref<4096x256xf32, #tpu.memory_space<hbm>> -> memref<4096x256xf32, #tpu.memory_space<hbm>>
      tpu.enqueue_indirect_dma source(%arg7 : memref<128x256xf32, #tpu.memory_space<vmem>>) target(%dma_start3A_105 : memref<4096x256xf32, #tpu.memory_space<hbm>>) offsets(%dma_start3A_100 : memref<128xi32, #tpu.memory_space<vmem>>) semaphore(%arg11 : memref<!tpu.dma_semaphore, #tpu.memory_space<semaphore_mem>>)
      %dma_wait3A_106 = arith.constant 0 : i32
      %dma_wait3A_107 = tpu.memref_slice %arg2[%add3A_88, %dma_wait3A_106] : memref<8192x256xf32, #tpu.memory_space<hbm>> -> memref<128x256xf32, #tpu.memory_space<hbm>>
      %dma_wait3A_108 = arith.constant 0 : i32
      %dma_wait3A_109 = tpu.memref_slice %arg2[%add3A_88, %dma_wait3A_108] : memref<8192x256xf32, #tpu.memory_space<hbm>> -> memref<128x256xf32, #tpu.memory_space<hbm>>
      tpu.wait_dma2 semaphore(%arg10 : memref<!tpu.dma_semaphore, #tpu.memory_space<semaphore_mem>>) src(%dma_wait3A_109 : memref<128x256xf32, #tpu.memory_space<hbm>>) dst(%arg8 : memref<128x256xf32, #tpu.memory_space<vmem>>)
      %dma_start3A_110 = arith.constant 3 : i32
      %dma_start3A_111 = arith.constant 0 : i32
      %dma_start3A_112 = tpu.memref_slice %arg6[%dma_start3A_110, %dma_start3A_111] : memref<4x128xi32, #tpu.memory_space<vmem>> -> memref<1x128xi32, #tpu.memory_space<vmem>>
      %dma_start3A_113 = tpu.memref_squeeze %dma_start3A_112 : memref<1x128xi32, #tpu.memory_space<vmem>> -> memref<128xi32, #tpu.memory_space<vmem>>
      %dma_start3A_114 = arith.constant 0 : i32
      %dma_start3A_115 = tpu.memref_slice %arg5[%mul3A_18, %dma_start3A_114] : memref<16384x256xf32, #tpu.memory_space<hbm>> -> memref<4096x256xf32, #tpu.memory_space<hbm>>
      %dma_start3A_116 = arith.constant 0 : i32
      %dma_start3A_117 = arith.constant 0 : i32
      %dma_start3A_118 = tpu.memref_slice %dma_start3A_115[%dma_start3A_116, %dma_start3A_117] : memref<4096x256xf32, #tpu.memory_space<hbm>> -> memref<4096x256xf32, #tpu.memory_space<hbm>>
      tpu.enqueue_indirect_dma source(%arg8 : memref<128x256xf32, #tpu.memory_space<vmem>>) target(%dma_start3A_118 : memref<4096x256xf32, #tpu.memory_space<hbm>>) offsets(%dma_start3A_113 : memref<128xi32, #tpu.memory_space<vmem>>) semaphore(%arg12 : memref<!tpu.dma_semaphore, #tpu.memory_space<semaphore_mem>>)
      %dma_wait3A_119 = arith.constant 2 : i32
      %dma_wait3A_120 = arith.constant 0 : i32
      %dma_wait3A_121 = tpu.memref_slice %arg6[%dma_wait3A_119, %dma_wait3A_120] : memref<4x128xi32, #tpu.memory_space<vmem>> -> memref<1x128xi32, #tpu.memory_space<vmem>>
      %dma_wait3A_122 = tpu.memref_squeeze %dma_wait3A_121 : memref<1x128xi32, #tpu.memory_space<vmem>> -> memref<128xi32, #tpu.memory_space<vmem>>
      %dma_wait3A_123 = arith.constant 0 : i32
      %dma_wait3A_124 = tpu.memref_slice %arg5[%mul3A_18, %dma_wait3A_123] : memref<16384x256xf32, #tpu.memory_space<hbm>> -> memref<4096x256xf32, #tpu.memory_space<hbm>>
      %dma_wait3A_125 = arith.constant 0 : i32
      %dma_wait3A_126 = arith.constant 0 : i32
      %dma_wait3A_127 = tpu.memref_slice %dma_wait3A_124[%dma_wait3A_125, %dma_wait3A_126] : memref<4096x256xf32, #tpu.memory_space<hbm>> -> memref<4096x256xf32, #tpu.memory_space<hbm>>
      tpu.wait_indirect_dma semaphore(%arg11 : memref<!tpu.dma_semaphore, #tpu.memory_space<semaphore_mem>>) src(%arg7 : memref<128x256xf32, #tpu.memory_space<vmem>>) dst(%dma_wait3A_127 : memref<4096x256xf32, #tpu.memory_space<hbm>>)
      %dma_wait3A_128 = arith.constant 3 : i32
      %dma_wait3A_129 = arith.constant 0 : i32
      %dma_wait3A_130 = tpu.memref_slice %arg6[%dma_wait3A_128, %dma_wait3A_129] : memref<4x128xi32, #tpu.memory_space<vmem>> -> memref<1x128xi32, #tpu.memory_space<vmem>>
      %dma_wait3A_131 = tpu.memref_squeeze %dma_wait3A_130 : memref<1x128xi32, #tpu.memory_space<vmem>> -> memref<128xi32, #tpu.memory_space<vmem>>
      %dma_wait3A_132 = arith.constant 0 : i32
      %dma_wait3A_133 = tpu.memref_slice %arg5[%mul3A_18, %dma_wait3A_132] : memref<16384x256xf32, #tpu.memory_space<hbm>> -> memref<4096x256xf32, #tpu.memory_space<hbm>>
      %dma_wait3A_134 = arith.constant 0 : i32
      %dma_wait3A_135 = arith.constant 0 : i32
      %dma_wait3A_136 = tpu.memref_slice %dma_wait3A_133[%dma_wait3A_134, %dma_wait3A_135] : memref<4096x256xf32, #tpu.memory_space<hbm>> -> memref<4096x256xf32, #tpu.memory_space<hbm>>
      tpu.wait_indirect_dma semaphore(%arg12 : memref<!tpu.dma_semaphore, #tpu.memory_space<semaphore_mem>>) src(%arg8 : memref<128x256xf32, #tpu.memory_space<vmem>>) dst(%dma_wait3A_136 : memref<4096x256xf32, #tpu.memory_space<hbm>>)
    } else {
    }
    %ge3A = arith.constant 16 : i32
    %ge3A_21 = arith.cmpi sge, %add3A, %ge3A : i32
    %convert_element_type3A_22 = arith.extui %ge3A_21 : i1 to i32
    %cond3A_23 = arith.constant 0 : i32
    %cond3A_24 = arith.cmpi ne, %convert_element_type3A_22, %cond3A_23 : i32
    scf.if %cond3A_24 {
      %mul3A_25 = arith.constant 512 : i32
      %mul3A_26 = arith.muli %add3A, %mul3A_25 : i32
      %sub3A_27 = arith.constant 8192 : i32
      %sub3A_28 = arith.subi %mul3A_26, %sub3A_27 : i32
      %add3A_29 = arith.constant 0 : i32
      %add3A_30 = arith.addi %sub3A_28, %add3A_29 : i32
      %dma_start3A = arith.constant 0 : i32
      %dma_start3A_31 = tpu.memref_slice %arg3[%add3A_30, %dma_start3A] : memref<8192x256xf32, #tpu.memory_space<hbm>> -> memref<128x256xf32, #tpu.memory_space<hbm>>
      %dma_start3A_32 = arith.constant 0 : i32
      %dma_start3A_33 = tpu.memref_slice %arg3[%add3A_30, %dma_start3A_32] : memref<8192x256xf32, #tpu.memory_space<hbm>> -> memref<128x256xf32, #tpu.memory_space<hbm>>
      tpu.enqueue_dma source(%dma_start3A_33 : memref<128x256xf32, #tpu.memory_space<hbm>>) target(%arg7 : memref<128x256xf32, #tpu.memory_space<vmem>>) target_semaphore(%arg9 : memref<!tpu.dma_semaphore, #tpu.memory_space<semaphore_mem>>)
      %add3A_34 = arith.constant 128 : i32
      %add3A_35 = arith.addi %sub3A_28, %add3A_34 : i32
      %dma_start3A_36 = arith.constant 0 : i32
      %dma_start3A_37 = tpu.memref_slice %arg3[%add3A_35, %dma_start3A_36] : memref<8192x256xf32, #tpu.memory_space<hbm>> -> memref<128x256xf32, #tpu.memory_space<hbm>>
      %dma_start3A_38 = arith.constant 0 : i32
      %dma_start3A_39 = tpu.memref_slice %arg3[%add3A_35, %dma_start3A_38] : memref<8192x256xf32, #tpu.memory_space<hbm>> -> memref<128x256xf32, #tpu.memory_space<hbm>>
      tpu.enqueue_dma source(%dma_start3A_39 : memref<128x256xf32, #tpu.memory_space<hbm>>) target(%arg8 : memref<128x256xf32, #tpu.memory_space<vmem>>) target_semaphore(%arg10 : memref<!tpu.dma_semaphore, #tpu.memory_space<semaphore_mem>>)
      %dma_wait3A = arith.constant 0 : i32
      %dma_wait3A_40 = tpu.memref_slice %arg3[%add3A_30, %dma_wait3A] : memref<8192x256xf32, #tpu.memory_space<hbm>> -> memref<128x256xf32, #tpu.memory_space<hbm>>
      %dma_wait3A_41 = arith.constant 0 : i32
      %dma_wait3A_42 = tpu.memref_slice %arg3[%add3A_30, %dma_wait3A_41] : memref<8192x256xf32, #tpu.memory_space<hbm>> -> memref<128x256xf32, #tpu.memory_space<hbm>>
      tpu.wait_dma2 semaphore(%arg9 : memref<!tpu.dma_semaphore, #tpu.memory_space<semaphore_mem>>) src(%dma_wait3A_42 : memref<128x256xf32, #tpu.memory_space<hbm>>) dst(%arg7 : memref<128x256xf32, #tpu.memory_space<vmem>>)
      %dma_start3A_43 = arith.constant 0 : i32
      %dma_start3A_44 = arith.constant 0 : i32
      %dma_start3A_45 = tpu.memref_slice %arg6[%dma_start3A_43, %dma_start3A_44] : memref<4x128xi32, #tpu.memory_space<vmem>> -> memref<1x128xi32, #tpu.memory_space<vmem>>
      %dma_start3A_46 = tpu.memref_squeeze %dma_start3A_45 : memref<1x128xi32, #tpu.memory_space<vmem>> -> memref<128xi32, #tpu.memory_space<vmem>>
      %dma_start3A_47 = arith.constant 0 : i32
      %dma_start3A_48 = tpu.memref_slice %arg5[%mul3A_18, %dma_start3A_47] : memref<16384x256xf32, #tpu.memory_space<hbm>> -> memref<4096x256xf32, #tpu.memory_space<hbm>>
      %dma_start3A_49 = arith.constant 0 : i32
      %dma_start3A_50 = arith.constant 0 : i32
      %dma_start3A_51 = tpu.memref_slice %dma_start3A_48[%dma_start3A_49, %dma_start3A_50] : memref<4096x256xf32, #tpu.memory_space<hbm>> -> memref<4096x256xf32, #tpu.memory_space<hbm>>
      tpu.enqueue_indirect_dma source(%arg7 : memref<128x256xf32, #tpu.memory_space<vmem>>) target(%dma_start3A_51 : memref<4096x256xf32, #tpu.memory_space<hbm>>) offsets(%dma_start3A_46 : memref<128xi32, #tpu.memory_space<vmem>>) semaphore(%arg11 : memref<!tpu.dma_semaphore, #tpu.memory_space<semaphore_mem>>)
      %dma_wait3A_52 = arith.constant 0 : i32
      %dma_wait3A_53 = arith.constant 0 : i32
      %dma_wait3A_54 = tpu.memref_slice %arg6[%dma_wait3A_52, %dma_wait3A_53] : memref<4x128xi32, #tpu.memory_space<vmem>> -> memref<1x128xi32, #tpu.memory_space<vmem>>
      %dma_wait3A_55 = tpu.memref_squeeze %dma_wait3A_54 : memref<1x128xi32, #tpu.memory_space<vmem>> -> memref<128xi32, #tpu.memory_space<vmem>>
      %dma_wait3A_56 = arith.constant 0 : i32
      %dma_wait3A_57 = tpu.memref_slice %arg5[%mul3A_18, %dma_wait3A_56] : memref<16384x256xf32, #tpu.memory_space<hbm>> -> memref<4096x256xf32, #tpu.memory_space<hbm>>
      %dma_wait3A_58 = arith.constant 0 : i32
      %dma_wait3A_59 = arith.constant 0 : i32
      %dma_wait3A_60 = tpu.memref_slice %dma_wait3A_57[%dma_wait3A_58, %dma_wait3A_59] : memref<4096x256xf32, #tpu.memory_space<hbm>> -> memref<4096x256xf32, #tpu.memory_space<hbm>>
      tpu.wait_indirect_dma semaphore(%arg11 : memref<!tpu.dma_semaphore, #tpu.memory_space<semaphore_mem>>) src(%arg7 : memref<128x256xf32, #tpu.memory_space<vmem>>) dst(%dma_wait3A_60 : memref<4096x256xf32, #tpu.memory_space<hbm>>)
      %add3A_61 = arith.constant 256 : i32
      %add3A_62 = arith.addi %sub3A_28, %add3A_61 : i32
      %dma_start3A_63 = arith.constant 0 : i32
      %dma_start3A_64 = tpu.memref_slice %arg3[%add3A_62, %dma_start3A_63] : memref<8192x256xf32, #tpu.memory_space<hbm>> -> memref<128x256xf32, #tpu.memory_space<hbm>>
      %dma_start3A_65 = arith.constant 0 : i32
      %dma_start3A_66 = tpu.memref_slice %arg3[%add3A_62, %dma_start3A_65] : memref<8192x256xf32, #tpu.memory_space<hbm>> -> memref<128x256xf32, #tpu.memory_space<hbm>>
      tpu.enqueue_dma source(%dma_start3A_66 : memref<128x256xf32, #tpu.memory_space<hbm>>) target(%arg7 : memref<128x256xf32, #tpu.memory_space<vmem>>) target_semaphore(%arg9 : memref<!tpu.dma_semaphore, #tpu.memory_space<semaphore_mem>>)
      %dma_wait3A_67 = arith.constant 0 : i32
      %dma_wait3A_68 = tpu.memref_slice %arg3[%add3A_35, %dma_wait3A_67] : memref<8192x256xf32, #tpu.memory_space<hbm>> -> memref<128x256xf32, #tpu.memory_space<hbm>>
      %dma_wait3A_69 = arith.constant 0 : i32
      %dma_wait3A_70 = tpu.memref_slice %arg3[%add3A_35, %dma_wait3A_69] : memref<8192x256xf32, #tpu.memory_space<hbm>> -> memref<128x256xf32, #tpu.memory_space<hbm>>
      tpu.wait_dma2 semaphore(%arg10 : memref<!tpu.dma_semaphore, #tpu.memory_space<semaphore_mem>>) src(%dma_wait3A_70 : memref<128x256xf32, #tpu.memory_space<hbm>>) dst(%arg8 : memref<128x256xf32, #tpu.memory_space<vmem>>)
      %dma_start3A_71 = arith.constant 1 : i32
      %dma_start3A_72 = arith.constant 0 : i32
      %dma_start3A_73 = tpu.memref_slice %arg6[%dma_start3A_71, %dma_start3A_72] : memref<4x128xi32, #tpu.memory_space<vmem>> -> memref<1x128xi32, #tpu.memory_space<vmem>>
      %dma_start3A_74 = tpu.memref_squeeze %dma_start3A_73 : memref<1x128xi32, #tpu.memory_space<vmem>> -> memref<128xi32, #tpu.memory_space<vmem>>
      %dma_start3A_75 = arith.constant 0 : i32
      %dma_start3A_76 = tpu.memref_slice %arg5[%mul3A_18, %dma_start3A_75] : memref<16384x256xf32, #tpu.memory_space<hbm>> -> memref<4096x256xf32, #tpu.memory_space<hbm>>
      %dma_start3A_77 = arith.constant 0 : i32
      %dma_start3A_78 = arith.constant 0 : i32
      %dma_start3A_79 = tpu.memref_slice %dma_start3A_76[%dma_start3A_77, %dma_start3A_78] : memref<4096x256xf32, #tpu.memory_space<hbm>> -> memref<4096x256xf32, #tpu.memory_space<hbm>>
      tpu.enqueue_indirect_dma source(%arg8 : memref<128x256xf32, #tpu.memory_space<vmem>>) target(%dma_start3A_79 : memref<4096x256xf32, #tpu.memory_space<hbm>>) offsets(%dma_start3A_74 : memref<128xi32, #tpu.memory_space<vmem>>) semaphore(%arg12 : memref<!tpu.dma_semaphore, #tpu.memory_space<semaphore_mem>>)
      %dma_wait3A_80 = arith.constant 1 : i32
      %dma_wait3A_81 = arith.constant 0 : i32
      %dma_wait3A_82 = tpu.memref_slice %arg6[%dma_wait3A_80, %dma_wait3A_81] : memref<4x128xi32, #tpu.memory_space<vmem>> -> memref<1x128xi32, #tpu.memory_space<vmem>>
      %dma_wait3A_83 = tpu.memref_squeeze %dma_wait3A_82 : memref<1x128xi32, #tpu.memory_space<vmem>> -> memref<128xi32, #tpu.memory_space<vmem>>
      %dma_wait3A_84 = arith.constant 0 : i32
      %dma_wait3A_85 = tpu.memref_slice %arg5[%mul3A_18, %dma_wait3A_84] : memref<16384x256xf32, #tpu.memory_space<hbm>> -> memref<4096x256xf32, #tpu.memory_space<hbm>>
      %dma_wait3A_86 = arith.constant 0 : i32
      %dma_wait3A_87 = arith.constant 0 : i32
      %dma_wait3A_88 = tpu.memref_slice %dma_wait3A_85[%dma_wait3A_86, %dma_wait3A_87] : memref<4096x256xf32, #tpu.memory_space<hbm>> -> memref<4096x256xf32, #tpu.memory_space<hbm>>
      tpu.wait_indirect_dma semaphore(%arg12 : memref<!tpu.dma_semaphore, #tpu.memory_space<semaphore_mem>>) src(%arg8 : memref<128x256xf32, #tpu.memory_space<vmem>>) dst(%dma_wait3A_88 : memref<4096x256xf32, #tpu.memory_space<hbm>>)
      %add3A_89 = arith.constant 384 : i32
      %add3A_90 = arith.addi %sub3A_28, %add3A_89 : i32
      %dma_start3A_91 = arith.constant 0 : i32
      %dma_start3A_92 = tpu.memref_slice %arg3[%add3A_90, %dma_start3A_91] : memref<8192x256xf32, #tpu.memory_space<hbm>> -> memref<128x256xf32, #tpu.memory_space<hbm>>
      %dma_start3A_93 = arith.constant 0 : i32
      %dma_start3A_94 = tpu.memref_slice %arg3[%add3A_90, %dma_start3A_93] : memref<8192x256xf32, #tpu.memory_space<hbm>> -> memref<128x256xf32, #tpu.memory_space<hbm>>
      tpu.enqueue_dma source(%dma_start3A_94 : memref<128x256xf32, #tpu.memory_space<hbm>>) target(%arg8 : memref<128x256xf32, #tpu.memory_space<vmem>>) target_semaphore(%arg10 : memref<!tpu.dma_semaphore, #tpu.memory_space<semaphore_mem>>)
      %dma_wait3A_95 = arith.constant 0 : i32
      %dma_wait3A_96 = tpu.memref_slice %arg3[%add3A_62, %dma_wait3A_95] : memref<8192x256xf32, #tpu.memory_space<hbm>> -> memref<128x256xf32, #tpu.memory_space<hbm>>
      %dma_wait3A_97 = arith.constant 0 : i32
      %dma_wait3A_98 = tpu.memref_slice %arg3[%add3A_62, %dma_wait3A_97] : memref<8192x256xf32, #tpu.memory_space<hbm>> -> memref<128x256xf32, #tpu.memory_space<hbm>>
      tpu.wait_dma2 semaphore(%arg9 : memref<!tpu.dma_semaphore, #tpu.memory_space<semaphore_mem>>) src(%dma_wait3A_98 : memref<128x256xf32, #tpu.memory_space<hbm>>) dst(%arg7 : memref<128x256xf32, #tpu.memory_space<vmem>>)
      %dma_start3A_99 = arith.constant 2 : i32
      %dma_start3A_100 = arith.constant 0 : i32
      %dma_start3A_101 = tpu.memref_slice %arg6[%dma_start3A_99, %dma_start3A_100] : memref<4x128xi32, #tpu.memory_space<vmem>> -> memref<1x128xi32, #tpu.memory_space<vmem>>
      %dma_start3A_102 = tpu.memref_squeeze %dma_start3A_101 : memref<1x128xi32, #tpu.memory_space<vmem>> -> memref<128xi32, #tpu.memory_space<vmem>>
      %dma_start3A_103 = arith.constant 0 : i32
      %dma_start3A_104 = tpu.memref_slice %arg5[%mul3A_18, %dma_start3A_103] : memref<16384x256xf32, #tpu.memory_space<hbm>> -> memref<4096x256xf32, #tpu.memory_space<hbm>>
      %dma_start3A_105 = arith.constant 0 : i32
      %dma_start3A_106 = arith.constant 0 : i32
      %dma_start3A_107 = tpu.memref_slice %dma_start3A_104[%dma_start3A_105, %dma_start3A_106] : memref<4096x256xf32, #tpu.memory_space<hbm>> -> memref<4096x256xf32, #tpu.memory_space<hbm>>
      tpu.enqueue_indirect_dma source(%arg7 : memref<128x256xf32, #tpu.memory_space<vmem>>) target(%dma_start3A_107 : memref<4096x256xf32, #tpu.memory_space<hbm>>) offsets(%dma_start3A_102 : memref<128xi32, #tpu.memory_space<vmem>>) semaphore(%arg11 : memref<!tpu.dma_semaphore, #tpu.memory_space<semaphore_mem>>)
      %dma_wait3A_108 = arith.constant 0 : i32
      %dma_wait3A_109 = tpu.memref_slice %arg3[%add3A_90, %dma_wait3A_108] : memref<8192x256xf32, #tpu.memory_space<hbm>> -> memref<128x256xf32, #tpu.memory_space<hbm>>
      %dma_wait3A_110 = arith.constant 0 : i32
      %dma_wait3A_111 = tpu.memref_slice %arg3[%add3A_90, %dma_wait3A_110] : memref<8192x256xf32, #tpu.memory_space<hbm>> -> memref<128x256xf32, #tpu.memory_space<hbm>>
      tpu.wait_dma2 semaphore(%arg10 : memref<!tpu.dma_semaphore, #tpu.memory_space<semaphore_mem>>) src(%dma_wait3A_111 : memref<128x256xf32, #tpu.memory_space<hbm>>) dst(%arg8 : memref<128x256xf32, #tpu.memory_space<vmem>>)
      %dma_start3A_112 = arith.constant 3 : i32
      %dma_start3A_113 = arith.constant 0 : i32
      %dma_start3A_114 = tpu.memref_slice %arg6[%dma_start3A_112, %dma_start3A_113] : memref<4x128xi32, #tpu.memory_space<vmem>> -> memref<1x128xi32, #tpu.memory_space<vmem>>
      %dma_start3A_115 = tpu.memref_squeeze %dma_start3A_114 : memref<1x128xi32, #tpu.memory_space<vmem>> -> memref<128xi32, #tpu.memory_space<vmem>>
      %dma_start3A_116 = arith.constant 0 : i32
      %dma_start3A_117 = tpu.memref_slice %arg5[%mul3A_18, %dma_start3A_116] : memref<16384x256xf32, #tpu.memory_space<hbm>> -> memref<4096x256xf32, #tpu.memory_space<hbm>>
      %dma_start3A_118 = arith.constant 0 : i32
      %dma_start3A_119 = arith.constant 0 : i32
      %dma_start3A_120 = tpu.memref_slice %dma_start3A_117[%dma_start3A_118, %dma_start3A_119] : memref<4096x256xf32, #tpu.memory_space<hbm>> -> memref<4096x256xf32, #tpu.memory_space<hbm>>
      tpu.enqueue_indirect_dma source(%arg8 : memref<128x256xf32, #tpu.memory_space<vmem>>) target(%dma_start3A_120 : memref<4096x256xf32, #tpu.memory_space<hbm>>) offsets(%dma_start3A_115 : memref<128xi32, #tpu.memory_space<vmem>>) semaphore(%arg12 : memref<!tpu.dma_semaphore, #tpu.memory_space<semaphore_mem>>)
      %dma_wait3A_121 = arith.constant 2 : i32
      %dma_wait3A_122 = arith.constant 0 : i32
      %dma_wait3A_123 = tpu.memref_slice %arg6[%dma_wait3A_121, %dma_wait3A_122] : memref<4x128xi32, #tpu.memory_space<vmem>> -> memref<1x128xi32, #tpu.memory_space<vmem>>
      %dma_wait3A_124 = tpu.memref_squeeze %dma_wait3A_123 : memref<1x128xi32, #tpu.memory_space<vmem>> -> memref<128xi32, #tpu.memory_space<vmem>>
      %dma_wait3A_125 = arith.constant 0 : i32
      %dma_wait3A_126 = tpu.memref_slice %arg5[%mul3A_18, %dma_wait3A_125] : memref<16384x256xf32, #tpu.memory_space<hbm>> -> memref<4096x256xf32, #tpu.memory_space<hbm>>
      %dma_wait3A_127 = arith.constant 0 : i32
      %dma_wait3A_128 = arith.constant 0 : i32
      %dma_wait3A_129 = tpu.memref_slice %dma_wait3A_126[%dma_wait3A_127, %dma_wait3A_128] : memref<4096x256xf32, #tpu.memory_space<hbm>> -> memref<4096x256xf32, #tpu.memory_space<hbm>>
      tpu.wait_indirect_dma semaphore(%arg11 : memref<!tpu.dma_semaphore, #tpu.memory_space<semaphore_mem>>) src(%arg7 : memref<128x256xf32, #tpu.memory_space<vmem>>) dst(%dma_wait3A_129 : memref<4096x256xf32, #tpu.memory_space<hbm>>)
      %dma_wait3A_130 = arith.constant 3 : i32
      %dma_wait3A_131 = arith.constant 0 : i32
      %dma_wait3A_132 = tpu.memref_slice %arg6[%dma_wait3A_130, %dma_wait3A_131] : memref<4x128xi32, #tpu.memory_space<vmem>> -> memref<1x128xi32, #tpu.memory_space<vmem>>
      %dma_wait3A_133 = tpu.memref_squeeze %dma_wait3A_132 : memref<1x128xi32, #tpu.memory_space<vmem>> -> memref<128xi32, #tpu.memory_space<vmem>>
      %dma_wait3A_134 = arith.constant 0 : i32
      %dma_wait3A_135 = tpu.memref_slice %arg5[%mul3A_18, %dma_wait3A_134] : memref<16384x256xf32, #tpu.memory_space<hbm>> -> memref<4096x256xf32, #tpu.memory_space<hbm>>
      %dma_wait3A_136 = arith.constant 0 : i32
      %dma_wait3A_137 = arith.constant 0 : i32
      %dma_wait3A_138 = tpu.memref_slice %dma_wait3A_135[%dma_wait3A_136, %dma_wait3A_137] : memref<4096x256xf32, #tpu.memory_space<hbm>> -> memref<4096x256xf32, #tpu.memory_space<hbm>>
      tpu.wait_indirect_dma semaphore(%arg12 : memref<!tpu.dma_semaphore, #tpu.memory_space<semaphore_mem>>) src(%arg8 : memref<128x256xf32, #tpu.memory_space<vmem>>) dst(%dma_wait3A_138 : memref<4096x256xf32, #tpu.memory_space<hbm>>)
    } else {
    }
    return
  }
}

module attributes {stable_mosaic.version = 14 : i64} {
  func.func @_fold_body(%arg0: memref<256x256xf32, #tpu.memory_space<vmem>>, %arg1: memref<256x256xf32, #tpu.memory_space<vmem>>, %arg2: memref<256x256xf32, #tpu.memory_space<vmem>>, %arg3: memref<256x256xf32, #tpu.memory_space<vmem>>, %arg4: memref<1x256xf32, #tpu.memory_space<vmem>>, %arg5: memref<1x256xf32, #tpu.memory_space<vmem>>, %arg6: memref<1x256xf32, #tpu.memory_space<vmem>>, %arg7: memref<256x256xbf16, #tpu.memory_space<vmem>>, %arg8: memref<256x256xbf16, #tpu.memory_space<vmem>>, %arg9: memref<256x256xbf16, #tpu.memory_space<vmem>>, %arg10: memref<1x256xf32, #tpu.memory_space<vmem>>, %arg11: memref<1x256xf32, #tpu.memory_space<vmem>>) attributes {dimension_semantics = [], scalar_prefetch = 0 : i64, scratch_operands = 0 : i64, tpu.core_type = #tpu.core_type<tc>} {
    %get3A = arith.constant 0 : index
    %get3A_0 = arith.constant 0 : index
    %get3A_1 = vector.load %arg0[%get3A, %get3A_0] : memref<256x256xf32, #tpu.memory_space<vmem>>, vector<256x256xf32>
    %get3A_2 = arith.constant 0 : index
    %get3A_3 = arith.constant 0 : index
    %get3A_4 = vector.load %arg1[%get3A_2, %get3A_3] : memref<256x256xf32, #tpu.memory_space<vmem>>, vector<256x256xf32>
    %dot_general3A = arith.constant dense<0.000000e+00> : vector<256x256xf32>
    %dot_general3A_5 = tpu.matmul %get3A_1, %get3A_4, %dot_general3A {dimension_numbers = #tpu.dot_dimension_numbers<[1], [0], [0], [1], [0, 0, 1, 1], [], []>, transpose_lhs_hint = false} : vector<256x256xf32>, vector<256x256xf32>, vector<256x256xf32> -> vector<256x256xf32>
    %convert_element_type3A = arith.truncf %dot_general3A_5 : vector<256x256xf32> to vector<256x256xbf16>
    %swap3A = arith.constant 0 : index
    %swap3A_6 = arith.constant 0 : index
    %swap3A_7 = vector.load %arg7[%swap3A, %swap3A_6] : memref<256x256xbf16, #tpu.memory_space<vmem>>, vector<256x256xbf16>
    tpu.vector_store %arg7[%swap3A, %swap3A_6], %convert_element_type3A {strides = array<i32>} : memref<256x256xbf16, #tpu.memory_space<vmem>>, vector<256x256xbf16>,
    %get3A_8 = arith.constant 0 : index
    %get3A_9 = arith.constant 0 : index
    %get3A_10 = vector.load %arg2[%get3A_8, %get3A_9] : memref<256x256xf32, #tpu.memory_space<vmem>>, vector<256x256xf32>
    %mul3A = arith.constant 6.250000e-02 : f32
    %mul3A_11 = vector.broadcast %mul3A : f32 to vector<256x256xf32>
    %mul3A_12 = arith.mulf %get3A_10, %mul3A_11 : vector<256x256xf32>
    %convert_element_type3A_13 = arith.truncf %mul3A_12 : vector<256x256xf32> to vector<256x256xbf16>
    %swap3A_14 = arith.constant 0 : index
    %swap3A_15 = arith.constant 0 : index
    %swap3A_16 = vector.load %arg8[%swap3A_14, %swap3A_15] : memref<256x256xbf16, #tpu.memory_space<vmem>>, vector<256x256xbf16>
    tpu.vector_store %arg8[%swap3A_14, %swap3A_15], %convert_element_type3A_13 {strides = array<i32>} : memref<256x256xbf16, #tpu.memory_space<vmem>>, vector<256x256xbf16>,
    %get3A_17 = arith.constant 0 : index
    %get3A_18 = arith.constant 0 : index
    %get3A_19 = vector.load %arg3[%get3A_17, %get3A_18] : memref<256x256xf32, #tpu.memory_space<vmem>>, vector<256x256xf32>
    %convert_element_type3A_20 = arith.truncf %get3A_19 : vector<256x256xf32> to vector<256x256xbf16>
    %swap3A_21 = arith.constant 0 : index
    %swap3A_22 = arith.constant 0 : index
    %swap3A_23 = vector.load %arg9[%swap3A_21, %swap3A_22] : memref<256x256xbf16, #tpu.memory_space<vmem>>, vector<256x256xbf16>
    tpu.vector_store %arg9[%swap3A_21, %swap3A_22], %convert_element_type3A_20 {strides = array<i32>} : memref<256x256xbf16, #tpu.memory_space<vmem>>, vector<256x256xbf16>,
    %get3A_24 = arith.constant 0 : index
    %get3A_25 = arith.constant 0 : index
    %get3A_26 = vector.load %arg4[%get3A_24, %get3A_25] : memref<1x256xf32, #tpu.memory_space<vmem>>, vector<1x256xf32>
    %get3A_27 = arith.constant 0 : index
    %get3A_28 = arith.constant 0 : index
    %get3A_29 = vector.load %arg0[%get3A_27, %get3A_28] : memref<256x256xf32, #tpu.memory_space<vmem>>, vector<256x256xf32>
    %dot_general3A_30 = arith.constant dense<0.000000e+00> : vector<1x256xf32>
    %dot_general3A_31 = tpu.matmul %get3A_26, %get3A_29, %dot_general3A_30 {dimension_numbers = #tpu.dot_dimension_numbers<[1], [1], [0], [0], [0, 0, 1, 0], [], []>, transpose_lhs_hint = false} : vector<1x256xf32>, vector<256x256xf32>, vector<1x256xf32> -> vector<1x256xf32>
    %get3A_32 = arith.constant 0 : index
    %get3A_33 = arith.constant 0 : index
    %get3A_34 = vector.load %arg5[%get3A_32, %get3A_33] : memref<1x256xf32, #tpu.memory_space<vmem>>, vector<1x256xf32>
    %add3A = arith.addf %dot_general3A_31, %get3A_34 : vector<1x256xf32>
    %swap3A_35 = arith.constant 0 : index
    %swap3A_36 = arith.constant 0 : index
    %swap3A_37 = vector.load %arg10[%swap3A_35, %swap3A_36] : memref<1x256xf32, #tpu.memory_space<vmem>>, vector<1x256xf32>
    tpu.vector_store %arg10[%swap3A_35, %swap3A_36], %add3A {strides = array<i32>} : memref<1x256xf32, #tpu.memory_space<vmem>>, vector<1x256xf32>,
    %get3A_38 = arith.constant 0 : index
    %get3A_39 = arith.constant 0 : index
    %get3A_40 = vector.load %arg6[%get3A_38, %get3A_39] : memref<1x256xf32, #tpu.memory_space<vmem>>, vector<1x256xf32>
    %mul3A_41 = arith.constant 6.250000e-02 : f32
    %mul3A_42 = vector.broadcast %mul3A_41 : f32 to vector<1x256xf32>
    %mul3A_43 = arith.mulf %get3A_40, %mul3A_42 : vector<1x256xf32>
    %swap3A_44 = arith.constant 0 : index
    %swap3A_45 = arith.constant 0 : index
    %swap3A_46 = vector.load %arg11[%swap3A_44, %swap3A_45] : memref<1x256xf32, #tpu.memory_space<vmem>>, vector<1x256xf32>
    tpu.vector_store %arg11[%swap3A_44, %swap3A_45], %mul3A_43 {strides = array<i32>} : memref<1x256xf32, #tpu.memory_space<vmem>>, vector<1x256xf32>,
    return
  }
}

module attributes {stable_mosaic.version = 14 : i64} {
  func.func @_attn_body(%arg0: i32, %arg1: memref<2048x256xf32, #tpu.memory_space<vmem>>, %arg2: memref<2048x256xf32, #tpu.memory_space<vmem>>, %arg3: memref<256x256xbf16, #tpu.memory_space<vmem>>, %arg4: memref<256x256xbf16, #tpu.memory_space<vmem>>, %arg5: memref<256x256xbf16, #tpu.memory_space<vmem>>, %arg6: memref<1x256xf32, #tpu.memory_space<vmem>>, %arg7: memref<1x256xf32, #tpu.memory_space<vmem>>, %arg8: memref<2048x256xf32, #tpu.memory_space<vmem>>) attributes {dimension_semantics = [#tpu.dimension_semantics<parallel>], iteration_bounds = array<i64: 4>, scalar_prefetch = 0 : i64, scratch_operands = 0 : i64, tpu.core_type = #tpu.core_type<tc>, window_params = [{transform_indices = @transform_0, window_bounds = array<i64: 2048, 256>}, {transform_indices = @transform_1, window_bounds = array<i64: 2048, 256>}, {pipeline_mode = #tpu.pipeline_mode<synchronous>, transform_indices = @transform_2, window_bounds = array<i64: 256, 256>}, {pipeline_mode = #tpu.pipeline_mode<synchronous>, transform_indices = @transform_3, window_bounds = array<i64: 256, 256>}, {pipeline_mode = #tpu.pipeline_mode<synchronous>, transform_indices = @transform_4, window_bounds = array<i64: 256, 256>}, {pipeline_mode = #tpu.pipeline_mode<synchronous>, transform_indices = @transform_5, window_bounds = array<i64: 1, 256>}, {pipeline_mode = #tpu.pipeline_mode<synchronous>, transform_indices = @transform_6, window_bounds = array<i64: 1, 256>}, {transform_indices = @transform_7, window_bounds = array<i64: 2048, 256>}]} {
    %get3A = arith.constant 0 : index
    %get3A_0 = arith.constant 0 : index
    %get3A_1 = vector.load %arg1[%get3A, %get3A_0] : memref<2048x256xf32, #tpu.memory_space<vmem>>, vector<2048x256xf32>
    %convert_element_type3A = arith.truncf %get3A_1 : vector<2048x256xf32> to vector<2048x256xbf16>
    %get3A_2 = arith.constant 0 : index
    %get3A_3 = arith.constant 0 : index
    %get3A_4 = vector.load %arg2[%get3A_2, %get3A_3] : memref<2048x256xf32, #tpu.memory_space<vmem>>, vector<2048x256xf32>
    %convert_element_type3A_5 = arith.truncf %get3A_4 : vector<2048x256xf32> to vector<2048x256xbf16>
    %get3A_6 = arith.constant 0 : index
    %get3A_7 = arith.constant 0 : index
    %get3A_8 = vector.load %arg3[%get3A_6, %get3A_7] : memref<256x256xbf16, #tpu.memory_space<vmem>>, vector<256x256xbf16>
    %dot_general3A = arith.constant dense<0.000000e+00> : vector<2048x256xf32>
    %dot_general3A_9 = tpu.matmul %convert_element_type3A, %get3A_8, %dot_general3A {dimension_numbers = #tpu.dot_dimension_numbers<[1], [1], [0], [0], [0, 0, 1, 0], [], []>, transpose_lhs_hint = false} : vector<2048x256xbf16>, vector<256x256xbf16>, vector<2048x256xf32> -> vector<2048x256xf32>
    %get3A_10 = arith.constant 0 : index
    %get3A_11 = arith.constant 0 : index
    %get3A_12 = vector.load %arg6[%get3A_10, %get3A_11] : memref<1x256xf32, #tpu.memory_space<vmem>>, vector<1x256xf32>
    %add3A = vector.broadcast %get3A_12 : vector<1x256xf32> to vector<2048x256xf32>
    %add3A_13 = arith.addf %dot_general3A_9, %add3A : vector<2048x256xf32>
    %get3A_14 = arith.constant 0 : index
    %get3A_15 = arith.constant 0 : index
    %get3A_16 = vector.load %arg4[%get3A_14, %get3A_15] : memref<256x256xbf16, #tpu.memory_space<vmem>>, vector<256x256xbf16>
    %dot_general3A_17 = arith.constant dense<0.000000e+00> : vector<2048x256xf32>
    %dot_general3A_18 = tpu.matmul %convert_element_type3A, %get3A_16, %dot_general3A_17 {dimension_numbers = #tpu.dot_dimension_numbers<[1], [1], [0], [0], [0, 0, 1, 0], [], []>, transpose_lhs_hint = false} : vector<2048x256xbf16>, vector<256x256xbf16>, vector<2048x256xf32> -> vector<2048x256xf32>
    %get3A_19 = arith.constant 0 : index
    %get3A_20 = arith.constant 0 : index
    %get3A_21 = vector.load %arg5[%get3A_19, %get3A_20] : memref<256x256xbf16, #tpu.memory_space<vmem>>, vector<256x256xbf16>
    %dot_general3A_22 = arith.constant dense<0.000000e+00> : vector<2048x256xf32>
    %dot_general3A_23 = tpu.matmul %convert_element_type3A_5, %get3A_21, %dot_general3A_22 {dimension_numbers = #tpu.dot_dimension_numbers<[1], [1], [0], [0], [0, 0, 1, 0], [], []>, transpose_lhs_hint = false} : vector<2048x256xbf16>, vector<256x256xbf16>, vector<2048x256xf32> -> vector<2048x256xf32>
    %get3A_24 = arith.constant 0 : index
    %get3A_25 = arith.constant 0 : index
    %get3A_26 = vector.load %arg7[%get3A_24, %get3A_25] : memref<1x256xf32, #tpu.memory_space<vmem>>, vector<1x256xf32>
    %add3A_27 = vector.broadcast %get3A_26 : vector<1x256xf32> to vector<2048x256xf32>
    %add3A_28 = arith.addf %dot_general3A_23, %add3A_27 : vector<2048x256xf32>
    %slice3A = vector.extract_strided_slice %add3A_13 {offsets = [0, 0], sizes = [64, 256], strides = [1, 1]} : vector<2048x256xf32> to vector<64x256xf32>
    %slice3A_29 = vector.extract_strided_slice %dot_general3A_18 {offsets = [0, 0], sizes = [64, 256], strides = [1, 1]} : vector<2048x256xf32> to vector<64x256xf32>
    %slice3A_30 = vector.extract_strided_slice %add3A_28 {offsets = [0, 0], sizes = [64, 256], strides = [1, 1]} : vector<2048x256xf32> to vector<64x256xf32>
    %dot_general3A_31 = arith.constant dense<0.000000e+00> : vector<64x64xf32>
    %dot_general3A_32 = tpu.matmul %slice3A, %slice3A_29, %dot_general3A_31 {dimension_numbers = #tpu.dot_dimension_numbers<[1], [1], [0], [0], [0, 0, 1, 0], [], []>, transpose_lhs_hint = false} : vector<64x256xf32>, vector<64x256xf32>, vector<64x64xf32> -> vector<64x64xf32>
    %exp3A = math.exp %dot_general3A_32 : vector<64x64xf32>
    %reduce_sum3A = arith.constant dense<0.000000e+00> : vector<64xf32>
    %reduce_sum3A_33 = vector.multi_reduction <add>, %exp3A, %reduce_sum3A [1] : vector<64x64xf32> to vector<64xf32>
    %broadcast_in_dim3A = vector.shape_cast %reduce_sum3A_33 : vector<64xf32> to vector<64x1xf32>
    %div3A = vector.broadcast %broadcast_in_dim3A : vector<64x1xf32> to vector<64x64xf32>
    %div3A_34 = arith.divf %exp3A, %div3A : vector<64x64xf32>
    %dot_general3A_35 = arith.constant dense<0.000000e+00> : vector<64x256xf32>
    %dot_general3A_36 = tpu.matmul %div3A_34, %slice3A_30, %dot_general3A_35 {dimension_numbers = #tpu.dot_dimension_numbers<[1], [0], [0], [1], [0, 0, 1, 1], [], []>, transpose_lhs_hint = false} : vector<64x64xf32>, vector<64x256xf32>, vector<64x256xf32> -> vector<64x256xf32>
    %swap3A = arith.constant 0 : index
    %swap3A_37 = arith.constant 0 : index
    %swap3A_38 = vector.load %arg8[%swap3A, %swap3A_37] : memref<2048x256xf32, #tpu.memory_space<vmem>>, vector<64x256xf32>
    tpu.vector_store %arg8[%swap3A, %swap3A_37], %dot_general3A_36 {strides = array<i32>} : memref<2048x256xf32, #tpu.memory_space<vmem>>, vector<64x256xf32>,
    %slice3A_39 = vector.extract_strided_slice %add3A_13 {offsets = [64, 0], sizes = [64, 256], strides = [1, 1]} : vector<2048x256xf32> to vector<64x256xf32>
    %slice3A_40 = vector.extract_strided_slice %dot_general3A_18 {offsets = [64, 0], sizes = [64, 256], strides = [1, 1]} : vector<2048x256xf32> to vector<64x256xf32>
    %slice3A_41 = vector.extract_strided_slice %add3A_28 {offsets = [64, 0], sizes = [64, 256], strides = [1, 1]} : vector<2048x256xf32> to vector<64x256xf32>
    %dot_general3A_42 = arith.constant dense<0.000000e+00> : vector<64x64xf32>
    %dot_general3A_43 = tpu.matmul %slice3A_39, %slice3A_40, %dot_general3A_42 {dimension_numbers = #tpu.dot_dimension_numbers<[1], [1], [0], [0], [0, 0, 1, 0], [], []>, transpose_lhs_hint = false} : vector<64x256xf32>, vector<64x256xf32>, vector<64x64xf32> -> vector<64x64xf32>
    %exp3A_44 = math.exp %dot_general3A_43 : vector<64x64xf32>
    %reduce_sum3A_45 = arith.constant dense<0.000000e+00> : vector<64xf32>
    %reduce_sum3A_46 = vector.multi_reduction <add>, %exp3A_44, %reduce_sum3A_45 [1] : vector<64x64xf32> to vector<64xf32>
    %broadcast_in_dim3A_47 = vector.shape_cast %reduce_sum3A_46 : vector<64xf32> to vector<64x1xf32>
    %div3A_48 = vector.broadcast %broadcast_in_dim3A_47 : vector<64x1xf32> to vector<64x64xf32>
    %div3A_49 = arith.divf %exp3A_44, %div3A_48 : vector<64x64xf32>
    %dot_general3A_50 = arith.constant dense<0.000000e+00> : vector<64x256xf32>
    %dot_general3A_51 = tpu.matmul %div3A_49, %slice3A_41, %dot_general3A_50 {dimension_numbers = #tpu.dot_dimension_numbers<[1], [0], [0], [1], [0, 0, 1, 1], [], []>, transpose_lhs_hint = false} : vector<64x64xf32>, vector<64x256xf32>, vector<64x256xf32> -> vector<64x256xf32>
    %swap3A_52 = arith.constant 64 : index
    %swap3A_53 = arith.constant 0 : index
    %swap3A_54 = vector.load %arg8[%swap3A_52, %swap3A_53] : memref<2048x256xf32, #tpu.memory_space<vmem>>, vector<64x256xf32>
    tpu.vector_store %arg8[%swap3A_52, %swap3A_53], %dot_general3A_51 {strides = array<i32>} : memref<2048x256xf32, #tpu.memory_space<vmem>>, vector<64x256xf32>,
    %slice3A_55 = vector.extract_strided_slice %add3A_13 {offsets = [128, 0], sizes = [64, 256], strides = [1, 1]} : vector<2048x256xf32> to vector<64x256xf32>
    %slice3A_56 = vector.extract_strided_slice %dot_general3A_18 {offsets = [128, 0], sizes = [64, 256], strides = [1, 1]} : vector<2048x256xf32> to vector<64x256xf32>
    %slice3A_57 = vector.extract_strided_slice %add3A_28 {offsets = [128, 0], sizes = [64, 256], strides = [1, 1]} : vector<2048x256xf32> to vector<64x256xf32>
    %dot_general3A_58 = arith.constant dense<0.000000e+00> : vector<64x64xf32>
    %dot_general3A_59 = tpu.matmul %slice3A_55, %slice3A_56, %dot_general3A_58 {dimension_numbers = #tpu.dot_dimension_numbers<[1], [1], [0], [0], [0, 0, 1, 0], [], []>, transpose_lhs_hint = false} : vector<64x256xf32>, vector<64x256xf32>, vector<64x64xf32> -> vector<64x64xf32>
    %exp3A_60 = math.exp %dot_general3A_59 : vector<64x64xf32>
    %reduce_sum3A_61 = arith.constant dense<0.000000e+00> : vector<64xf32>
    %reduce_sum3A_62 = vector.multi_reduction <add>, %exp3A_60, %reduce_sum3A_61 [1] : vector<64x64xf32> to vector<64xf32>
    %broadcast_in_dim3A_63 = vector.shape_cast %reduce_sum3A_62 : vector<64xf32> to vector<64x1xf32>
    %div3A_64 = vector.broadcast %broadcast_in_dim3A_63 : vector<64x1xf32> to vector<64x64xf32>
    %div3A_65 = arith.divf %exp3A_60, %div3A_64 : vector<64x64xf32>
    %dot_general3A_66 = arith.constant dense<0.000000e+00> : vector<64x256xf32>
    %dot_general3A_67 = tpu.matmul %div3A_65, %slice3A_57, %dot_general3A_66 {dimension_numbers = #tpu.dot_dimension_numbers<[1], [0], [0], [1], [0, 0, 1, 1], [], []>, transpose_lhs_hint = false} : vector<64x64xf32>, vector<64x256xf32>, vector<64x256xf32> -> vector<64x256xf32>
    %swap3A_68 = arith.constant 128 : index
    %swap3A_69 = arith.constant 0 : index
    %swap3A_70 = vector.load %arg8[%swap3A_68, %swap3A_69] : memref<2048x256xf32, #tpu.memory_space<vmem>>, vector<64x256xf32>
    tpu.vector_store %arg8[%swap3A_68, %swap3A_69], %dot_general3A_67 {strides = array<i32>} : memref<2048x256xf32, #tpu.memory_space<vmem>>, vector<64x256xf32>,
    %slice3A_71 = vector.extract_strided_slice %add3A_13 {offsets = [192, 0], sizes = [64, 256], strides = [1, 1]} : vector<2048x256xf32> to vector<64x256xf32>
    %slice3A_72 = vector.extract_strided_slice %dot_general3A_18 {offsets = [192, 0], sizes = [64, 256], strides = [1, 1]} : vector<2048x256xf32> to vector<64x256xf32>
    %slice3A_73 = vector.extract_strided_slice %add3A_28 {offsets = [192, 0], sizes = [64, 256], strides = [1, 1]} : vector<2048x256xf32> to vector<64x256xf32>
    %dot_general3A_74 = arith.constant dense<0.000000e+00> : vector<64x64xf32>
    %dot_general3A_75 = tpu.matmul %slice3A_71, %slice3A_72, %dot_general3A_74 {dimension_numbers = #tpu.dot_dimension_numbers<[1], [1], [0], [0], [0, 0, 1, 0], [], []>, transpose_lhs_hint = false} : vector<64x256xf32>, vector<64x256xf32>, vector<64x64xf32> -> vector<64x64xf32>
    %exp3A_76 = math.exp %dot_general3A_75 : vector<64x64xf32>
    %reduce_sum3A_77 = arith.constant dense<0.000000e+00> : vector<64xf32>
    %reduce_sum3A_78 = vector.multi_reduction <add>, %exp3A_76, %reduce_sum3A_77 [1] : vector<64x64xf32> to vector<64xf32>
    %broadcast_in_dim3A_79 = vector.shape_cast %reduce_sum3A_78 : vector<64xf32> to vector<64x1xf32>
    %div3A_80 = vector.broadcast %broadcast_in_dim3A_79 : vector<64x1xf32> to vector<64x64xf32>
    %div3A_81 = arith.divf %exp3A_76, %div3A_80 : vector<64x64xf32>
    %dot_general3A_82 = arith.constant dense<0.000000e+00> : vector<64x256xf32>
    %dot_general3A_83 = tpu.matmul %div3A_81, %slice3A_73, %dot_general3A_82 {dimension_numbers = #tpu.dot_dimension_numbers<[1], [0], [0], [1], [0, 0, 1, 1], [], []>, transpose_lhs_hint = false} : vector<64x64xf32>, vector<64x256xf32>, vector<64x256xf32> -> vector<64x256xf32>
    %swap3A_84 = arith.constant 192 : index
    %swap3A_85 = arith.constant 0 : index
    %swap3A_86 = vector.load %arg8[%swap3A_84, %swap3A_85] : memref<2048x256xf32, #tpu.memory_space<vmem>>, vector<64x256xf32>
    tpu.vector_store %arg8[%swap3A_84, %swap3A_85], %dot_general3A_83 {strides = array<i32>} : memref<2048x256xf32, #tpu.memory_space<vmem>>, vector<64x256xf32>,
    %slice3A_87 = vector.extract_strided_slice %add3A_13 {offsets = [256, 0], sizes = [64, 256], strides = [1, 1]} : vector<2048x256xf32> to vector<64x256xf32>
    %slice3A_88 = vector.extract_strided_slice %dot_general3A_18 {offsets = [256, 0], sizes = [64, 256], strides = [1, 1]} : vector<2048x256xf32> to vector<64x256xf32>
    %slice3A_89 = vector.extract_strided_slice %add3A_28 {offsets = [256, 0], sizes = [64, 256], strides = [1, 1]} : vector<2048x256xf32> to vector<64x256xf32>
    %dot_general3A_90 = arith.constant dense<0.000000e+00> : vector<64x64xf32>
    %dot_general3A_91 = tpu.matmul %slice3A_87, %slice3A_88, %dot_general3A_90 {dimension_numbers = #tpu.dot_dimension_numbers<[1], [1], [0], [0], [0, 0, 1, 0], [], []>, transpose_lhs_hint = false} : vector<64x256xf32>, vector<64x256xf32>, vector<64x64xf32> -> vector<64x64xf32>
    %exp3A_92 = math.exp %dot_general3A_91 : vector<64x64xf32>
    %reduce_sum3A_93 = arith.constant dense<0.000000e+00> : vector<64xf32>
    %reduce_sum3A_94 = vector.multi_reduction <add>, %exp3A_92, %reduce_sum3A_93 [1] : vector<64x64xf32> to vector<64xf32>
    %broadcast_in_dim3A_95 = vector.shape_cast %reduce_sum3A_94 : vector<64xf32> to vector<64x1xf32>
    %div3A_96 = vector.broadcast %broadcast_in_dim3A_95 : vector<64x1xf32> to vector<64x64xf32>
    %div3A_97 = arith.divf %exp3A_92, %div3A_96 : vector<64x64xf32>
    %dot_general3A_98 = arith.constant dense<0.000000e+00> : vector<64x256xf32>
    %dot_general3A_99 = tpu.matmul %div3A_97, %slice3A_89, %dot_general3A_98 {dimension_numbers = #tpu.dot_dimension_numbers<[1], [0], [0], [1], [0, 0, 1, 1], [], []>, transpose_lhs_hint = false} : vector<64x64xf32>, vector<64x256xf32>, vector<64x256xf32> -> vector<64x256xf32>
    %swap3A_100 = arith.constant 256 : index
    %swap3A_101 = arith.constant 0 : index
    %swap3A_102 = vector.load %arg8[%swap3A_100, %swap3A_101] : memref<2048x256xf32, #tpu.memory_space<vmem>>, vector<64x256xf32>
    tpu.vector_store %arg8[%swap3A_100, %swap3A_101], %dot_general3A_99 {strides = array<i32>} : memref<2048x256xf32, #tpu.memory_space<vmem>>, vector<64x256xf32>,
    %slice3A_103 = vector.extract_strided_slice %add3A_13 {offsets = [320, 0], sizes = [64, 256], strides = [1, 1]} : vector<2048x256xf32> to vector<64x256xf32>
    %slice3A_104 = vector.extract_strided_slice %dot_general3A_18 {offsets = [320, 0], sizes = [64, 256], strides = [1, 1]} : vector<2048x256xf32> to vector<64x256xf32>
    %slice3A_105 = vector.extract_strided_slice %add3A_28 {offsets = [320, 0], sizes = [64, 256], strides = [1, 1]} : vector<2048x256xf32> to vector<64x256xf32>
    %dot_general3A_106 = arith.constant dense<0.000000e+00> : vector<64x64xf32>
    %dot_general3A_107 = tpu.matmul %slice3A_103, %slice3A_104, %dot_general3A_106 {dimension_numbers = #tpu.dot_dimension_numbers<[1], [1], [0], [0], [0, 0, 1, 0], [], []>, transpose_lhs_hint = false} : vector<64x256xf32>, vector<64x256xf32>, vector<64x64xf32> -> vector<64x64xf32>
    %exp3A_108 = math.exp %dot_general3A_107 : vector<64x64xf32>
    %reduce_sum3A_109 = arith.constant dense<0.000000e+00> : vector<64xf32>
    %reduce_sum3A_110 = vector.multi_reduction <add>, %exp3A_108, %reduce_sum3A_109 [1] : vector<64x64xf32> to vector<64xf32>
    %broadcast_in_dim3A_111 = vector.shape_cast %reduce_sum3A_110 : vector<64xf32> to vector<64x1xf32>
    %div3A_112 = vector.broadcast %broadcast_in_dim3A_111 : vector<64x1xf32> to vector<64x64xf32>
    %div3A_113 = arith.divf %exp3A_108, %div3A_112 : vector<64x64xf32>
    %dot_general3A_114 = arith.constant dense<0.000000e+00> : vector<64x256xf32>
    %dot_general3A_115 = tpu.matmul %div3A_113, %slice3A_105, %dot_general3A_114 {dimension_numbers = #tpu.dot_dimension_numbers<[1], [0], [0], [1], [0, 0, 1, 1], [], []>, transpose_lhs_hint = false} : vector<64x64xf32>, vector<64x256xf32>, vector<64x256xf32> -> vector<64x256xf32>
    %swap3A_116 = arith.constant 320 : index
    %swap3A_117 = arith.constant 0 : index
    %swap3A_118 = vector.load %arg8[%swap3A_116, %swap3A_117] : memref<2048x256xf32, #tpu.memory_space<vmem>>, vector<64x256xf32>
    tpu.vector_store %arg8[%swap3A_116, %swap3A_117], %dot_general3A_115 {strides = array<i32>} : memref<2048x256xf32, #tpu.memory_space<vmem>>, vector<64x256xf32>,
    %slice3A_119 = vector.extract_strided_slice %add3A_13 {offsets = [384, 0], sizes = [64, 256], strides = [1, 1]} : vector<2048x256xf32> to vector<64x256xf32>
    %slice3A_120 = vector.extract_strided_slice %dot_general3A_18 {offsets = [384, 0], sizes = [64, 256], strides = [1, 1]} : vector<2048x256xf32> to vector<64x256xf32>
    %slice3A_121 = vector.extract_strided_slice %add3A_28 {offsets = [384, 0], sizes = [64, 256], strides = [1, 1]} : vector<2048x256xf32> to vector<64x256xf32>
    %dot_general3A_122 = arith.constant dense<0.000000e+00> : vector<64x64xf32>
    %dot_general3A_123 = tpu.matmul %slice3A_119, %slice3A_120, %dot_general3A_122 {dimension_numbers = #tpu.dot_dimension_numbers<[1], [1], [0], [0], [0, 0, 1, 0], [], []>, transpose_lhs_hint = false} : vector<64x256xf32>, vector<64x256xf32>, vector<64x64xf32> -> vector<64x64xf32>
    %exp3A_124 = math.exp %dot_general3A_123 : vector<64x64xf32>
    %reduce_sum3A_125 = arith.constant dense<0.000000e+00> : vector<64xf32>
    %reduce_sum3A_126 = vector.multi_reduction <add>, %exp3A_124, %reduce_sum3A_125 [1] : vector<64x64xf32> to vector<64xf32>
    %broadcast_in_dim3A_127 = vector.shape_cast %reduce_sum3A_126 : vector<64xf32> to vector<64x1xf32>
    %div3A_128 = vector.broadcast %broadcast_in_dim3A_127 : vector<64x1xf32> to vector<64x64xf32>
    %div3A_129 = arith.divf %exp3A_124, %div3A_128 : vector<64x64xf32>
    %dot_general3A_130 = arith.constant dense<0.000000e+00> : vector<64x256xf32>
    %dot_general3A_131 = tpu.matmul %div3A_129, %slice3A_121, %dot_general3A_130 {dimension_numbers = #tpu.dot_dimension_numbers<[1], [0], [0], [1], [0, 0, 1, 1], [], []>, transpose_lhs_hint = false} : vector<64x64xf32>, vector<64x256xf32>, vector<64x256xf32> -> vector<64x256xf32>
    %swap3A_132 = arith.constant 384 : index
    %swap3A_133 = arith.constant 0 : index
    %swap3A_134 = vector.load %arg8[%swap3A_132, %swap3A_133] : memref<2048x256xf32, #tpu.memory_space<vmem>>, vector<64x256xf32>
    tpu.vector_store %arg8[%swap3A_132, %swap3A_133], %dot_general3A_131 {strides = array<i32>} : memref<2048x256xf32, #tpu.memory_space<vmem>>, vector<64x256xf32>,
    %slice3A_135 = vector.extract_strided_slice %add3A_13 {offsets = [448, 0], sizes = [64, 256], strides = [1, 1]} : vector<2048x256xf32> to vector<64x256xf32>
    %slice3A_136 = vector.extract_strided_slice %dot_general3A_18 {offsets = [448, 0], sizes = [64, 256], strides = [1, 1]} : vector<2048x256xf32> to vector<64x256xf32>
    %slice3A_137 = vector.extract_strided_slice %add3A_28 {offsets = [448, 0], sizes = [64, 256], strides = [1, 1]} : vector<2048x256xf32> to vector<64x256xf32>
    %dot_general3A_138 = arith.constant dense<0.000000e+00> : vector<64x64xf32>
    %dot_general3A_139 = tpu.matmul %slice3A_135, %slice3A_136, %dot_general3A_138 {dimension_numbers = #tpu.dot_dimension_numbers<[1], [1], [0], [0], [0, 0, 1, 0], [], []>, transpose_lhs_hint = false} : vector<64x256xf32>, vector<64x256xf32>, vector<64x64xf32> -> vector<64x64xf32>
    %exp3A_140 = math.exp %dot_general3A_139 : vector<64x64xf32>
    %reduce_sum3A_141 = arith.constant dense<0.000000e+00> : vector<64xf32>
    %reduce_sum3A_142 = vector.multi_reduction <add>, %exp3A_140, %reduce_sum3A_141 [1] : vector<64x64xf32> to vector<64xf32>
    %broadcast_in_dim3A_143 = vector.shape_cast %reduce_sum3A_142 : vector<64xf32> to vector<64x1xf32>
    %div3A_144 = vector.broadcast %broadcast_in_dim3A_143 : vector<64x1xf32> to vector<64x64xf32>
    %div3A_145 = arith.divf %exp3A_140, %div3A_144 : vector<64x64xf32>
    %dot_general3A_146 = arith.constant dense<0.000000e+00> : vector<64x256xf32>
    %dot_general3A_147 = tpu.matmul %div3A_145, %slice3A_137, %dot_general3A_146 {dimension_numbers = #tpu.dot_dimension_numbers<[1], [0], [0], [1], [0, 0, 1, 1], [], []>, transpose_lhs_hint = false} : vector<64x64xf32>, vector<64x256xf32>, vector<64x256xf32> -> vector<64x256xf32>
    %swap3A_148 = arith.constant 448 : index
    %swap3A_149 = arith.constant 0 : index
    %swap3A_150 = vector.load %arg8[%swap3A_148, %swap3A_149] : memref<2048x256xf32, #tpu.memory_space<vmem>>, vector<64x256xf32>
    tpu.vector_store %arg8[%swap3A_148, %swap3A_149], %dot_general3A_147 {strides = array<i32>} : memref<2048x256xf32, #tpu.memory_space<vmem>>, vector<64x256xf32>,
    %slice3A_151 = vector.extract_strided_slice %add3A_13 {offsets = [512, 0], sizes = [64, 256], strides = [1, 1]} : vector<2048x256xf32> to vector<64x256xf32>
    %slice3A_152 = vector.extract_strided_slice %dot_general3A_18 {offsets = [512, 0], sizes = [64, 256], strides = [1, 1]} : vector<2048x256xf32> to vector<64x256xf32>
    %slice3A_153 = vector.extract_strided_slice %add3A_28 {offsets = [512, 0], sizes = [64, 256], strides = [1, 1]} : vector<2048x256xf32> to vector<64x256xf32>
    %dot_general3A_154 = arith.constant dense<0.000000e+00> : vector<64x64xf32>
    %dot_general3A_155 = tpu.matmul %slice3A_151, %slice3A_152, %dot_general3A_154 {dimension_numbers = #tpu.dot_dimension_numbers<[1], [1], [0], [0], [0, 0, 1, 0], [], []>, transpose_lhs_hint = false} : vector<64x256xf32>, vector<64x256xf32>, vector<64x64xf32> -> vector<64x64xf32>
    %exp3A_156 = math.exp %dot_general3A_155 : vector<64x64xf32>
    %reduce_sum3A_157 = arith.constant dense<0.000000e+00> : vector<64xf32>
    %reduce_sum3A_158 = vector.multi_reduction <add>, %exp3A_156, %reduce_sum3A_157 [1] : vector<64x64xf32> to vector<64xf32>
    %broadcast_in_dim3A_159 = vector.shape_cast %reduce_sum3A_158 : vector<64xf32> to vector<64x1xf32>
    %div3A_160 = vector.broadcast %broadcast_in_dim3A_159 : vector<64x1xf32> to vector<64x64xf32>
    %div3A_161 = arith.divf %exp3A_156, %div3A_160 : vector<64x64xf32>
    %dot_general3A_162 = arith.constant dense<0.000000e+00> : vector<64x256xf32>
    %dot_general3A_163 = tpu.matmul %div3A_161, %slice3A_153, %dot_general3A_162 {dimension_numbers = #tpu.dot_dimension_numbers<[1], [0], [0], [1], [0, 0, 1, 1], [], []>, transpose_lhs_hint = false} : vector<64x64xf32>, vector<64x256xf32>, vector<64x256xf32> -> vector<64x256xf32>
    %swap3A_164 = arith.constant 512 : index
    %swap3A_165 = arith.constant 0 : index
    %swap3A_166 = vector.load %arg8[%swap3A_164, %swap3A_165] : memref<2048x256xf32, #tpu.memory_space<vmem>>, vector<64x256xf32>
    tpu.vector_store %arg8[%swap3A_164, %swap3A_165], %dot_general3A_163 {strides = array<i32>} : memref<2048x256xf32, #tpu.memory_space<vmem>>, vector<64x256xf32>,
    %slice3A_167 = vector.extract_strided_slice %add3A_13 {offsets = [576, 0], sizes = [64, 256], strides = [1, 1]} : vector<2048x256xf32> to vector<64x256xf32>
    %slice3A_168 = vector.extract_strided_slice %dot_general3A_18 {offsets = [576, 0], sizes = [64, 256], strides = [1, 1]} : vector<2048x256xf32> to vector<64x256xf32>
    %slice3A_169 = vector.extract_strided_slice %add3A_28 {offsets = [576, 0], sizes = [64, 256], strides = [1, 1]} : vector<2048x256xf32> to vector<64x256xf32>
    %dot_general3A_170 = arith.constant dense<0.000000e+00> : vector<64x64xf32>
    %dot_general3A_171 = tpu.matmul %slice3A_167, %slice3A_168, %dot_general3A_170 {dimension_numbers = #tpu.dot_dimension_numbers<[1], [1], [0], [0], [0, 0, 1, 0], [], []>, transpose_lhs_hint = false} : vector<64x256xf32>, vector<64x256xf32>, vector<64x64xf32> -> vector<64x64xf32>
    %exp3A_172 = math.exp %dot_general3A_171 : vector<64x64xf32>
    %reduce_sum3A_173 = arith.constant dense<0.000000e+00> : vector<64xf32>
    %reduce_sum3A_174 = vector.multi_reduction <add>, %exp3A_172, %reduce_sum3A_173 [1] : vector<64x64xf32> to vector<64xf32>
    %broadcast_in_dim3A_175 = vector.shape_cast %reduce_sum3A_174 : vector<64xf32> to vector<64x1xf32>
    %div3A_176 = vector.broadcast %broadcast_in_dim3A_175 : vector<64x1xf32> to vector<64x64xf32>
    %div3A_177 = arith.divf %exp3A_172, %div3A_176 : vector<64x64xf32>
    %dot_general3A_178 = arith.constant dense<0.000000e+00> : vector<64x256xf32>
    %dot_general3A_179 = tpu.matmul %div3A_177, %slice3A_169, %dot_general3A_178 {dimension_numbers = #tpu.dot_dimension_numbers<[1], [0], [0], [1], [0, 0, 1, 1], [], []>, transpose_lhs_hint = false} : vector<64x64xf32>, vector<64x256xf32>, vector<64x256xf32> -> vector<64x256xf32>
    %swap3A_180 = arith.constant 576 : index
    %swap3A_181 = arith.constant 0 : index
    %swap3A_182 = vector.load %arg8[%swap3A_180, %swap3A_181] : memref<2048x256xf32, #tpu.memory_space<vmem>>, vector<64x256xf32>
    tpu.vector_store %arg8[%swap3A_180, %swap3A_181], %dot_general3A_179 {strides = array<i32>} : memref<2048x256xf32, #tpu.memory_space<vmem>>, vector<64x256xf32>,
    %slice3A_183 = vector.extract_strided_slice %add3A_13 {offsets = [640, 0], sizes = [64, 256], strides = [1, 1]} : vector<2048x256xf32> to vector<64x256xf32>
    %slice3A_184 = vector.extract_strided_slice %dot_general3A_18 {offsets = [640, 0], sizes = [64, 256], strides = [1, 1]} : vector<2048x256xf32> to vector<64x256xf32>
    %slice3A_185 = vector.extract_strided_slice %add3A_28 {offsets = [640, 0], sizes = [64, 256], strides = [1, 1]} : vector<2048x256xf32> to vector<64x256xf32>
    %dot_general3A_186 = arith.constant dense<0.000000e+00> : vector<64x64xf32>
    %dot_general3A_187 = tpu.matmul %slice3A_183, %slice3A_184, %dot_general3A_186 {dimension_numbers = #tpu.dot_dimension_numbers<[1], [1], [0], [0], [0, 0, 1, 0], [], []>, transpose_lhs_hint = false} : vector<64x256xf32>, vector<64x256xf32>, vector<64x64xf32> -> vector<64x64xf32>
    %exp3A_188 = math.exp %dot_general3A_187 : vector<64x64xf32>
    %reduce_sum3A_189 = arith.constant dense<0.000000e+00> : vector<64xf32>
    %reduce_sum3A_190 = vector.multi_reduction <add>, %exp3A_188, %reduce_sum3A_189 [1] : vector<64x64xf32> to vector<64xf32>
    %broadcast_in_dim3A_191 = vector.shape_cast %reduce_sum3A_190 : vector<64xf32> to vector<64x1xf32>
    %div3A_192 = vector.broadcast %broadcast_in_dim3A_191 : vector<64x1xf32> to vector<64x64xf32>
    %div3A_193 = arith.divf %exp3A_188, %div3A_192 : vector<64x64xf32>
    %dot_general3A_194 = arith.constant dense<0.000000e+00> : vector<64x256xf32>
    %dot_general3A_195 = tpu.matmul %div3A_193, %slice3A_185, %dot_general3A_194 {dimension_numbers = #tpu.dot_dimension_numbers<[1], [0], [0], [1], [0, 0, 1, 1], [], []>, transpose_lhs_hint = false} : vector<64x64xf32>, vector<64x256xf32>, vector<64x256xf32> -> vector<64x256xf32>
    %swap3A_196 = arith.constant 640 : index
    %swap3A_197 = arith.constant 0 : index
    %swap3A_198 = vector.load %arg8[%swap3A_196, %swap3A_197] : memref<2048x256xf32, #tpu.memory_space<vmem>>, vector<64x256xf32>
    tpu.vector_store %arg8[%swap3A_196, %swap3A_197], %dot_general3A_195 {strides = array<i32>} : memref<2048x256xf32, #tpu.memory_space<vmem>>, vector<64x256xf32>,
    %slice3A_199 = vector.extract_strided_slice %add3A_13 {offsets = [704, 0], sizes = [64, 256], strides = [1, 1]} : vector<2048x256xf32> to vector<64x256xf32>
    %slice3A_200 = vector.extract_strided_slice %dot_general3A_18 {offsets = [704, 0], sizes = [64, 256], strides = [1, 1]} : vector<2048x256xf32> to vector<64x256xf32>
    %slice3A_201 = vector.extract_strided_slice %add3A_28 {offsets = [704, 0], sizes = [64, 256], strides = [1, 1]} : vector<2048x256xf32> to vector<64x256xf32>
    %dot_general3A_202 = arith.constant dense<0.000000e+00> : vector<64x64xf32>
    %dot_general3A_203 = tpu.matmul %slice3A_199, %slice3A_200, %dot_general3A_202 {dimension_numbers = #tpu.dot_dimension_numbers<[1], [1], [0], [0], [0, 0, 1, 0], [], []>, transpose_lhs_hint = false} : vector<64x256xf32>, vector<64x256xf32>, vector<64x64xf32> -> vector<64x64xf32>
    %exp3A_204 = math.exp %dot_general3A_203 : vector<64x64xf32>
    %reduce_sum3A_205 = arith.constant dense<0.000000e+00> : vector<64xf32>
    %reduce_sum3A_206 = vector.multi_reduction <add>, %exp3A_204, %reduce_sum3A_205 [1] : vector<64x64xf32> to vector<64xf32>
    %broadcast_in_dim3A_207 = vector.shape_cast %reduce_sum3A_206 : vector<64xf32> to vector<64x1xf32>
    %div3A_208 = vector.broadcast %broadcast_in_dim3A_207 : vector<64x1xf32> to vector<64x64xf32>
    %div3A_209 = arith.divf %exp3A_204, %div3A_208 : vector<64x64xf32>
    %dot_general3A_210 = arith.constant dense<0.000000e+00> : vector<64x256xf32>
    %dot_general3A_211 = tpu.matmul %div3A_209, %slice3A_201, %dot_general3A_210 {dimension_numbers = #tpu.dot_dimension_numbers<[1], [0], [0], [1], [0, 0, 1, 1], [], []>, transpose_lhs_hint = false} : vector<64x64xf32>, vector<64x256xf32>, vector<64x256xf32> -> vector<64x256xf32>
    %swap3A_212 = arith.constant 704 : index
    %swap3A_213 = arith.constant 0 : index
    %swap3A_214 = vector.load %arg8[%swap3A_212, %swap3A_213] : memref<2048x256xf32, #tpu.memory_space<vmem>>, vector<64x256xf32>
    tpu.vector_store %arg8[%swap3A_212, %swap3A_213], %dot_general3A_211 {strides = array<i32>} : memref<2048x256xf32, #tpu.memory_space<vmem>>, vector<64x256xf32>,
    %slice3A_215 = vector.extract_strided_slice %add3A_13 {offsets = [768, 0], sizes = [64, 256], strides = [1, 1]} : vector<2048x256xf32> to vector<64x256xf32>
    %slice3A_216 = vector.extract_strided_slice %dot_general3A_18 {offsets = [768, 0], sizes = [64, 256], strides = [1, 1]} : vector<2048x256xf32> to vector<64x256xf32>
    %slice3A_217 = vector.extract_strided_slice %add3A_28 {offsets = [768, 0], sizes = [64, 256], strides = [1, 1]} : vector<2048x256xf32> to vector<64x256xf32>
    %dot_general3A_218 = arith.constant dense<0.000000e+00> : vector<64x64xf32>
    %dot_general3A_219 = tpu.matmul %slice3A_215, %slice3A_216, %dot_general3A_218 {dimension_numbers = #tpu.dot_dimension_numbers<[1], [1], [0], [0], [0, 0, 1, 0], [], []>, transpose_lhs_hint = false} : vector<64x256xf32>, vector<64x256xf32>, vector<64x64xf32> -> vector<64x64xf32>
    %exp3A_220 = math.exp %dot_general3A_219 : vector<64x64xf32>
    %reduce_sum3A_221 = arith.constant dense<0.000000e+00> : vector<64xf32>
    %reduce_sum3A_222 = vector.multi_reduction <add>, %exp3A_220, %reduce_sum3A_221 [1] : vector<64x64xf32> to vector<64xf32>
    %broadcast_in_dim3A_223 = vector.shape_cast %reduce_sum3A_222 : vector<64xf32> to vector<64x1xf32>
    %div3A_224 = vector.broadcast %broadcast_in_dim3A_223 : vector<64x1xf32> to vector<64x64xf32>
    %div3A_225 = arith.divf %exp3A_220, %div3A_224 : vector<64x64xf32>
    %dot_general3A_226 = arith.constant dense<0.000000e+00> : vector<64x256xf32>
    %dot_general3A_227 = tpu.matmul %div3A_225, %slice3A_217, %dot_general3A_226 {dimension_numbers = #tpu.dot_dimension_numbers<[1], [0], [0], [1], [0, 0, 1, 1], [], []>, transpose_lhs_hint = false} : vector<64x64xf32>, vector<64x256xf32>, vector<64x256xf32> -> vector<64x256xf32>
    %swap3A_228 = arith.constant 768 : index
    %swap3A_229 = arith.constant 0 : index
    %swap3A_230 = vector.load %arg8[%swap3A_228, %swap3A_229] : memref<2048x256xf32, #tpu.memory_space<vmem>>, vector<64x256xf32>
    tpu.vector_store %arg8[%swap3A_228, %swap3A_229], %dot_general3A_227 {strides = array<i32>} : memref<2048x256xf32, #tpu.memory_space<vmem>>, vector<64x256xf32>,
    %slice3A_231 = vector.extract_strided_slice %add3A_13 {offsets = [832, 0], sizes = [64, 256], strides = [1, 1]} : vector<2048x256xf32> to vector<64x256xf32>
    %slice3A_232 = vector.extract_strided_slice %dot_general3A_18 {offsets = [832, 0], sizes = [64, 256], strides = [1, 1]} : vector<2048x256xf32> to vector<64x256xf32>
    %slice3A_233 = vector.extract_strided_slice %add3A_28 {offsets = [832, 0], sizes = [64, 256], strides = [1, 1]} : vector<2048x256xf32> to vector<64x256xf32>
    %dot_general3A_234 = arith.constant dense<0.000000e+00> : vector<64x64xf32>
    %dot_general3A_235 = tpu.matmul %slice3A_231, %slice3A_232, %dot_general3A_234 {dimension_numbers = #tpu.dot_dimension_numbers<[1], [1], [0], [0], [0, 0, 1, 0], [], []>, transpose_lhs_hint = false} : vector<64x256xf32>, vector<64x256xf32>, vector<64x64xf32> -> vector<64x64xf32>
    %exp3A_236 = math.exp %dot_general3A_235 : vector<64x64xf32>
    %reduce_sum3A_237 = arith.constant dense<0.000000e+00> : vector<64xf32>
    %reduce_sum3A_238 = vector.multi_reduction <add>, %exp3A_236, %reduce_sum3A_237 [1] : vector<64x64xf32> to vector<64xf32>
    %broadcast_in_dim3A_239 = vector.shape_cast %reduce_sum3A_238 : vector<64xf32> to vector<64x1xf32>
    %div3A_240 = vector.broadcast %broadcast_in_dim3A_239 : vector<64x1xf32> to vector<64x64xf32>
    %div3A_241 = arith.divf %exp3A_236, %div3A_240 : vector<64x64xf32>
    %dot_general3A_242 = arith.constant dense<0.000000e+00> : vector<64x256xf32>
    %dot_general3A_243 = tpu.matmul %div3A_241, %slice3A_233, %dot_general3A_242 {dimension_numbers = #tpu.dot_dimension_numbers<[1], [0], [0], [1], [0, 0, 1, 1], [], []>, transpose_lhs_hint = false} : vector<64x64xf32>, vector<64x256xf32>, vector<64x256xf32> -> vector<64x256xf32>
    %swap3A_244 = arith.constant 832 : index
    %swap3A_245 = arith.constant 0 : index
    %swap3A_246 = vector.load %arg8[%swap3A_244, %swap3A_245] : memref<2048x256xf32, #tpu.memory_space<vmem>>, vector<64x256xf32>
    tpu.vector_store %arg8[%swap3A_244, %swap3A_245], %dot_general3A_243 {strides = array<i32>} : memref<2048x256xf32, #tpu.memory_space<vmem>>, vector<64x256xf32>,
    %slice3A_247 = vector.extract_strided_slice %add3A_13 {offsets = [896, 0], sizes = [64, 256], strides = [1, 1]} : vector<2048x256xf32> to vector<64x256xf32>
    %slice3A_248 = vector.extract_strided_slice %dot_general3A_18 {offsets = [896, 0], sizes = [64, 256], strides = [1, 1]} : vector<2048x256xf32> to vector<64x256xf32>
    %slice3A_249 = vector.extract_strided_slice %add3A_28 {offsets = [896, 0], sizes = [64, 256], strides = [1, 1]} : vector<2048x256xf32> to vector<64x256xf32>
    %dot_general3A_250 = arith.constant dense<0.000000e+00> : vector<64x64xf32>
    %dot_general3A_251 = tpu.matmul %slice3A_247, %slice3A_248, %dot_general3A_250 {dimension_numbers = #tpu.dot_dimension_numbers<[1], [1], [0], [0], [0, 0, 1, 0], [], []>, transpose_lhs_hint = false} : vector<64x256xf32>, vector<64x256xf32>, vector<64x64xf32> -> vector<64x64xf32>
    %exp3A_252 = math.exp %dot_general3A_251 : vector<64x64xf32>
    %reduce_sum3A_253 = arith.constant dense<0.000000e+00> : vector<64xf32>
    %reduce_sum3A_254 = vector.multi_reduction <add>, %exp3A_252, %reduce_sum3A_253 [1] : vector<64x64xf32> to vector<64xf32>
    %broadcast_in_dim3A_255 = vector.shape_cast %reduce_sum3A_254 : vector<64xf32> to vector<64x1xf32>
    %div3A_256 = vector.broadcast %broadcast_in_dim3A_255 : vector<64x1xf32> to vector<64x64xf32>
    %div3A_257 = arith.divf %exp3A_252, %div3A_256 : vector<64x64xf32>
    %dot_general3A_258 = arith.constant dense<0.000000e+00> : vector<64x256xf32>
    %dot_general3A_259 = tpu.matmul %div3A_257, %slice3A_249, %dot_general3A_258 {dimension_numbers = #tpu.dot_dimension_numbers<[1], [0], [0], [1], [0, 0, 1, 1], [], []>, transpose_lhs_hint = false} : vector<64x64xf32>, vector<64x256xf32>, vector<64x256xf32> -> vector<64x256xf32>
    %swap3A_260 = arith.constant 896 : index
    %swap3A_261 = arith.constant 0 : index
    %swap3A_262 = vector.load %arg8[%swap3A_260, %swap3A_261] : memref<2048x256xf32, #tpu.memory_space<vmem>>, vector<64x256xf32>
    tpu.vector_store %arg8[%swap3A_260, %swap3A_261], %dot_general3A_259 {strides = array<i32>} : memref<2048x256xf32, #tpu.memory_space<vmem>>, vector<64x256xf32>,
    %slice3A_263 = vector.extract_strided_slice %add3A_13 {offsets = [960, 0], sizes = [64, 256], strides = [1, 1]} : vector<2048x256xf32> to vector<64x256xf32>
    %slice3A_264 = vector.extract_strided_slice %dot_general3A_18 {offsets = [960, 0], sizes = [64, 256], strides = [1, 1]} : vector<2048x256xf32> to vector<64x256xf32>
    %slice3A_265 = vector.extract_strided_slice %add3A_28 {offsets = [960, 0], sizes = [64, 256], strides = [1, 1]} : vector<2048x256xf32> to vector<64x256xf32>
    %dot_general3A_266 = arith.constant dense<0.000000e+00> : vector<64x64xf32>
    %dot_general3A_267 = tpu.matmul %slice3A_263, %slice3A_264, %dot_general3A_266 {dimension_numbers = #tpu.dot_dimension_numbers<[1], [1], [0], [0], [0, 0, 1, 0], [], []>, transpose_lhs_hint = false} : vector<64x256xf32>, vector<64x256xf32>, vector<64x64xf32> -> vector<64x64xf32>
    %exp3A_268 = math.exp %dot_general3A_267 : vector<64x64xf32>
    %reduce_sum3A_269 = arith.constant dense<0.000000e+00> : vector<64xf32>
    %reduce_sum3A_270 = vector.multi_reduction <add>, %exp3A_268, %reduce_sum3A_269 [1] : vector<64x64xf32> to vector<64xf32>
    %broadcast_in_dim3A_271 = vector.shape_cast %reduce_sum3A_270 : vector<64xf32> to vector<64x1xf32>
    %div3A_272 = vector.broadcast %broadcast_in_dim3A_271 : vector<64x1xf32> to vector<64x64xf32>
    %div3A_273 = arith.divf %exp3A_268, %div3A_272 : vector<64x64xf32>
    %dot_general3A_274 = arith.constant dense<0.000000e+00> : vector<64x256xf32>
    %dot_general3A_275 = tpu.matmul %div3A_273, %slice3A_265, %dot_general3A_274 {dimension_numbers = #tpu.dot_dimension_numbers<[1], [0], [0], [1], [0, 0, 1, 1], [], []>, transpose_lhs_hint = false} : vector<64x64xf32>, vector<64x256xf32>, vector<64x256xf32> -> vector<64x256xf32>
    %swap3A_276 = arith.constant 960 : index
    %swap3A_277 = arith.constant 0 : index
    %swap3A_278 = vector.load %arg8[%swap3A_276, %swap3A_277] : memref<2048x256xf32, #tpu.memory_space<vmem>>, vector<64x256xf32>
    tpu.vector_store %arg8[%swap3A_276, %swap3A_277], %dot_general3A_275 {strides = array<i32>} : memref<2048x256xf32, #tpu.memory_space<vmem>>, vector<64x256xf32>,
    %slice3A_279 = vector.extract_strided_slice %add3A_13 {offsets = [1024, 0], sizes = [64, 256], strides = [1, 1]} : vector<2048x256xf32> to vector<64x256xf32>
    %slice3A_280 = vector.extract_strided_slice %dot_general3A_18 {offsets = [1024, 0], sizes = [64, 256], strides = [1, 1]} : vector<2048x256xf32> to vector<64x256xf32>
    %slice3A_281 = vector.extract_strided_slice %add3A_28 {offsets = [1024, 0], sizes = [64, 256], strides = [1, 1]} : vector<2048x256xf32> to vector<64x256xf32>
    %dot_general3A_282 = arith.constant dense<0.000000e+00> : vector<64x64xf32>
    %dot_general3A_283 = tpu.matmul %slice3A_279, %slice3A_280, %dot_general3A_282 {dimension_numbers = #tpu.dot_dimension_numbers<[1], [1], [0], [0], [0, 0, 1, 0], [], []>, transpose_lhs_hint = false} : vector<64x256xf32>, vector<64x256xf32>, vector<64x64xf32> -> vector<64x64xf32>
    %exp3A_284 = math.exp %dot_general3A_283 : vector<64x64xf32>
    %reduce_sum3A_285 = arith.constant dense<0.000000e+00> : vector<64xf32>
    %reduce_sum3A_286 = vector.multi_reduction <add>, %exp3A_284, %reduce_sum3A_285 [1] : vector<64x64xf32> to vector<64xf32>
    %broadcast_in_dim3A_287 = vector.shape_cast %reduce_sum3A_286 : vector<64xf32> to vector<64x1xf32>
    %div3A_288 = vector.broadcast %broadcast_in_dim3A_287 : vector<64x1xf32> to vector<64x64xf32>
    %div3A_289 = arith.divf %exp3A_284, %div3A_288 : vector<64x64xf32>
    %dot_general3A_290 = arith.constant dense<0.000000e+00> : vector<64x256xf32>
    %dot_general3A_291 = tpu.matmul %div3A_289, %slice3A_281, %dot_general3A_290 {dimension_numbers = #tpu.dot_dimension_numbers<[1], [0], [0], [1], [0, 0, 1, 1], [], []>, transpose_lhs_hint = false} : vector<64x64xf32>, vector<64x256xf32>, vector<64x256xf32> -> vector<64x256xf32>
    %swap3A_292 = arith.constant 1024 : index
    %swap3A_293 = arith.constant 0 : index
    %swap3A_294 = vector.load %arg8[%swap3A_292, %swap3A_293] : memref<2048x256xf32, #tpu.memory_space<vmem>>, vector<64x256xf32>
    tpu.vector_store %arg8[%swap3A_292, %swap3A_293], %dot_general3A_291 {strides = array<i32>} : memref<2048x256xf32, #tpu.memory_space<vmem>>, vector<64x256xf32>,
    %slice3A_295 = vector.extract_strided_slice %add3A_13 {offsets = [1088, 0], sizes = [64, 256], strides = [1, 1]} : vector<2048x256xf32> to vector<64x256xf32>
    %slice3A_296 = vector.extract_strided_slice %dot_general3A_18 {offsets = [1088, 0], sizes = [64, 256], strides = [1, 1]} : vector<2048x256xf32> to vector<64x256xf32>
    %slice3A_297 = vector.extract_strided_slice %add3A_28 {offsets = [1088, 0], sizes = [64, 256], strides = [1, 1]} : vector<2048x256xf32> to vector<64x256xf32>
    %dot_general3A_298 = arith.constant dense<0.000000e+00> : vector<64x64xf32>
    %dot_general3A_299 = tpu.matmul %slice3A_295, %slice3A_296, %dot_general3A_298 {dimension_numbers = #tpu.dot_dimension_numbers<[1], [1], [0], [0], [0, 0, 1, 0], [], []>, transpose_lhs_hint = false} : vector<64x256xf32>, vector<64x256xf32>, vector<64x64xf32> -> vector<64x64xf32>
    %exp3A_300 = math.exp %dot_general3A_299 : vector<64x64xf32>
    %reduce_sum3A_301 = arith.constant dense<0.000000e+00> : vector<64xf32>
    %reduce_sum3A_302 = vector.multi_reduction <add>, %exp3A_300, %reduce_sum3A_301 [1] : vector<64x64xf32> to vector<64xf32>
    %broadcast_in_dim3A_303 = vector.shape_cast %reduce_sum3A_302 : vector<64xf32> to vector<64x1xf32>
    %div3A_304 = vector.broadcast %broadcast_in_dim3A_303 : vector<64x1xf32> to vector<64x64xf32>
    %div3A_305 = arith.divf %exp3A_300, %div3A_304 : vector<64x64xf32>
    %dot_general3A_306 = arith.constant dense<0.000000e+00> : vector<64x256xf32>
    %dot_general3A_307 = tpu.matmul %div3A_305, %slice3A_297, %dot_general3A_306 {dimension_numbers = #tpu.dot_dimension_numbers<[1], [0], [0], [1], [0, 0, 1, 1], [], []>, transpose_lhs_hint = false} : vector<64x64xf32>, vector<64x256xf32>, vector<64x256xf32> -> vector<64x256xf32>
    %swap3A_308 = arith.constant 1088 : index
    %swap3A_309 = arith.constant 0 : index
    %swap3A_310 = vector.load %arg8[%swap3A_308, %swap3A_309] : memref<2048x256xf32, #tpu.memory_space<vmem>>, vector<64x256xf32>
    tpu.vector_store %arg8[%swap3A_308, %swap3A_309], %dot_general3A_307 {strides = array<i32>} : memref<2048x256xf32, #tpu.memory_space<vmem>>, vector<64x256xf32>,
    %slice3A_311 = vector.extract_strided_slice %add3A_13 {offsets = [1152, 0], sizes = [64, 256], strides = [1, 1]} : vector<2048x256xf32> to vector<64x256xf32>
    %slice3A_312 = vector.extract_strided_slice %dot_general3A_18 {offsets = [1152, 0], sizes = [64, 256], strides = [1, 1]} : vector<2048x256xf32> to vector<64x256xf32>
    %slice3A_313 = vector.extract_strided_slice %add3A_28 {offsets = [1152, 0], sizes = [64, 256], strides = [1, 1]} : vector<2048x256xf32> to vector<64x256xf32>
    %dot_general3A_314 = arith.constant dense<0.000000e+00> : vector<64x64xf32>
    %dot_general3A_315 = tpu.matmul %slice3A_311, %slice3A_312, %dot_general3A_314 {dimension_numbers = #tpu.dot_dimension_numbers<[1], [1], [0], [0], [0, 0, 1, 0], [], []>, transpose_lhs_hint = false} : vector<64x256xf32>, vector<64x256xf32>, vector<64x64xf32> -> vector<64x64xf32>
    %exp3A_316 = math.exp %dot_general3A_315 : vector<64x64xf32>
    %reduce_sum3A_317 = arith.constant dense<0.000000e+00> : vector<64xf32>
    %reduce_sum3A_318 = vector.multi_reduction <add>, %exp3A_316, %reduce_sum3A_317 [1] : vector<64x64xf32> to vector<64xf32>
    %broadcast_in_dim3A_319 = vector.shape_cast %reduce_sum3A_318 : vector<64xf32> to vector<64x1xf32>
    %div3A_320 = vector.broadcast %broadcast_in_dim3A_319 : vector<64x1xf32> to vector<64x64xf32>
    %div3A_321 = arith.divf %exp3A_316, %div3A_320 : vector<64x64xf32>
    %dot_general3A_322 = arith.constant dense<0.000000e+00> : vector<64x256xf32>
    %dot_general3A_323 = tpu.matmul %div3A_321, %slice3A_313, %dot_general3A_322 {dimension_numbers = #tpu.dot_dimension_numbers<[1], [0], [0], [1], [0, 0, 1, 1], [], []>, transpose_lhs_hint = false} : vector<64x64xf32>, vector<64x256xf32>, vector<64x256xf32> -> vector<64x256xf32>
    %swap3A_324 = arith.constant 1152 : index
    %swap3A_325 = arith.constant 0 : index
    %swap3A_326 = vector.load %arg8[%swap3A_324, %swap3A_325] : memref<2048x256xf32, #tpu.memory_space<vmem>>, vector<64x256xf32>
    tpu.vector_store %arg8[%swap3A_324, %swap3A_325], %dot_general3A_323 {strides = array<i32>} : memref<2048x256xf32, #tpu.memory_space<vmem>>, vector<64x256xf32>,
    %slice3A_327 = vector.extract_strided_slice %add3A_13 {offsets = [1216, 0], sizes = [64, 256], strides = [1, 1]} : vector<2048x256xf32> to vector<64x256xf32>
    %slice3A_328 = vector.extract_strided_slice %dot_general3A_18 {offsets = [1216, 0], sizes = [64, 256], strides = [1, 1]} : vector<2048x256xf32> to vector<64x256xf32>
    %slice3A_329 = vector.extract_strided_slice %add3A_28 {offsets = [1216, 0], sizes = [64, 256], strides = [1, 1]} : vector<2048x256xf32> to vector<64x256xf32>
    %dot_general3A_330 = arith.constant dense<0.000000e+00> : vector<64x64xf32>
    %dot_general3A_331 = tpu.matmul %slice3A_327, %slice3A_328, %dot_general3A_330 {dimension_numbers = #tpu.dot_dimension_numbers<[1], [1], [0], [0], [0, 0, 1, 0], [], []>, transpose_lhs_hint = false} : vector<64x256xf32>, vector<64x256xf32>, vector<64x64xf32> -> vector<64x64xf32>
    %exp3A_332 = math.exp %dot_general3A_331 : vector<64x64xf32>
    %reduce_sum3A_333 = arith.constant dense<0.000000e+00> : vector<64xf32>
    %reduce_sum3A_334 = vector.multi_reduction <add>, %exp3A_332, %reduce_sum3A_333 [1] : vector<64x64xf32> to vector<64xf32>
    %broadcast_in_dim3A_335 = vector.shape_cast %reduce_sum3A_334 : vector<64xf32> to vector<64x1xf32>
    %div3A_336 = vector.broadcast %broadcast_in_dim3A_335 : vector<64x1xf32> to vector<64x64xf32>
    %div3A_337 = arith.divf %exp3A_332, %div3A_336 : vector<64x64xf32>
    %dot_general3A_338 = arith.constant dense<0.000000e+00> : vector<64x256xf32>
    %dot_general3A_339 = tpu.matmul %div3A_337, %slice3A_329, %dot_general3A_338 {dimension_numbers = #tpu.dot_dimension_numbers<[1], [0], [0], [1], [0, 0, 1, 1], [], []>, transpose_lhs_hint = false} : vector<64x64xf32>, vector<64x256xf32>, vector<64x256xf32> -> vector<64x256xf32>
    %swap3A_340 = arith.constant 1216 : index
    %swap3A_341 = arith.constant 0 : index
    %swap3A_342 = vector.load %arg8[%swap3A_340, %swap3A_341] : memref<2048x256xf32, #tpu.memory_space<vmem>>, vector<64x256xf32>
    tpu.vector_store %arg8[%swap3A_340, %swap3A_341], %dot_general3A_339 {strides = array<i32>} : memref<2048x256xf32, #tpu.memory_space<vmem>>, vector<64x256xf32>,
    %slice3A_343 = vector.extract_strided_slice %add3A_13 {offsets = [1280, 0], sizes = [64, 256], strides = [1, 1]} : vector<2048x256xf32> to vector<64x256xf32>
    %slice3A_344 = vector.extract_strided_slice %dot_general3A_18 {offsets = [1280, 0], sizes = [64, 256], strides = [1, 1]} : vector<2048x256xf32> to vector<64x256xf32>
    %slice3A_345 = vector.extract_strided_slice %add3A_28 {offsets = [1280, 0], sizes = [64, 256], strides = [1, 1]} : vector<2048x256xf32> to vector<64x256xf32>
    %dot_general3A_346 = arith.constant dense<0.000000e+00> : vector<64x64xf32>
    %dot_general3A_347 = tpu.matmul %slice3A_343, %slice3A_344, %dot_general3A_346 {dimension_numbers = #tpu.dot_dimension_numbers<[1], [1], [0], [0], [0, 0, 1, 0], [], []>, transpose_lhs_hint = false} : vector<64x256xf32>, vector<64x256xf32>, vector<64x64xf32> -> vector<64x64xf32>
    %exp3A_348 = math.exp %dot_general3A_347 : vector<64x64xf32>
    %reduce_sum3A_349 = arith.constant dense<0.000000e+00> : vector<64xf32>
    %reduce_sum3A_350 = vector.multi_reduction <add>, %exp3A_348, %reduce_sum3A_349 [1] : vector<64x64xf32> to vector<64xf32>
    %broadcast_in_dim3A_351 = vector.shape_cast %reduce_sum3A_350 : vector<64xf32> to vector<64x1xf32>
    %div3A_352 = vector.broadcast %broadcast_in_dim3A_351 : vector<64x1xf32> to vector<64x64xf32>
    %div3A_353 = arith.divf %exp3A_348, %div3A_352 : vector<64x64xf32>
    %dot_general3A_354 = arith.constant dense<0.000000e+00> : vector<64x256xf32>
    %dot_general3A_355 = tpu.matmul %div3A_353, %slice3A_345, %dot_general3A_354 {dimension_numbers = #tpu.dot_dimension_numbers<[1], [0], [0], [1], [0, 0, 1, 1], [], []>, transpose_lhs_hint = false} : vector<64x64xf32>, vector<64x256xf32>, vector<64x256xf32> -> vector<64x256xf32>
    %swap3A_356 = arith.constant 1280 : index
    %swap3A_357 = arith.constant 0 : index
    %swap3A_358 = vector.load %arg8[%swap3A_356, %swap3A_357] : memref<2048x256xf32, #tpu.memory_space<vmem>>, vector<64x256xf32>
    tpu.vector_store %arg8[%swap3A_356, %swap3A_357], %dot_general3A_355 {strides = array<i32>} : memref<2048x256xf32, #tpu.memory_space<vmem>>, vector<64x256xf32>,
    %slice3A_359 = vector.extract_strided_slice %add3A_13 {offsets = [1344, 0], sizes = [64, 256], strides = [1, 1]} : vector<2048x256xf32> to vector<64x256xf32>
    %slice3A_360 = vector.extract_strided_slice %dot_general3A_18 {offsets = [1344, 0], sizes = [64, 256], strides = [1, 1]} : vector<2048x256xf32> to vector<64x256xf32>
    %slice3A_361 = vector.extract_strided_slice %add3A_28 {offsets = [1344, 0], sizes = [64, 256], strides = [1, 1]} : vector<2048x256xf32> to vector<64x256xf32>
    %dot_general3A_362 = arith.constant dense<0.000000e+00> : vector<64x64xf32>
    %dot_general3A_363 = tpu.matmul %slice3A_359, %slice3A_360, %dot_general3A_362 {dimension_numbers = #tpu.dot_dimension_numbers<[1], [1], [0], [0], [0, 0, 1, 0], [], []>, transpose_lhs_hint = false} : vector<64x256xf32>, vector<64x256xf32>, vector<64x64xf32> -> vector<64x64xf32>
    %exp3A_364 = math.exp %dot_general3A_363 : vector<64x64xf32>
    %reduce_sum3A_365 = arith.constant dense<0.000000e+00> : vector<64xf32>
    %reduce_sum3A_366 = vector.multi_reduction <add>, %exp3A_364, %reduce_sum3A_365 [1] : vector<64x64xf32> to vector<64xf32>
    %broadcast_in_dim3A_367 = vector.shape_cast %reduce_sum3A_366 : vector<64xf32> to vector<64x1xf32>
    %div3A_368 = vector.broadcast %broadcast_in_dim3A_367 : vector<64x1xf32> to vector<64x64xf32>
    %div3A_369 = arith.divf %exp3A_364, %div3A_368 : vector<64x64xf32>
    %dot_general3A_370 = arith.constant dense<0.000000e+00> : vector<64x256xf32>
    %dot_general3A_371 = tpu.matmul %div3A_369, %slice3A_361, %dot_general3A_370 {dimension_numbers = #tpu.dot_dimension_numbers<[1], [0], [0], [1], [0, 0, 1, 1], [], []>, transpose_lhs_hint = false} : vector<64x64xf32>, vector<64x256xf32>, vector<64x256xf32> -> vector<64x256xf32>
    %swap3A_372 = arith.constant 1344 : index
    %swap3A_373 = arith.constant 0 : index
    %swap3A_374 = vector.load %arg8[%swap3A_372, %swap3A_373] : memref<2048x256xf32, #tpu.memory_space<vmem>>, vector<64x256xf32>
    tpu.vector_store %arg8[%swap3A_372, %swap3A_373], %dot_general3A_371 {strides = array<i32>} : memref<2048x256xf32, #tpu.memory_space<vmem>>, vector<64x256xf32>,
    %slice3A_375 = vector.extract_strided_slice %add3A_13 {offsets = [1408, 0], sizes = [64, 256], strides = [1, 1]} : vector<2048x256xf32> to vector<64x256xf32>
    %slice3A_376 = vector.extract_strided_slice %dot_general3A_18 {offsets = [1408, 0], sizes = [64, 256], strides = [1, 1]} : vector<2048x256xf32> to vector<64x256xf32>
    %slice3A_377 = vector.extract_strided_slice %add3A_28 {offsets = [1408, 0], sizes = [64, 256], strides = [1, 1]} : vector<2048x256xf32> to vector<64x256xf32>
    %dot_general3A_378 = arith.constant dense<0.000000e+00> : vector<64x64xf32>
    %dot_general3A_379 = tpu.matmul %slice3A_375, %slice3A_376, %dot_general3A_378 {dimension_numbers = #tpu.dot_dimension_numbers<[1], [1], [0], [0], [0, 0, 1, 0], [], []>, transpose_lhs_hint = false} : vector<64x256xf32>, vector<64x256xf32>, vector<64x64xf32> -> vector<64x64xf32>
    %exp3A_380 = math.exp %dot_general3A_379 : vector<64x64xf32>
    %reduce_sum3A_381 = arith.constant dense<0.000000e+00> : vector<64xf32>
    %reduce_sum3A_382 = vector.multi_reduction <add>, %exp3A_380, %reduce_sum3A_381 [1] : vector<64x64xf32> to vector<64xf32>
    %broadcast_in_dim3A_383 = vector.shape_cast %reduce_sum3A_382 : vector<64xf32> to vector<64x1xf32>
    %div3A_384 = vector.broadcast %broadcast_in_dim3A_383 : vector<64x1xf32> to vector<64x64xf32>
    %div3A_385 = arith.divf %exp3A_380, %div3A_384 : vector<64x64xf32>
    %dot_general3A_386 = arith.constant dense<0.000000e+00> : vector<64x256xf32>
    %dot_general3A_387 = tpu.matmul %div3A_385, %slice3A_377, %dot_general3A_386 {dimension_numbers = #tpu.dot_dimension_numbers<[1], [0], [0], [1], [0, 0, 1, 1], [], []>, transpose_lhs_hint = false} : vector<64x64xf32>, vector<64x256xf32>, vector<64x256xf32> -> vector<64x256xf32>
    %swap3A_388 = arith.constant 1408 : index
    %swap3A_389 = arith.constant 0 : index
    %swap3A_390 = vector.load %arg8[%swap3A_388, %swap3A_389] : memref<2048x256xf32, #tpu.memory_space<vmem>>, vector<64x256xf32>
    tpu.vector_store %arg8[%swap3A_388, %swap3A_389], %dot_general3A_387 {strides = array<i32>} : memref<2048x256xf32, #tpu.memory_space<vmem>>, vector<64x256xf32>,
    %slice3A_391 = vector.extract_strided_slice %add3A_13 {offsets = [1472, 0], sizes = [64, 256], strides = [1, 1]} : vector<2048x256xf32> to vector<64x256xf32>
    %slice3A_392 = vector.extract_strided_slice %dot_general3A_18 {offsets = [1472, 0], sizes = [64, 256], strides = [1, 1]} : vector<2048x256xf32> to vector<64x256xf32>
    %slice3A_393 = vector.extract_strided_slice %add3A_28 {offsets = [1472, 0], sizes = [64, 256], strides = [1, 1]} : vector<2048x256xf32> to vector<64x256xf32>
    %dot_general3A_394 = arith.constant dense<0.000000e+00> : vector<64x64xf32>
    %dot_general3A_395 = tpu.matmul %slice3A_391, %slice3A_392, %dot_general3A_394 {dimension_numbers = #tpu.dot_dimension_numbers<[1], [1], [0], [0], [0, 0, 1, 0], [], []>, transpose_lhs_hint = false} : vector<64x256xf32>, vector<64x256xf32>, vector<64x64xf32> -> vector<64x64xf32>
    %exp3A_396 = math.exp %dot_general3A_395 : vector<64x64xf32>
    %reduce_sum3A_397 = arith.constant dense<0.000000e+00> : vector<64xf32>
    %reduce_sum3A_398 = vector.multi_reduction <add>, %exp3A_396, %reduce_sum3A_397 [1] : vector<64x64xf32> to vector<64xf32>
    %broadcast_in_dim3A_399 = vector.shape_cast %reduce_sum3A_398 : vector<64xf32> to vector<64x1xf32>
    %div3A_400 = vector.broadcast %broadcast_in_dim3A_399 : vector<64x1xf32> to vector<64x64xf32>
    %div3A_401 = arith.divf %exp3A_396, %div3A_400 : vector<64x64xf32>
    %dot_general3A_402 = arith.constant dense<0.000000e+00> : vector<64x256xf32>
    %dot_general3A_403 = tpu.matmul %div3A_401, %slice3A_393, %dot_general3A_402 {dimension_numbers = #tpu.dot_dimension_numbers<[1], [0], [0], [1], [0, 0, 1, 1], [], []>, transpose_lhs_hint = false} : vector<64x64xf32>, vector<64x256xf32>, vector<64x256xf32> -> vector<64x256xf32>
    %swap3A_404 = arith.constant 1472 : index
    %swap3A_405 = arith.constant 0 : index
    %swap3A_406 = vector.load %arg8[%swap3A_404, %swap3A_405] : memref<2048x256xf32, #tpu.memory_space<vmem>>, vector<64x256xf32>
    tpu.vector_store %arg8[%swap3A_404, %swap3A_405], %dot_general3A_403 {strides = array<i32>} : memref<2048x256xf32, #tpu.memory_space<vmem>>, vector<64x256xf32>,
    %slice3A_407 = vector.extract_strided_slice %add3A_13 {offsets = [1536, 0], sizes = [64, 256], strides = [1, 1]} : vector<2048x256xf32> to vector<64x256xf32>
    %slice3A_408 = vector.extract_strided_slice %dot_general3A_18 {offsets = [1536, 0], sizes = [64, 256], strides = [1, 1]} : vector<2048x256xf32> to vector<64x256xf32>
    %slice3A_409 = vector.extract_strided_slice %add3A_28 {offsets = [1536, 0], sizes = [64, 256], strides = [1, 1]} : vector<2048x256xf32> to vector<64x256xf32>
    %dot_general3A_410 = arith.constant dense<0.000000e+00> : vector<64x64xf32>
    %dot_general3A_411 = tpu.matmul %slice3A_407, %slice3A_408, %dot_general3A_410 {dimension_numbers = #tpu.dot_dimension_numbers<[1], [1], [0], [0], [0, 0, 1, 0], [], []>, transpose_lhs_hint = false} : vector<64x256xf32>, vector<64x256xf32>, vector<64x64xf32> -> vector<64x64xf32>
    %exp3A_412 = math.exp %dot_general3A_411 : vector<64x64xf32>
    %reduce_sum3A_413 = arith.constant dense<0.000000e+00> : vector<64xf32>
    %reduce_sum3A_414 = vector.multi_reduction <add>, %exp3A_412, %reduce_sum3A_413 [1] : vector<64x64xf32> to vector<64xf32>
    %broadcast_in_dim3A_415 = vector.shape_cast %reduce_sum3A_414 : vector<64xf32> to vector<64x1xf32>
    %div3A_416 = vector.broadcast %broadcast_in_dim3A_415 : vector<64x1xf32> to vector<64x64xf32>
    %div3A_417 = arith.divf %exp3A_412, %div3A_416 : vector<64x64xf32>
    %dot_general3A_418 = arith.constant dense<0.000000e+00> : vector<64x256xf32>
    %dot_general3A_419 = tpu.matmul %div3A_417, %slice3A_409, %dot_general3A_418 {dimension_numbers = #tpu.dot_dimension_numbers<[1], [0], [0], [1], [0, 0, 1, 1], [], []>, transpose_lhs_hint = false} : vector<64x64xf32>, vector<64x256xf32>, vector<64x256xf32> -> vector<64x256xf32>
    %swap3A_420 = arith.constant 1536 : index
    %swap3A_421 = arith.constant 0 : index
    %swap3A_422 = vector.load %arg8[%swap3A_420, %swap3A_421] : memref<2048x256xf32, #tpu.memory_space<vmem>>, vector<64x256xf32>
    tpu.vector_store %arg8[%swap3A_420, %swap3A_421], %dot_general3A_419 {strides = array<i32>} : memref<2048x256xf32, #tpu.memory_space<vmem>>, vector<64x256xf32>,
    %slice3A_423 = vector.extract_strided_slice %add3A_13 {offsets = [1600, 0], sizes = [64, 256], strides = [1, 1]} : vector<2048x256xf32> to vector<64x256xf32>
    %slice3A_424 = vector.extract_strided_slice %dot_general3A_18 {offsets = [1600, 0], sizes = [64, 256], strides = [1, 1]} : vector<2048x256xf32> to vector<64x256xf32>
    %slice3A_425 = vector.extract_strided_slice %add3A_28 {offsets = [1600, 0], sizes = [64, 256], strides = [1, 1]} : vector<2048x256xf32> to vector<64x256xf32>
    %dot_general3A_426 = arith.constant dense<0.000000e+00> : vector<64x64xf32>
    %dot_general3A_427 = tpu.matmul %slice3A_423, %slice3A_424, %dot_general3A_426 {dimension_numbers = #tpu.dot_dimension_numbers<[1], [1], [0], [0], [0, 0, 1, 0], [], []>, transpose_lhs_hint = false} : vector<64x256xf32>, vector<64x256xf32>, vector<64x64xf32> -> vector<64x64xf32>
    %exp3A_428 = math.exp %dot_general3A_427 : vector<64x64xf32>
    %reduce_sum3A_429 = arith.constant dense<0.000000e+00> : vector<64xf32>
    %reduce_sum3A_430 = vector.multi_reduction <add>, %exp3A_428, %reduce_sum3A_429 [1] : vector<64x64xf32> to vector<64xf32>
    %broadcast_in_dim3A_431 = vector.shape_cast %reduce_sum3A_430 : vector<64xf32> to vector<64x1xf32>
    %div3A_432 = vector.broadcast %broadcast_in_dim3A_431 : vector<64x1xf32> to vector<64x64xf32>
    %div3A_433 = arith.divf %exp3A_428, %div3A_432 : vector<64x64xf32>
    %dot_general3A_434 = arith.constant dense<0.000000e+00> : vector<64x256xf32>
    %dot_general3A_435 = tpu.matmul %div3A_433, %slice3A_425, %dot_general3A_434 {dimension_numbers = #tpu.dot_dimension_numbers<[1], [0], [0], [1], [0, 0, 1, 1], [], []>, transpose_lhs_hint = false} : vector<64x64xf32>, vector<64x256xf32>, vector<64x256xf32> -> vector<64x256xf32>
    %swap3A_436 = arith.constant 1600 : index
    %swap3A_437 = arith.constant 0 : index
    %swap3A_438 = vector.load %arg8[%swap3A_436, %swap3A_437] : memref<2048x256xf32, #tpu.memory_space<vmem>>, vector<64x256xf32>
    tpu.vector_store %arg8[%swap3A_436, %swap3A_437], %dot_general3A_435 {strides = array<i32>} : memref<2048x256xf32, #tpu.memory_space<vmem>>, vector<64x256xf32>,
    %slice3A_439 = vector.extract_strided_slice %add3A_13 {offsets = [1664, 0], sizes = [64, 256], strides = [1, 1]} : vector<2048x256xf32> to vector<64x256xf32>
    %slice3A_440 = vector.extract_strided_slice %dot_general3A_18 {offsets = [1664, 0], sizes = [64, 256], strides = [1, 1]} : vector<2048x256xf32> to vector<64x256xf32>
    %slice3A_441 = vector.extract_strided_slice %add3A_28 {offsets = [1664, 0], sizes = [64, 256], strides = [1, 1]} : vector<2048x256xf32> to vector<64x256xf32>
    %dot_general3A_442 = arith.constant dense<0.000000e+00> : vector<64x64xf32>
    %dot_general3A_443 = tpu.matmul %slice3A_439, %slice3A_440, %dot_general3A_442 {dimension_numbers = #tpu.dot_dimension_numbers<[1], [1], [0], [0], [0, 0, 1, 0], [], []>, transpose_lhs_hint = false} : vector<64x256xf32>, vector<64x256xf32>, vector<64x64xf32> -> vector<64x64xf32>
    %exp3A_444 = math.exp %dot_general3A_443 : vector<64x64xf32>
    %reduce_sum3A_445 = arith.constant dense<0.000000e+00> : vector<64xf32>
    %reduce_sum3A_446 = vector.multi_reduction <add>, %exp3A_444, %reduce_sum3A_445 [1] : vector<64x64xf32> to vector<64xf32>
    %broadcast_in_dim3A_447 = vector.shape_cast %reduce_sum3A_446 : vector<64xf32> to vector<64x1xf32>
    %div3A_448 = vector.broadcast %broadcast_in_dim3A_447 : vector<64x1xf32> to vector<64x64xf32>
    %div3A_449 = arith.divf %exp3A_444, %div3A_448 : vector<64x64xf32>
    %dot_general3A_450 = arith.constant dense<0.000000e+00> : vector<64x256xf32>
    %dot_general3A_451 = tpu.matmul %div3A_449, %slice3A_441, %dot_general3A_450 {dimension_numbers = #tpu.dot_dimension_numbers<[1], [0], [0], [1], [0, 0, 1, 1], [], []>, transpose_lhs_hint = false} : vector<64x64xf32>, vector<64x256xf32>, vector<64x256xf32> -> vector<64x256xf32>
    %swap3A_452 = arith.constant 1664 : index
    %swap3A_453 = arith.constant 0 : index
    %swap3A_454 = vector.load %arg8[%swap3A_452, %swap3A_453] : memref<2048x256xf32, #tpu.memory_space<vmem>>, vector<64x256xf32>
    tpu.vector_store %arg8[%swap3A_452, %swap3A_453], %dot_general3A_451 {strides = array<i32>} : memref<2048x256xf32, #tpu.memory_space<vmem>>, vector<64x256xf32>,
    %slice3A_455 = vector.extract_strided_slice %add3A_13 {offsets = [1728, 0], sizes = [64, 256], strides = [1, 1]} : vector<2048x256xf32> to vector<64x256xf32>
    %slice3A_456 = vector.extract_strided_slice %dot_general3A_18 {offsets = [1728, 0], sizes = [64, 256], strides = [1, 1]} : vector<2048x256xf32> to vector<64x256xf32>
    %slice3A_457 = vector.extract_strided_slice %add3A_28 {offsets = [1728, 0], sizes = [64, 256], strides = [1, 1]} : vector<2048x256xf32> to vector<64x256xf32>
    %dot_general3A_458 = arith.constant dense<0.000000e+00> : vector<64x64xf32>
    %dot_general3A_459 = tpu.matmul %slice3A_455, %slice3A_456, %dot_general3A_458 {dimension_numbers = #tpu.dot_dimension_numbers<[1], [1], [0], [0], [0, 0, 1, 0], [], []>, transpose_lhs_hint = false} : vector<64x256xf32>, vector<64x256xf32>, vector<64x64xf32> -> vector<64x64xf32>
    %exp3A_460 = math.exp %dot_general3A_459 : vector<64x64xf32>
    %reduce_sum3A_461 = arith.constant dense<0.000000e+00> : vector<64xf32>
    %reduce_sum3A_462 = vector.multi_reduction <add>, %exp3A_460, %reduce_sum3A_461 [1] : vector<64x64xf32> to vector<64xf32>
    %broadcast_in_dim3A_463 = vector.shape_cast %reduce_sum3A_462 : vector<64xf32> to vector<64x1xf32>
    %div3A_464 = vector.broadcast %broadcast_in_dim3A_463 : vector<64x1xf32> to vector<64x64xf32>
    %div3A_465 = arith.divf %exp3A_460, %div3A_464 : vector<64x64xf32>
    %dot_general3A_466 = arith.constant dense<0.000000e+00> : vector<64x256xf32>
    %dot_general3A_467 = tpu.matmul %div3A_465, %slice3A_457, %dot_general3A_466 {dimension_numbers = #tpu.dot_dimension_numbers<[1], [0], [0], [1], [0, 0, 1, 1], [], []>, transpose_lhs_hint = false} : vector<64x64xf32>, vector<64x256xf32>, vector<64x256xf32> -> vector<64x256xf32>
    %swap3A_468 = arith.constant 1728 : index
    %swap3A_469 = arith.constant 0 : index
    %swap3A_470 = vector.load %arg8[%swap3A_468, %swap3A_469] : memref<2048x256xf32, #tpu.memory_space<vmem>>, vector<64x256xf32>
    tpu.vector_store %arg8[%swap3A_468, %swap3A_469], %dot_general3A_467 {strides = array<i32>} : memref<2048x256xf32, #tpu.memory_space<vmem>>, vector<64x256xf32>,
    %slice3A_471 = vector.extract_strided_slice %add3A_13 {offsets = [1792, 0], sizes = [64, 256], strides = [1, 1]} : vector<2048x256xf32> to vector<64x256xf32>
    %slice3A_472 = vector.extract_strided_slice %dot_general3A_18 {offsets = [1792, 0], sizes = [64, 256], strides = [1, 1]} : vector<2048x256xf32> to vector<64x256xf32>
    %slice3A_473 = vector.extract_strided_slice %add3A_28 {offsets = [1792, 0], sizes = [64, 256], strides = [1, 1]} : vector<2048x256xf32> to vector<64x256xf32>
    %dot_general3A_474 = arith.constant dense<0.000000e+00> : vector<64x64xf32>
    %dot_general3A_475 = tpu.matmul %slice3A_471, %slice3A_472, %dot_general3A_474 {dimension_numbers = #tpu.dot_dimension_numbers<[1], [1], [0], [0], [0, 0, 1, 0], [], []>, transpose_lhs_hint = false} : vector<64x256xf32>, vector<64x256xf32>, vector<64x64xf32> -> vector<64x64xf32>
    %exp3A_476 = math.exp %dot_general3A_475 : vector<64x64xf32>
    %reduce_sum3A_477 = arith.constant dense<0.000000e+00> : vector<64xf32>
    %reduce_sum3A_478 = vector.multi_reduction <add>, %exp3A_476, %reduce_sum3A_477 [1] : vector<64x64xf32> to vector<64xf32>
    %broadcast_in_dim3A_479 = vector.shape_cast %reduce_sum3A_478 : vector<64xf32> to vector<64x1xf32>
    %div3A_480 = vector.broadcast %broadcast_in_dim3A_479 : vector<64x1xf32> to vector<64x64xf32>
    %div3A_481 = arith.divf %exp3A_476, %div3A_480 : vector<64x64xf32>
    %dot_general3A_482 = arith.constant dense<0.000000e+00> : vector<64x256xf32>
    %dot_general3A_483 = tpu.matmul %div3A_481, %slice3A_473, %dot_general3A_482 {dimension_numbers = #tpu.dot_dimension_numbers<[1], [0], [0], [1], [0, 0, 1, 1], [], []>, transpose_lhs_hint = false} : vector<64x64xf32>, vector<64x256xf32>, vector<64x256xf32> -> vector<64x256xf32>
    %swap3A_484 = arith.constant 1792 : index
    %swap3A_485 = arith.constant 0 : index
    %swap3A_486 = vector.load %arg8[%swap3A_484, %swap3A_485] : memref<2048x256xf32, #tpu.memory_space<vmem>>, vector<64x256xf32>
    tpu.vector_store %arg8[%swap3A_484, %swap3A_485], %dot_general3A_483 {strides = array<i32>} : memref<2048x256xf32, #tpu.memory_space<vmem>>, vector<64x256xf32>,
    %slice3A_487 = vector.extract_strided_slice %add3A_13 {offsets = [1856, 0], sizes = [64, 256], strides = [1, 1]} : vector<2048x256xf32> to vector<64x256xf32>
    %slice3A_488 = vector.extract_strided_slice %dot_general3A_18 {offsets = [1856, 0], sizes = [64, 256], strides = [1, 1]} : vector<2048x256xf32> to vector<64x256xf32>
    %slice3A_489 = vector.extract_strided_slice %add3A_28 {offsets = [1856, 0], sizes = [64, 256], strides = [1, 1]} : vector<2048x256xf32> to vector<64x256xf32>
    %dot_general3A_490 = arith.constant dense<0.000000e+00> : vector<64x64xf32>
    %dot_general3A_491 = tpu.matmul %slice3A_487, %slice3A_488, %dot_general3A_490 {dimension_numbers = #tpu.dot_dimension_numbers<[1], [1], [0], [0], [0, 0, 1, 0], [], []>, transpose_lhs_hint = false} : vector<64x256xf32>, vector<64x256xf32>, vector<64x64xf32> -> vector<64x64xf32>
    %exp3A_492 = math.exp %dot_general3A_491 : vector<64x64xf32>
    %reduce_sum3A_493 = arith.constant dense<0.000000e+00> : vector<64xf32>
    %reduce_sum3A_494 = vector.multi_reduction <add>, %exp3A_492, %reduce_sum3A_493 [1] : vector<64x64xf32> to vector<64xf32>
    %broadcast_in_dim3A_495 = vector.shape_cast %reduce_sum3A_494 : vector<64xf32> to vector<64x1xf32>
    %div3A_496 = vector.broadcast %broadcast_in_dim3A_495 : vector<64x1xf32> to vector<64x64xf32>
    %div3A_497 = arith.divf %exp3A_492, %div3A_496 : vector<64x64xf32>
    %dot_general3A_498 = arith.constant dense<0.000000e+00> : vector<64x256xf32>
    %dot_general3A_499 = tpu.matmul %div3A_497, %slice3A_489, %dot_general3A_498 {dimension_numbers = #tpu.dot_dimension_numbers<[1], [0], [0], [1], [0, 0, 1, 1], [], []>, transpose_lhs_hint = false} : vector<64x64xf32>, vector<64x256xf32>, vector<64x256xf32> -> vector<64x256xf32>
    %swap3A_500 = arith.constant 1856 : index
    %swap3A_501 = arith.constant 0 : index
    %swap3A_502 = vector.load %arg8[%swap3A_500, %swap3A_501] : memref<2048x256xf32, #tpu.memory_space<vmem>>, vector<64x256xf32>
    tpu.vector_store %arg8[%swap3A_500, %swap3A_501], %dot_general3A_499 {strides = array<i32>} : memref<2048x256xf32, #tpu.memory_space<vmem>>, vector<64x256xf32>,
    %slice3A_503 = vector.extract_strided_slice %add3A_13 {offsets = [1920, 0], sizes = [64, 256], strides = [1, 1]} : vector<2048x256xf32> to vector<64x256xf32>
    %slice3A_504 = vector.extract_strided_slice %dot_general3A_18 {offsets = [1920, 0], sizes = [64, 256], strides = [1, 1]} : vector<2048x256xf32> to vector<64x256xf32>
    %slice3A_505 = vector.extract_strided_slice %add3A_28 {offsets = [1920, 0], sizes = [64, 256], strides = [1, 1]} : vector<2048x256xf32> to vector<64x256xf32>
    %dot_general3A_506 = arith.constant dense<0.000000e+00> : vector<64x64xf32>
    %dot_general3A_507 = tpu.matmul %slice3A_503, %slice3A_504, %dot_general3A_506 {dimension_numbers = #tpu.dot_dimension_numbers<[1], [1], [0], [0], [0, 0, 1, 0], [], []>, transpose_lhs_hint = false} : vector<64x256xf32>, vector<64x256xf32>, vector<64x64xf32> -> vector<64x64xf32>
    %exp3A_508 = math.exp %dot_general3A_507 : vector<64x64xf32>
    %reduce_sum3A_509 = arith.constant dense<0.000000e+00> : vector<64xf32>
    %reduce_sum3A_510 = vector.multi_reduction <add>, %exp3A_508, %reduce_sum3A_509 [1] : vector<64x64xf32> to vector<64xf32>
    %broadcast_in_dim3A_511 = vector.shape_cast %reduce_sum3A_510 : vector<64xf32> to vector<64x1xf32>
    %div3A_512 = vector.broadcast %broadcast_in_dim3A_511 : vector<64x1xf32> to vector<64x64xf32>
    %div3A_513 = arith.divf %exp3A_508, %div3A_512 : vector<64x64xf32>
    %dot_general3A_514 = arith.constant dense<0.000000e+00> : vector<64x256xf32>
    %dot_general3A_515 = tpu.matmul %div3A_513, %slice3A_505, %dot_general3A_514 {dimension_numbers = #tpu.dot_dimension_numbers<[1], [0], [0], [1], [0, 0, 1, 1], [], []>, transpose_lhs_hint = false} : vector<64x64xf32>, vector<64x256xf32>, vector<64x256xf32> -> vector<64x256xf32>
    %swap3A_516 = arith.constant 1920 : index
    %swap3A_517 = arith.constant 0 : index
    %swap3A_518 = vector.load %arg8[%swap3A_516, %swap3A_517] : memref<2048x256xf32, #tpu.memory_space<vmem>>, vector<64x256xf32>
    tpu.vector_store %arg8[%swap3A_516, %swap3A_517], %dot_general3A_515 {strides = array<i32>} : memref<2048x256xf32, #tpu.memory_space<vmem>>, vector<64x256xf32>,
    %slice3A_519 = vector.extract_strided_slice %add3A_13 {offsets = [1984, 0], sizes = [64, 256], strides = [1, 1]} : vector<2048x256xf32> to vector<64x256xf32>
    %slice3A_520 = vector.extract_strided_slice %dot_general3A_18 {offsets = [1984, 0], sizes = [64, 256], strides = [1, 1]} : vector<2048x256xf32> to vector<64x256xf32>
    %slice3A_521 = vector.extract_strided_slice %add3A_28 {offsets = [1984, 0], sizes = [64, 256], strides = [1, 1]} : vector<2048x256xf32> to vector<64x256xf32>
    %dot_general3A_522 = arith.constant dense<0.000000e+00> : vector<64x64xf32>
    %dot_general3A_523 = tpu.matmul %slice3A_519, %slice3A_520, %dot_general3A_522 {dimension_numbers = #tpu.dot_dimension_numbers<[1], [1], [0], [0], [0, 0, 1, 0], [], []>, transpose_lhs_hint = false} : vector<64x256xf32>, vector<64x256xf32>, vector<64x64xf32> -> vector<64x64xf32>
    %exp3A_524 = math.exp %dot_general3A_523 : vector<64x64xf32>
    %reduce_sum3A_525 = arith.constant dense<0.000000e+00> : vector<64xf32>
    %reduce_sum3A_526 = vector.multi_reduction <add>, %exp3A_524, %reduce_sum3A_525 [1] : vector<64x64xf32> to vector<64xf32>
    %broadcast_in_dim3A_527 = vector.shape_cast %reduce_sum3A_526 : vector<64xf32> to vector<64x1xf32>
    %div3A_528 = vector.broadcast %broadcast_in_dim3A_527 : vector<64x1xf32> to vector<64x64xf32>
    %div3A_529 = arith.divf %exp3A_524, %div3A_528 : vector<64x64xf32>
    %dot_general3A_530 = arith.constant dense<0.000000e+00> : vector<64x256xf32>
    %dot_general3A_531 = tpu.matmul %div3A_529, %slice3A_521, %dot_general3A_530 {dimension_numbers = #tpu.dot_dimension_numbers<[1], [0], [0], [1], [0, 0, 1, 1], [], []>, transpose_lhs_hint = false} : vector<64x64xf32>, vector<64x256xf32>, vector<64x256xf32> -> vector<64x256xf32>
    %swap3A_532 = arith.constant 1984 : index
    %swap3A_533 = arith.constant 0 : index
    %swap3A_534 = vector.load %arg8[%swap3A_532, %swap3A_533] : memref<2048x256xf32, #tpu.memory_space<vmem>>, vector<64x256xf32>
    tpu.vector_store %arg8[%swap3A_532, %swap3A_533], %dot_general3A_531 {strides = array<i32>} : memref<2048x256xf32, #tpu.memory_space<vmem>>, vector<64x256xf32>,
    return
  }
  func.func @transform_0(%arg0: i32) -> (i32, i32) {
    %c0_i32 = arith.constant 0 : i32
    %c0_i32_0 = arith.constant 0 : i32
    return %arg0, %c0_i32 : i32, i32
  }
  func.func @transform_1(%arg0: i32) -> (i32, i32) {
    %c0_i32 = arith.constant 0 : i32
    %c0_i32_0 = arith.constant 0 : i32
    return %arg0, %c0_i32 : i32, i32
  }
  func.func @transform_2(%arg0: i32) -> (i32, i32) {
    %c0_i32 = arith.constant 0 : i32
    %c0_i32_0 = arith.constant 0 : i32
    %c0_i32_1 = arith.constant 0 : i32
    return %c0_i32, %c0_i32_0 : i32, i32
  }
  func.func @transform_3(%arg0: i32) -> (i32, i32) {
    %c0_i32 = arith.constant 0 : i32
    %c0_i32_0 = arith.constant 0 : i32
    %c0_i32_1 = arith.constant 0 : i32
    return %c0_i32, %c0_i32_0 : i32, i32
  }
  func.func @transform_4(%arg0: i32) -> (i32, i32) {
    %c0_i32 = arith.constant 0 : i32
    %c0_i32_0 = arith.constant 0 : i32
    %c0_i32_1 = arith.constant 0 : i32
    return %c0_i32, %c0_i32_0 : i32, i32
  }
  func.func @transform_5(%arg0: i32) -> (i32, i32) {
    %c0_i32 = arith.constant 0 : i32
    %c0_i32_0 = arith.constant 0 : i32
    %c0_i32_1 = arith.constant 0 : i32
    return %c0_i32, %c0_i32_0 : i32, i32
  }
  func.func @transform_6(%arg0: i32) -> (i32, i32) {
    %c0_i32 = arith.constant 0 : i32
    %c0_i32_0 = arith.constant 0 : i32
    %c0_i32_1 = arith.constant 0 : i32
    return %c0_i32, %c0_i32_0 : i32, i32
  }
  func.func @transform_7(%arg0: i32) -> (i32, i32) {
    %c0_i32 = arith.constant 0 : i32
    %c0_i32_0 = arith.constant 0 : i32
    return %arg0, %c0_i32 : i32, i32
  }
}

</mosaic_0001>

<sc_bundles>
// kernel: kernel.11.cloned.1.call-start
scs
__scs_entry_jumppad:
0x0: {  	(pc) =	sbr.rel $0x88, $3  }
0x1: {  	(tag) =	ssettag $0x0;
	lr =	simm.s32 $0x1  }
0x2: {  	[smem:$0x3F97] =	sst lr;
	_ =	strace $0xD0000000  }
0x3: {  	_ = 	snop  }
0x4: {  	_ = 	snop  }
0x5: {  	_ = 	snop  }
0x6: {  	_ = 	snop  }
0x7: {  	_ = 	snop  }
__scs_overlays_trampoline_lowered:
0x8: {  	[smem:$0x3FA6] =	sst s0  }
0x9: {  	[smem:$0x3FA7] =	sst s1  }
0xa: {  	[smem:$0x3FA8] =	sst s2  }
0xb: {  	[smem:$0x3FA9] =	sst s3  }
0xc: {  	[smem:$0x3FAA] =	sst s4  }
0xd: {  	[smem:$0x3FAB] =	sst s5  }
0xe: {  	[smem:$0x3FAC] =	sst s6  }
0xf: {  	[smem:$0x3FAD] =	sst s7  }
0x10: {  	[smem:$0x3FAE] =	sst s8  }
0x11: {  	[smem:$0x3FAF] =	sst s9;
	s0 =	simm.s32 @!p0 $0x0  }
0x12: {  	s1 =	sld [smem:$0x3F95];
	s0 =	simm.s32 @p0 $0x1  }
0x13: {  	[smem:$0x3FB0] =	sst s0;
	s0 =	simm.s32 @!p1 $0x0  }
0x14: {  	s2 =	sld [smem:$0x3F94];
	s0 =	simm.s32 @p1 $0x1  }
0x15: {  	[smem:$0x3FB1] =	sst s0;
	s0 =	simm.s32 @!p2 $0x0  }
0x16: {  	s3 =	sld [smem:$0x3FDB];
	s0 =	simm.s32 @p2 $0x1  }
0x17: {  	s4 =	simm.s32 $0x1BF5;
	[smem:$0x3FB3] =	sst s0  }
0x18: {  	s0 =	sld [smem:$0x3F96];
	_ =	swait.ge [sflag:s4], $0x0  }
0x19: {  	s7 =	sld [smem:$0x3F97]  }
0x1a: {  	s8 =	sadd.s32 $0xFFFFE003, lr  }
0x1b: {  	s9 =	sadd.s32 $0xFFFFFEF7, lr;
	s5 =	simm.s32 $0xFFFFFFFF;
	p2 =	slt.u32 s8, $0xFFFFF086  }
0x1c: {  	p1 =	slt.u32 s9, $0xF7A;
	s5 =	simm.s32 @!p2 $0x0  }
0x1d: {  	s5 =	simm.s32 @p1 $0x1;
	p0 =	seq.s32 s7, s2  }
0x1e: {  	s7 =	smul.u32 @!p0 $0xF7A, s2;
	p2 =	seq.s32 @!p0 s5, $0x0  }
0x1f: {  	s9 =	smul.u32 $0xF7A, s1;
	s8 =	simm.s32 @!p0 $0x1BF5;
	p2 =	por !p2, p0  }
0x20: {  	[sflag:s8] =	ssyncset.s32 @!p0 $0xFFFFF086;
	s6 =	sadd.s32 @!p0 s3, s7;
	s7 =	simm.s32 @!p0 $0x108  }
0x21: {  	s3 =	sadd.s32 s3, s9;
	s6 =	sadd.s32 @!p0 $0x88, s6;
	s7 =	simm.s32 @p2 $0x1082  }
0x22: {  	[simem:s7], [sflag:s8] =	dma.local @!p0 [hbm:s6], $0xF7A  }
0x23: {  	s9 =	sor.u32 $0xD0000000, s2;
	s6 =	simm.s32 $0x108;
	_ =	swait.ge @!p0 [sflag:s8], $0x0  }
0x24: {  	s3 =	sadd.s32 $0x88, s3;
	s6 =	simm.s32 @!p1 $0x1082;
	[sflag:s4] =	ssyncset.s32 $0xFFFFF086  }
0x25: {  	[simem:s6], [sflag:s4] =	dma.local [hbm:s3], $0xF7A  }
0x26: {  	[smem:$0x3F97] =	sst s1;
	(tag) =	ssettag s2;
	_ =	strace s9  }
0x27: {  	s1 =	sld [smem:$0x3FA7]  }
0x28: {  	s2 =	sld [smem:$0x3FA8]  }
0x29: {  	s4 =	sld [smem:$0x3FAA]  }
0x2a: {  	p0 =	seq.s32 s5, $0x0;
	s5 =	sld [smem:$0x3FAB]  }
0x2b: {  	s6 =	sld [smem:$0x3FAC]  }
0x2c: {  	s7 =	sld [smem:$0x3FAD]  }
0x2d: {  	s3 =	simm.s32 $0x108;
	s8 =	sld [smem:$0x3FAE]  }
0x2e: {  	s3 =	simm.s32 @!p0 $0x1082;
	s9 =	sld [smem:$0x3FAF]  }
0x2f: {  	lr =	sadd.s32 s0, s3;
	s0 =	sld [smem:$0x3FA6]  }
0x30: {  	s3 =	sld [smem:$0x3FA9]  }
0x31: {  	[smem:$0x3FB2] =	sst s10  }
0x32: {  	s10 =	sld [smem:$0x3FB0];
	_ =	sdelay $0x3  }
0x33: {  	p0 =	seq.s32 s10, $0x1;
	s10 =	sld [smem:$0x3FB2];
	_ =	sdelay $0x3  }
0x34: {  	[smem:$0x3FB2] =	sst s10  }
0x35: {  	s10 =	sld [smem:$0x3FB1];
	_ =	sdelay $0x3  }
0x36: {  	p1 =	seq.s32 s10, $0x1;
	s10 =	sld [smem:$0x3FB2];
	_ =	sdelay $0x3  }
0x37: {  	[smem:$0x3FB2] =	sst s10  }
0x38: {  	s10 =	sld [smem:$0x3FB3]  }
0x39: {  	_ = 	snop;
	(pc) =	sbr.ind lr, $3  }
0x3a: {  	_ = 	snop  }
0x3b: {  	_ = 	snop  }
0x3c: {  	p2 =	seq.s32 s10, $0x1;
	s10 =	sld [smem:$0x3FB2]  }
0x3d: {  	_ =	shalt  }
0x3e: {  	_ =	shalt  }
0x3f: {  	_ =	shalt  }
0x40: {  	_ =	shalt  }
0x41: {  	_ =	shalt  }
0x42: {  	_ =	shalt  }
0x43: {  	_ =	shalt  }
0x44: {  	_ =	shalt  }
0x45: {  	_ =	shalt  }
0x46: {  	_ =	shalt  }
0x47: {  	_ =	shalt  }
0x48: {  	_ =	shalt  }
0x49: {  	_ =	shalt  }
0x4a: {  	_ =	shalt  }
0x4b: {  	_ =	shalt  }
0x4c: {  	_ =	shalt  }
0x4d: {  	_ =	shalt  }
0x4e: {  	_ =	shalt  }
0x4f: {  	_ =	shalt  }
0x50: {  	_ =	shalt  }
0x51: {  	_ =	shalt  }
0x52: {  	_ =	shalt  }
0x53: {  	_ =	shalt  }
0x54: {  	_ =	shalt  }
0x55: {  	_ =	shalt  }
0x56: {  	_ =	shalt  }
0x57: {  	_ =	shalt  }
0x58: {  	_ =	shalt  }
0x59: {  	_ =	shalt  }
0x5a: {  	_ =	shalt  }
0x5b: {  	_ =	shalt  }
0x5c: {  	_ =	shalt  }
0x5d: {  	_ =	shalt  }
0x5e: {  	_ =	shalt  }
0x5f: {  	_ =	shalt  }
0x60: {  	_ =	shalt  }
0x61: {  	_ =	shalt  }
0x62: {  	_ =	shalt  }
0x63: {  	_ =	shalt  }
0x64: {  	_ =	shalt  }
0x65: {  	_ =	shalt  }
0x66: {  	_ =	shalt  }
0x67: {  	_ =	shalt  }
0x68: {  	_ =	shalt  }
0x69: {  	_ =	shalt  }
0x6a: {  	_ =	shalt  }
0x6b: {  	_ =	shalt  }
0x6c: {  	_ =	shalt  }
0x6d: {  	_ =	shalt  }
0x6e: {  	_ =	shalt  }
0x6f: {  	_ =	shalt  }
0x70: {  	_ =	shalt  }
0x71: {  	_ =	shalt  }
0x72: {  	_ =	shalt  }
0x73: {  	_ =	shalt  }
0x74: {  	_ =	shalt  }
0x75: {  	_ =	shalt  }
0x76: {  	_ =	shalt  }
0x77: {  	_ =	shalt  }
0x78: {  	_ =	shalt  }
0x79: {  	_ =	shalt  }
0x7a: {  	_ =	shalt  }
0x7b: {  	_ =	shalt  }
0x7c: {  	_ =	shalt  }
0x7d: {  	_ =	shalt  }
0x7e: {  	_ =	shalt  }
0x7f: {  	_ =	shalt  }
0x80: {  	_ =	shalt  }
0x81: {  	_ =	shalt  }
0x82: {  	_ =	shalt  }
0x83: {  	_ =	shalt  }
0x84: {  	_ =	shalt  }
0x85: {  	_ =	shalt  }
0x86: {  	_ =	shalt  }
0x87: {  	_ =	shalt  }
.Lfunc_end0:
.L_simem_size_0:
called_computation.1_lowered:
.L_overlay_start_0:
0x88: {  	s2 =	sld [smem:$0x3FD9]  }
0x89: {  	s3 =	sld [smem:$0x3FFE];
	_ =	sdelay $0x1  }
0x8a: {  	s1 =	srdreg.scid  }
0x8b: {  	s0 =	sand.u32 $0x1, s1  }
0x8c: {  	s17 =	sshll.u32 s0, $0xA;
	s2 =	sadd.s32 s3, s2  }
0x8d: {  	s2 =	sadd.s32 s2, s17  }
0x8e: {  	[smem:$0x3FBE] =	sst s2  }
0x8f: {  	_ = 	snop  }
0x90: {  	s2 =	sld [smem:$0x3FC9]  }
0x91: {  	s18 =	sld [smem:$0x3FC8];
	(tm) =	ssettm $0x1  }
0x92: {  	s4 =	sld [smem:$0x3FFB];
	_ =	sdelay $0x3  }
0x93: {  	_ =	strace s4  }
0x94: {  	s4 =	sld [smem:$0x3FFC];
	_ =	sdelay $0x3  }
0x95: {  	_ =	strace s4  }
0x96: {  	s4 =	sld [smem:$0x3FFD];
	_ =	sdelay $0x3  }
0x97: {  	_ =	strace s4  }
0x98: {  	_ =	strace $0x8FFFFFFF  }
0x99: {  	s19 =	sld [smem:$0x3FDB];
	_ =	sdelay $0x1  }
0x9a: {  	s5 =	simm.s32 $_scs_section_size  }
0x9b: {  	s6 =	simm.s32 $_size__tile_overlayer_lowered;
	s7 =	simm.s32 $_tile_overlayer_lowered  }
0x9c: {  	s22 =	simm.s32 $0x1BFF;
	s21 =	sshll.u32 s7, $0x1;
	s4 =	sadd.s32 s5, s19  }
0x9d: {  	s8 =	simm.s32 $0x0;
	s20 =	sshll.u32 s6, $0x1;
	s6 =	sadd.s32 s21, s4  }
0x9e: {  	[timem:s8], [sflag:s22] =	dma.local [hbm:s6], s20  }
0x9f: {  	_ =	swait.ge [sflag:s22], s20  }
0xa0: {  	s5 =	ssub.s32 $0x0, s20;
	[sflag:s22] =	ssyncset.done $0x0  }
0xa1: {  	[sflag:s22] =	ssyncadd.s32 s5;
	_ =	sdelay $0x1  }
0xa2: {  	s23 =	simm.s32 $0x1B8B  }
0xa3: {  	_ =	swait.ge [sflag:s23], $0x1  }
0xa4: {  	[sflag:s23] =	ssyncset.done $0x0  }
0xa5: {  	s25 =	simm.s32 $0x1B8E;
	s24 =	sld [smem:$0x3FFE];
	[sflag:s23] =	ssyncadd.s32 $0xFFFFFFFF  }
0xa6: {  	s26 =	simm.s32 $execute0_lowered;
	[smem:$0x3FD2] =	sst s25  }
0xa7: {  	s6 =	sshll.u32 s26, $0x1;
	_ =	strace $0x80000046;
	[dreg:$0x1] =	wrdreg $0xFFFFFFFF  }
0xa8: {  	s28 =	simm.s32 $_size_execute0_lowered;
	s4 =	sadd.s32 s4, s6;
	[dreg:$0x0] =	wrdreg $0x0  }
0xa9: {  	s6 =	sshll.u32 s28, $0x1;
	[dreg:$0x2] =	wrdreg s4  }
0xaa: {  	[dreg:$0x3] =	wrdreg s6  }
0xab: {  	[dreg:$0x4] =	wrdreg $0xC0  }
0xac: {  	_ =	task [dreg:s8], $0x5FFFF  }
0xad: {  	[dreg:$0x1] =	wrdreg $0xFFFFFFFF  }
0xae: {  	[dreg:$0x0] =	wrdreg $0x60  }
0xaf: {  	[dreg:$0x2] =	wrdreg s18  }
0xb0: {  	[dreg:$0x3] =	wrdreg s2  }
0xb1: {  	[dreg:$0x4] =	wrdreg s24  }
0xb2: {  	[dreg:$0x5] =	wrdreg $0xA  }
0xb3: {  	_ =	task.clear_ibuf [dreg:s8], $0x6FFFF;
	_ =	strace $0x90000046  }
0xb4: {  	s29 =	simm.s32 $0xA;
	_ =	strace $0x80000048  }
0xb5: {  	_ =	swait.ge [sflag:s29], $0x1  }
0xb6: {  	[sflag:s29] =	ssyncadd.s32 $0xFFFFFFFF  }
0xb7: {  	_ =	strace $0x90000048  }
0xb8: {  	_ =	sfence  }
0xb9: {  	s30 =	sld [smem:$0x0];
	_ =	sdelay $0x2  }
0xba: {  	s31 =	sshll.u32 s1, $0xD;
	s1 =	sshrl.u32 s1, $0x2  }
0xbb: {  	s3 =	sand.u32 $0x4000, s31;
	s1 =	sadd.s32 s1, s30  }
0xbc: {  	s0 =	sor.u32 s3, s0;
	s1 =	sshll.u32 s1, $0x11  }
0xbd: {  	s0 =	sor.u32 s1, s0  }
0xbe: {  	s0 =	sadd.s32 $0x8F2B, s0  }
0xbf: {  	[sflag:s0] =	ssyncadd.remote.s32 $0x1  }
0xc0: {  	_ =	sfence.sel $0xFFFF  }
0xc1: {  	[dreg:$0x0] =	wrdreg $0xFFFFFFFF;
	(pc) =	sbr.abs _section_cstart, $3  }
0xc2: {  	[dreg:$0x1] =	wrdreg $0xFFFFFFFF  }
0xc3: {  	_ =	task.clear_ibuf [dreg:s8], $0x2FFFF;
	_ =	strace $0x9FFFFFFF  }
0xc4: {  	(tm) =	ssettm $0x7FFFFFFF  }
0xc5: {  	_ =	shalt  }
tec
execute0_lowered:
.L_overlay_start_1:
0x0: {  	(tag) =	ssettag $0x1  }
0x1: {  	s1 =	srdreg.scid;
	s0 =	stileid.u32  }
0x2: {  	s1 =	sand.u32 $0x1, s1;
	s2 =	sshll.u32 s0, $0x1  }
0x3: {  	s3 =	sor.u32 s1, s2  }
0x4: {  	p1 =	seq.s32 s1, $0x1;
	p0 =	seq.s32 s3, $0x0  }
0x5: {  	p0 =	por !p0, !p1  }
0x6: {  	s4 =	rddreg [dreg:$0x0];
	s2 =	simm.s32 $0x1;
	p0 =	por !p0, !p0  }
0x7: {  	s5 =	rddreg [dreg:$0x1];
	s2 =	simm.s32 @!p0 $0x0  }
0x8: {  	s7 =	rddreg [dreg:$0x2];
	s2 =	ssub.s32 s0, s2  }
0x9: {  	s8 =	sadd.s32 $0x3400, s7;
	s6 =	sshll.u32 s1, $0x8;
	s2 =	sshll.u32 s2, $0x9  }
0xa: {  	s3 =	sshll.u32 s3, $0xD;
	s6 =	sor.u32 s6, s2;
	s2 =	simm.s32 $0x0  }
0xb: {  	s13 =	sadd.s32 s8, s3;
	[smem:$0x7FF] =	sst s2  }
0xc: {  	s16 =	simm.s32 $0x8900;
	_ =	strace $0x80000047;
	[dreg:$0x5] =	wrdreg s13  }
0xd: {  	s17 =	simm.s32 $0x9100;
	[dreg:$0x9] =	wrdreg s16  }
0xe: {  	s18 =	simm.s32 $0x9900;
	s19 =	simm.s32 $0xA100;
	[dreg:$0xa] =	wrdreg s17  }
0xf: {  	s21 =	simm.s32 $0xA900;
	s22 =	simm.s32 $0xB100;
	[dreg:$0xb] =	wrdreg s18  }
0x10: {  	s24 =	simm.s32 $0xB900;
	s25 =	simm.s32 $0xC100;
	[dreg:$0xc] =	wrdreg s19  }
0x11: {  	s26 =	simm.s32 $0xC900;
	s9 =	simm.s32 $0xE100;
	[dreg:$0xd] =	wrdreg s21  }
0x12: {  	s10 =	simm.s32 $0xE900;
	s11 =	simm.s32 $0xF100;
	[dreg:$0xe] =	wrdreg s22  }
0x13: {  	s12 =	simm.s32 $0xF900;
	s28 =	simm.s32 $0x2;
	[dreg:$0xf] =	wrdreg s24  }
0x14: {  	s29 =	simm.s32 $0x4;
	s23 =	sshll.u32 s0, $0xE;
	[dreg:$0x10] =	wrdreg s25  }
0x15: {  	s1 =	ssub.s32 $0x2, s1;
	s0 =	simm.s32 $0xD100;
	[dreg:$0x11] =	wrdreg s26  }
0x16: {  	s30 =	simm.s32 $0x3;
	s20 =	sshrl.u32 s1, $0x1;
	[dreg:$0x12] =	wrdreg s0  }
0x17: {  	s31 =	simm.s32 $0x5;
	s1 =	ssub.s32 s1, s20;
	[dreg:$0x14] =	wrdreg s9  }
0x18: {  	s20 =	simm.s32 $0x14100;
	s6 =	sadd.s32 $0x2000, s6;
	[dreg:$0x15] =	wrdreg s10  }
0x19: {  	s6 =	sshrl.u32 s6, $0x3;
	s9 =	simm.s32 $0x900;
	[dreg:$0x16] =	wrdreg s11  }
0x1a: {  	s10 =	simm.s32 $0x1100;
	[dreg:$0x17] =	wrdreg s12;
	s13 =	simm.s32 $0x10900  }
0x1b: {  	s11 =	simm.s32 $0x1900;
	s12 =	simm.s32 $0x2100;
	[dreg:$0x1f] =	wrdreg s20  }
0x1c: {  	s16 =	simm.s32 $0x12100;
	s17 =	simm.s32 $0x12900;
	[dreg:$0x18] =	wrdreg s13  }
0x1d: {  	s18 =	simm.s32 $0x13100;
	s19 =	simm.s32 $0x13900;
	[dreg:$0x1b] =	wrdreg s16  }
0x1e: {  	s21 =	simm.s32 $0x14900;
	s22 =	simm.s32 $0x15100;
	[dreg:$0x1c] =	wrdreg s17  }
0x1f: {  	s20 =	simm.s32 $0x6100;
	s24 =	simm.s32 $0x16100;
	[dreg:$0x1d] =	wrdreg s18  }
0x20: {  	s25 =	simm.s32 $0x16900;
	s26 =	simm.s32 $0x17100;
	[dreg:$0x1e] =	wrdreg s19  }
0x21: {  	s6 =	sadd.s32 s6, s7;
	s7 =	sadd.s32 $0x43400, s7;
	[smem:$0x7F8] =	sst s21  }
0x22: {  	s13 =	simm.s32 $0x2900;
	s16 =	simm.s32 $0x4100;
	[smem:$0x7F9] =	sst s22  }
0x23: {  	s17 =	simm.s32 $0x4900;
	s18 =	simm.s32 $0x5100;
	[smem:$0x7FB] =	sst s24  }
0x24: {  	s19 =	simm.s32 $0x5900;
	s21 =	simm.s32 $0x6900;
	[smem:$0x7FC] =	sst s25  }
0x25: {  	s22 =	simm.s32 $0x7100;
	[smem:$0x7FD] =	sst s26;
	s6 =	sadd.s32 $0x2C00, s6  }
0x26: {  	s24 =	simm.s32 $0x8100;
	s14 =	sadd.s32 s7, s3;
	[dreg:$0x4] =	wrdreg s6  }
0x27: {  	s25 =	simm.s32 $0x10100;
	s3 =	sor.u32 $0x1000, s3;
	[dreg:$0x6] =	wrdreg s14  }
0x28: {  	s15 =	sadd.s32 s8, s3;
	s3 =	sadd.s32 s7, s3;
	s7 =	sand.u32 $0x20000, s23  }
0x29: {  	s8 =	simm.s32 $0xD900;
	s6 =	smax.u32 s1, $0x1;
	[dreg:$0x7] =	wrdreg s15  }
0x2a: {  	s14 =	simm.s32 $0x11100;
	s23 =	simm.s32 $0x15900;
	[dreg:$0x8] =	wrdreg s3  }
0x2b: {  	s1 =	simm.s32 $0x6;
	s3 =	simm.s32 $0x1;
	[dreg:$0x13] =	wrdreg s8  }
0x2c: {  	s7 =	sor.u32 $0x40000, s7;
	s8 =	simm.s32 $0x100;
	[dreg:$0x19] =	wrdreg s14  }
0x2d: {  	v2 =	vlaneseq.u32;
	s15 =	simm.s32 $0x11900;
	s14 =	simm.s32 $0x3100;
	[smem:$0x7FA] =	sst s23  }
0x2e: {  	vm0 =	vmmov $0xffff;
	v1 =	vshrl.u32 v2, $0x3;
	s23 =	simm.s32 $0x7900;
	s4 =	sadd.s32 s4, s7;
	s5 =	sadd.s32 s5, s7  }
0x2f: {  	v0 =	vand.u32 $0x7, v2;
	v2 =	vor.u32 $0x8, v2;
	v1 =	vmul.u32 $0x8, v1;
	s7 =	simm.s32 $0x7;
	[dreg:$0x1a] =	wrdreg s15;
	s15 =	simm.s32 $0x3900  }
.LBB2_1:
0x30: {  	s0 =	rddreg [dreg:$0x4]  }
0x31: {  	[tilespmem:s2], [sflag:$0x7] =	stream.linear.gather [hbm4b:s0+s2], $0x100, $0x38;
	[tilespmem:$0x18100] =	vst v63  }
0x32: {  	_ =	swait.ge [sflag:s7], $0x100  }
0x33: {  	[sflag:s7] =	ssyncset.done $0x0  }
0x34: {  	[sflag:s7] =	ssyncadd.s32 $0xFFFFFF00  }
0x35: {  	v3 =	vld [tilespmem:$0x0];
	_ =	sdelay $0x4  }
0x36: {  	v4 =	vshll.u32 v3, $0x1  }
0x37: {  	v3 =	vand.u32 $0x7, v3;
	v4 =	vand.u32 $0xFFFFFFF0, v4  }
0x38: {  	v3 =	vor.u32 v3, v4  }
0x39: {  	v4 =	vperm.xlane v3, v0;
	_ =	sdelay $0x1  }
0x3a: {  	v3 =	vperm.xlane v3, v2;
	v4 =	vadd.s32 v1, v4;
	_ =	sdelay $0x1  }
0x3b: {  	v3 =	vadd.s32 v1, v3;
	_ =	sdelay $0x2  }
0x3c: {  	[tilespmem:s8], [sflag:$0x1] =	stream.indirect_vreg.gather [hbm4b:s4+s2], $0x80, v4, vm0, $0xb8;
	[tilespmem:$0x18100] =	vst v63  }
0x3d: {  	_ = 	snop  }
0x3e: {  	[tilespmem:s9], [sflag:$0x1] =	stream.indirect_vreg.gather [hbm4b:s4+s2], $0x80, v3, vm0, $0xb8;
	[tilespmem:$0x18100] =	vst v63  }
0x3f: {  	v3 =	vld [tilespmem:$0x10];
	_ =	sdelay $0x4  }
0x40: {  	v33 =	vshll.u32 v3, $0x1  }
0x41: {  	v3 =	vand.u32 $0x7, v3;
	v4 =	vand.u32 $0xFFFFFFF0, v33  }
0x42: {  	v3 =	vor.u32 v3, v4  }
0x43: {  	v4 =	vperm.xlane v3, v0;
	_ =	sdelay $0x1  }
0x44: {  	v3 =	vperm.xlane v3, v2;
	v4 =	vadd.s32 v1, v4;
	_ =	sdelay $0x1  }
0x45: {  	v3 =	vadd.s32 v1, v3;
	_ =	sdelay $0x2  }
0x46: {  	[tilespmem:s10], [sflag:$0x1] =	stream.indirect_vreg.gather [hbm4b:s4+s2], $0x80, v4, vm0, $0xb8;
	[tilespmem:$0x18100] =	vst v63  }
0x47: {  	_ = 	snop  }
0x48: {  	[tilespmem:s11], [sflag:$0x1] =	stream.indirect_vreg.gather [hbm4b:s4+s2], $0x80, v3, vm0, $0xb8;
	[tilespmem:$0x18100] =	vst v63  }
0x49: {  	v3 =	vld [tilespmem:$0x20];
	_ =	sdelay $0x4  }
0x4a: {  	v34 =	vshll.u32 v3, $0x1  }
0x4b: {  	v3 =	vand.u32 $0x7, v3;
	v4 =	vand.u32 $0xFFFFFFF0, v34  }
0x4c: {  	v3 =	vor.u32 v3, v4  }
0x4d: {  	v4 =	vperm.xlane v3, v0;
	_ =	sdelay $0x1  }
0x4e: {  	v3 =	vperm.xlane v3, v2;
	v4 =	vadd.s32 v1, v4;
	_ =	sdelay $0x1  }
0x4f: {  	v3 =	vadd.s32 v1, v3;
	_ =	sdelay $0x2  }
0x50: {  	[tilespmem:s12], [sflag:$0x1] =	stream.indirect_vreg.gather [hbm4b:s4+s2], $0x80, v4, vm0, $0xb8;
	[tilespmem:$0x18100] =	vst v63  }
0x51: {  	_ = 	snop  }
0x52: {  	[tilespmem:s13], [sflag:$0x1] =	stream.indirect_vreg.gather [hbm4b:s4+s2], $0x80, v3, vm0, $0xb8;
	[tilespmem:$0x18100] =	vst v63  }
0x53: {  	v3 =	vld [tilespmem:$0x30];
	_ =	sdelay $0x4  }
0x54: {  	v35 =	vshll.u32 v3, $0x1  }
0x55: {  	v3 =	vand.u32 $0x7, v3;
	v4 =	vand.u32 $0xFFFFFFF0, v35  }
0x56: {  	v3 =	vor.u32 v3, v4  }
0x57: {  	v4 =	vperm.xlane v3, v0;
	_ =	sdelay $0x1  }
0x58: {  	v3 =	vperm.xlane v3, v2;
	v4 =	vadd.s32 v1, v4;
	_ =	sdelay $0x1  }
0x59: {  	v3 =	vadd.s32 v1, v3;
	_ =	sdelay $0x2  }
0x5a: {  	[tilespmem:s14], [sflag:$0x1] =	stream.indirect_vreg.gather [hbm4b:s4+s2], $0x80, v4, vm0, $0xb8;
	[tilespmem:$0x18100] =	vst v63  }
0x5b: {  	_ = 	snop  }
0x5c: {  	[tilespmem:s15], [sflag:$0x1] =	stream.indirect_vreg.gather [hbm4b:s4+s2], $0x80, v3, vm0, $0xb8;
	[tilespmem:$0x18100] =	vst v63  }
0x5d: {  	v3 =	vld [tilespmem:$0x40];
	_ =	sdelay $0x4  }
0x5e: {  	v36 =	vshll.u32 v3, $0x1  }
0x5f: {  	v3 =	vand.u32 $0x7, v3;
	v4 =	vand.u32 $0xFFFFFFF0, v36  }
0x60: {  	v3 =	vor.u32 v3, v4  }
0x61: {  	v4 =	vperm.xlane v3, v0;
	_ =	sdelay $0x1  }
0x62: {  	v3 =	vperm.xlane v3, v2;
	v4 =	vadd.s32 v1, v4;
	_ =	sdelay $0x1  }
0x63: {  	v3 =	vadd.s32 v1, v3;
	_ =	sdelay $0x2  }
0x64: {  	[tilespmem:s16], [sflag:$0x1] =	stream.indirect_vreg.gather [hbm4b:s4+s2], $0x80, v4, vm0, $0xb8;
	[tilespmem:$0x18100] =	vst v63  }
0x65: {  	_ = 	snop  }
0x66: {  	[tilespmem:s17], [sflag:$0x1] =	stream.indirect_vreg.gather [hbm4b:s4+s2], $0x80, v3, vm0, $0xb8;
	[tilespmem:$0x18100] =	vst v63  }
0x67: {  	v3 =	vld [tilespmem:$0x50];
	_ =	sdelay $0x4  }
0x68: {  	v37 =	vshll.u32 v3, $0x1  }
0x69: {  	v3 =	vand.u32 $0x7, v3;
	v4 =	vand.u32 $0xFFFFFFF0, v37  }
0x6a: {  	v3 =	vor.u32 v3, v4  }
0x6b: {  	v4 =	vperm.xlane v3, v0;
	_ =	sdelay $0x1  }
0x6c: {  	v3 =	vperm.xlane v3, v2;
	v4 =	vadd.s32 v1, v4;
	_ =	sdelay $0x1  }
0x6d: {  	v3 =	vadd.s32 v1, v3;
	_ =	sdelay $0x2  }
0x6e: {  	[tilespmem:s18], [sflag:$0x1] =	stream.indirect_vreg.gather [hbm4b:s4+s2], $0x80, v4, vm0, $0xb8;
	[tilespmem:$0x18100] =	vst v63  }
0x6f: {  	_ = 	snop  }
0x70: {  	[tilespmem:s19], [sflag:$0x1] =	stream.indirect_vreg.gather [hbm4b:s4+s2], $0x80, v3, vm0, $0xb8;
	[tilespmem:$0x18100] =	vst v63  }
0x71: {  	v3 =	vld [tilespmem:$0x60];
	_ =	sdelay $0x4  }
0x72: {  	v38 =	vshll.u32 v3, $0x1  }
0x73: {  	v3 =	vand.u32 $0x7, v3;
	v4 =	vand.u32 $0xFFFFFFF0, v38  }
0x74: {  	v3 =	vor.u32 v3, v4  }
0x75: {  	v4 =	vperm.xlane v3, v0;
	_ =	sdelay $0x1  }
0x76: {  	v3 =	vperm.xlane v3, v2;
	v4 =	vadd.s32 v1, v4;
	_ =	sdelay $0x1  }
0x77: {  	v3 =	vadd.s32 v1, v3;
	_ =	sdelay $0x2  }
0x78: {  	[tilespmem:s20], [sflag:$0x1] =	stream.indirect_vreg.gather [hbm4b:s4+s2], $0x80, v4, vm0, $0xb8;
	[tilespmem:$0x18100] =	vst v63  }
0x79: {  	_ = 	snop  }
0x7a: {  	[tilespmem:s21], [sflag:$0x1] =	stream.indirect_vreg.gather [hbm4b:s4+s2], $0x80, v3, vm0, $0xb8;
	[tilespmem:$0x18100] =	vst v63  }
0x7b: {  	v3 =	vld [tilespmem:$0x70];
	_ =	sdelay $0x4  }
0x7c: {  	v39 =	vshll.u32 v3, $0x1  }
0x7d: {  	v3 =	vand.u32 $0x7, v3;
	v4 =	vand.u32 $0xFFFFFFF0, v39  }
0x7e: {  	v3 =	vor.u32 v3, v4  }
0x7f: {  	v4 =	vperm.xlane v3, v0;
	_ =	sdelay $0x1  }
0x80: {  	v3 =	vperm.xlane v3, v2;
	v4 =	vadd.s32 v1, v4;
	_ =	sdelay $0x1  }
0x81: {  	v3 =	vadd.s32 v1, v3;
	_ =	sdelay $0x2  }
0x82: {  	[tilespmem:s22], [sflag:$0x1] =	stream.indirect_vreg.gather [hbm4b:s4+s2], $0x80, v4, vm0, $0xb8;
	[tilespmem:$0x18100] =	vst v63  }
0x83: {  	_ = 	snop  }
0x84: {  	[tilespmem:s23], [sflag:$0x1] =	stream.indirect_vreg.gather [hbm4b:s4+s2], $0x80, v3, vm0, $0xb8;
	[tilespmem:$0x18100] =	vst v63  }
0x85: {  	v3 =	vld [tilespmem:$0x0];
	_ =	sdelay $0x4  }
0x86: {  	v40 =	vshll.u32 v3, $0x1  }
0x87: {  	v3 =	vand.u32 $0x7, v3;
	v4 =	vand.u32 $0xFFFFFFF0, v40  }
0x88: {  	v3 =	vor.u32 v3, v4  }
0x89: {  	v4 =	vperm.xlane v3, v0;
	_ =	sdelay $0x1  }
0x8a: {  	v3 =	vperm.xlane v3, v2;
	v4 =	vadd.s32 v1, v4;
	_ =	sdelay $0x1  }
0x8b: {  	v3 =	vadd.s32 v1, v3;
	_ =	sdelay $0x2  }
0x8c: {  	[tilespmem:s24], [sflag:$0x2] =	stream.indirect_vreg.gather [hbm4b:s5+s2], $0x80, v4, vm0, $0xb8;
	[tilespmem:$0x18100] =	vst v63  }
0x8d: {  	s26 =	rddreg [dreg:$0x9]  }
0x8e: {  	[tilespmem:s26], [sflag:$0x2] =	stream.indirect_vreg.gather [hbm4b:s5+s2], $0x80, v3, vm0, $0xb8;
	[tilespmem:$0x18100] =	vst v63  }
0x8f: {  	v3 =	vld [tilespmem:$0x10];
	_ =	sdelay $0x4  }
0x90: {  	v41 =	vshll.u32 v3, $0x1  }
0x91: {  	v3 =	vand.u32 $0x7, v3;
	v4 =	vand.u32 $0xFFFFFFF0, v41  }
0x92: {  	v3 =	vor.u32 v3, v4  }
0x93: {  	v4 =	vperm.xlane v3, v0;
	_ =	sdelay $0x1  }
0x94: {  	v3 =	vperm.xlane v3, v2;
	v4 =	vadd.s32 v1, v4;
	_ =	sdelay $0x1  }
0x95: {  	v3 =	vadd.s32 v1, v3;
	_ =	sdelay $0x1  }
0x96: {  	s0 =	rddreg [dreg:$0xa]  }
0x97: {  	[tilespmem:s0], [sflag:$0x2] =	stream.indirect_vreg.gather [hbm4b:s5+s2], $0x80, v4, vm0, $0xb8;
	[tilespmem:$0x18100] =	vst v63  }
0x98: {  	s26 =	rddreg [dreg:$0xb]  }
0x99: {  	[tilespmem:s26], [sflag:$0x2] =	stream.indirect_vreg.gather [hbm4b:s5+s2], $0x80, v3, vm0, $0xb8;
	[tilespmem:$0x18100] =	vst v63  }
0x9a: {  	v3 =	vld [tilespmem:$0x20];
	_ =	sdelay $0x4  }
0x9b: {  	v42 =	vshll.u32 v3, $0x1  }
0x9c: {  	v3 =	vand.u32 $0x7, v3;
	v4 =	vand.u32 $0xFFFFFFF0, v42  }
0x9d: {  	v3 =	vor.u32 v3, v4  }
0x9e: {  	v4 =	vperm.xlane v3, v0;
	_ =	sdelay $0x1  }
0x9f: {  	v3 =	vperm.xlane v3, v2;
	v4 =	vadd.s32 v1, v4;
	_ =	sdelay $0x1  }
0xa0: {  	v3 =	vadd.s32 v1, v3;
	_ =	sdelay $0x1  }
0xa1: {  	s0 =	rddreg [dreg:$0xc]  }
0xa2: {  	[tilespmem:s0], [sflag:$0x2] =	stream.indirect_vreg.gather [hbm4b:s5+s2], $0x80, v4, vm0, $0xb8;
	[tilespmem:$0x18100] =	vst v63  }
0xa3: {  	s26 =	rddreg [dreg:$0xd]  }
0xa4: {  	[tilespmem:s26], [sflag:$0x2] =	stream.indirect_vreg.gather [hbm4b:s5+s2], $0x80, v3, vm0, $0xb8;
	[tilespmem:$0x18100] =	vst v63  }
0xa5: {  	v3 =	vld [tilespmem:$0x30];
	_ =	sdelay $0x4  }
0xa6: {  	v43 =	vshll.u32 v3, $0x1  }
0xa7: {  	v3 =	vand.u32 $0x7, v3;
	v4 =	vand.u32 $0xFFFFFFF0, v43  }
0xa8: {  	v3 =	vor.u32 v3, v4  }
0xa9: {  	v4 =	vperm.xlane v3, v0;
	_ =	sdelay $0x1  }
0xaa: {  	v3 =	vperm.xlane v3, v2;
	v4 =	vadd.s32 v1, v4;
	_ =	sdelay $0x1  }
0xab: {  	v3 =	vadd.s32 v1, v3;
	_ =	sdelay $0x1  }
0xac: {  	s0 =	rddreg [dreg:$0xe]  }
0xad: {  	[tilespmem:s0], [sflag:$0x2] =	stream.indirect_vreg.gather [hbm4b:s5+s2], $0x80, v4, vm0, $0xb8;
	[tilespmem:$0x18100] =	vst v63  }
0xae: {  	s26 =	rddreg [dreg:$0xf]  }
0xaf: {  	[tilespmem:s26], [sflag:$0x2] =	stream.indirect_vreg.gather [hbm4b:s5+s2], $0x80, v3, vm0, $0xb8;
	[tilespmem:$0x18100] =	vst v63  }
0xb0: {  	v3 =	vld [tilespmem:$0x40];
	_ =	sdelay $0x4  }
0xb1: {  	v44 =	vshll.u32 v3, $0x1  }
0xb2: {  	v3 =	vand.u32 $0x7, v3;
	v4 =	vand.u32 $0xFFFFFFF0, v44  }
0xb3: {  	v3 =	vor.u32 v3, v4  }
0xb4: {  	v4 =	vperm.xlane v3, v0;
	_ =	sdelay $0x1  }
0xb5: {  	v3 =	vperm.xlane v3, v2;
	v4 =	vadd.s32 v1, v4;
	_ =	sdelay $0x1  }
0xb6: {  	v3 =	vadd.s32 v1, v3;
	_ =	sdelay $0x1  }
0xb7: {  	s0 =	rddreg [dreg:$0x10]  }
0xb8: {  	[tilespmem:s0], [sflag:$0x2] =	stream.indirect_vreg.gather [hbm4b:s5+s2], $0x80, v4, vm0, $0xb8;
	[tilespmem:$0x18100] =	vst v63  }
0xb9: {  	s26 =	rddreg [dreg:$0x11]  }
0xba: {  	[tilespmem:s26], [sflag:$0x2] =	stream.indirect_vreg.gather [hbm4b:s5+s2], $0x80, v3, vm0, $0xb8;
	[tilespmem:$0x18100] =	vst v63  }
0xbb: {  	v3 =	vld [tilespmem:$0x50];
	_ =	sdelay $0x4  }
0xbc: {  	v45 =	vshll.u32 v3, $0x1  }
0xbd: {  	v3 =	vand.u32 $0x7, v3;
	v4 =	vand.u32 $0xFFFFFFF0, v45  }
0xbe: {  	v3 =	vor.u32 v3, v4  }
0xbf: {  	v4 =	vperm.xlane v3, v0;
	_ =	sdelay $0x1  }
0xc0: {  	v3 =	vperm.xlane v3, v2;
	v4 =	vadd.s32 v1, v4;
	_ =	sdelay $0x1  }
0xc1: {  	v3 =	vadd.s32 v1, v3;
	_ =	sdelay $0x1  }
0xc2: {  	s0 =	rddreg [dreg:$0x12]  }
0xc3: {  	[tilespmem:s0], [sflag:$0x2] =	stream.indirect_vreg.gather [hbm4b:s5+s2], $0x80, v4, vm0, $0xb8;
	[tilespmem:$0x18100] =	vst v63  }
0xc4: {  	s26 =	rddreg [dreg:$0x13]  }
0xc5: {  	[tilespmem:s26], [sflag:$0x2] =	stream.indirect_vreg.gather [hbm4b:s5+s2], $0x80, v3, vm0, $0xb8;
	[tilespmem:$0x18100] =	vst v63  }
0xc6: {  	v3 =	vld [tilespmem:$0x60];
	_ =	sdelay $0x4  }
0xc7: {  	v46 =	vshll.u32 v3, $0x1  }
0xc8: {  	v3 =	vand.u32 $0x7, v3;
	v4 =	vand.u32 $0xFFFFFFF0, v46  }
0xc9: {  	v3 =	vor.u32 v3, v4  }
0xca: {  	v4 =	vperm.xlane v3, v0;
	_ =	sdelay $0x1  }
0xcb: {  	v3 =	vperm.xlane v3, v2;
	v4 =	vadd.s32 v1, v4;
	_ =	sdelay $0x1  }
0xcc: {  	v3 =	vadd.s32 v1, v3;
	_ =	sdelay $0x1  }
0xcd: {  	s0 =	rddreg [dreg:$0x14]  }
0xce: {  	[tilespmem:s0], [sflag:$0x2] =	stream.indirect_vreg.gather [hbm4b:s5+s2], $0x80, v4, vm0, $0xb8;
	[tilespmem:$0x18100] =	vst v63  }
0xcf: {  	s26 =	rddreg [dreg:$0x15]  }
0xd0: {  	[tilespmem:s26], [sflag:$0x2] =	stream.indirect_vreg.gather [hbm4b:s5+s2], $0x80, v3, vm0, $0xb8;
	[tilespmem:$0x18100] =	vst v63  }
0xd1: {  	v3 =	vld [tilespmem:$0x70];
	_ =	sdelay $0x4  }
0xd2: {  	v47 =	vshll.u32 v3, $0x1  }
0xd3: {  	v3 =	vand.u32 $0x7, v3;
	v4 =	vand.u32 $0xFFFFFFF0, v47  }
0xd4: {  	v3 =	vor.u32 v3, v4  }
0xd5: {  	v4 =	vperm.xlane v3, v0;
	_ =	sdelay $0x1  }
0xd6: {  	v3 =	vperm.xlane v3, v2;
	v4 =	vadd.s32 v1, v4;
	_ =	sdelay $0x1  }
0xd7: {  	v3 =	vadd.s32 v1, v3;
	_ =	sdelay $0x1  }
0xd8: {  	s0 =	rddreg [dreg:$0x16]  }
0xd9: {  	[tilespmem:s0], [sflag:$0x2] =	stream.indirect_vreg.gather [hbm4b:s5+s2], $0x80, v4, vm0, $0xb8;
	[tilespmem:$0x18100] =	vst v63  }
0xda: {  	s26 =	rddreg [dreg:$0x17]  }
0xdb: {  	[tilespmem:s26], [sflag:$0x2] =	stream.indirect_vreg.gather [hbm4b:s5+s2], $0x80, v3, vm0, $0xb8;
	[tilespmem:$0x18100] =	vst v63  }
0xdc: {  	_ =	swait.ge [sflag:s3], $0x8000  }
0xdd: {  	[sflag:s3] =	ssyncset.done $0x0  }
0xde: {  	s26 =	rddreg [dreg:$0x5];
	[sflag:s3] =	ssyncadd.s32 $0xFFFF8000  }
0xdf: {  	[hbm4b:s26+s2] =	stream.linear.scatter [tilespmem:s8], [sflag:$0x4], $0x8000, $0x38;
	[tilespmem:$0x18100] =	vst v63  }
0xe0: {  	v3 =	vld [tilespmem:$0x80];
	_ =	sdelay $0x4  }
0xe1: {  	v48 =	vshll.u32 v3, $0x1  }
0xe2: {  	v3 =	vand.u32 $0x7, v3;
	v4 =	vand.u32 $0xFFFFFFF0, v48  }
0xe3: {  	v3 =	vor.u32 v3, v4  }
0xe4: {  	v4 =	vperm.xlane v3, v0;
	_ =	sdelay $0x1  }
0xe5: {  	v3 =	vperm.xlane v3, v2;
	v4 =	vadd.s32 v1, v4;
	_ =	sdelay $0x1  }
0xe6: {  	v3 =	vadd.s32 v1, v3;
	_ =	sdelay $0x2  }
0xe7: {  	[tilespmem:s25], [sflag:$0x3] =	stream.indirect_vreg.gather [hbm4b:s4+s2], $0x80, v4, vm0, $0xb8;
	[tilespmem:$0x18100] =	vst v63  }
0xe8: {  	s26 =	rddreg [dreg:$0x18]  }
0xe9: {  	[tilespmem:s26], [sflag:$0x3] =	stream.indirect_vreg.gather [hbm4b:s4+s2], $0x80, v3, vm0, $0xb8;
	[tilespmem:$0x18100] =	vst v63  }
0xea: {  	v3 =	vld [tilespmem:$0x90];
	_ =	sdelay $0x4  }
0xeb: {  	v49 =	vshll.u32 v3, $0x1  }
0xec: {  	v3 =	vand.u32 $0x7, v3;
	v4 =	vand.u32 $0xFFFFFFF0, v49  }
0xed: {  	v3 =	vor.u32 v3, v4  }
0xee: {  	v4 =	vperm.xlane v3, v0;
	_ =	sdelay $0x1  }
0xef: {  	v3 =	vperm.xlane v3, v2;
	v4 =	vadd.s32 v1, v4;
	_ =	sdelay $0x1  }
0xf0: {  	v3 =	vadd.s32 v1, v3;
	_ =	sdelay $0x1  }
0xf1: {  	s0 =	rddreg [dreg:$0x19]  }
0xf2: {  	[tilespmem:s0], [sflag:$0x3] =	stream.indirect_vreg.gather [hbm4b:s4+s2], $0x80, v4, vm0, $0xb8;
	[tilespmem:$0x18100] =	vst v63  }
0xf3: {  	s26 =	rddreg [dreg:$0x1a]  }
0xf4: {  	[tilespmem:s26], [sflag:$0x3] =	stream.indirect_vreg.gather [hbm4b:s4+s2], $0x80, v3, vm0, $0xb8;
	[tilespmem:$0x18100] =	vst v63  }
0xf5: {  	v3 =	vld [tilespmem:$0xA0];
	_ =	sdelay $0x4  }
0xf6: {  	v50 =	vshll.u32 v3, $0x1  }
0xf7: {  	v3 =	vand.u32 $0x7, v3;
	v4 =	vand.u32 $0xFFFFFFF0, v50  }
0xf8: {  	v3 =	vor.u32 v3, v4  }
0xf9: {  	v4 =	vperm.xlane v3, v0;
	_ =	sdelay $0x1  }
0xfa: {  	v3 =	vperm.xlane v3, v2;
	v4 =	vadd.s32 v1, v4;
	_ =	sdelay $0x1  }
0xfb: {  	v3 =	vadd.s32 v1, v3;
	_ =	sdelay $0x1  }
0xfc: {  	s0 =	rddreg [dreg:$0x1b]  }
0xfd: {  	[tilespmem:s0], [sflag:$0x3] =	stream.indirect_vreg.gather [hbm4b:s4+s2], $0x80, v4, vm0, $0xb8;
	[tilespmem:$0x18100] =	vst v63  }
0xfe: {  	s26 =	rddreg [dreg:$0x1c]  }
0xff: {  	[tilespmem:s26], [sflag:$0x3] =	stream.indirect_vreg.gather [hbm4b:s4+s2], $0x80, v3, vm0, $0xb8;
	[tilespmem:$0x18100] =	vst v63  }
0x100: {  	v3 =	vld [tilespmem:$0xB0];
	_ =	sdelay $0x4  }
0x101: {  	v51 =	vshll.u32 v3, $0x1  }
0x102: {  	v3 =	vand.u32 $0x7, v3;
	v4 =	vand.u32 $0xFFFFFFF0, v51  }
0x103: {  	v3 =	vor.u32 v3, v4  }
0x104: {  	v4 =	vperm.xlane v3, v0;
	_ =	sdelay $0x1  }
0x105: {  	v3 =	vperm.xlane v3, v2;
	v4 =	vadd.s32 v1, v4;
	_ =	sdelay $0x1  }
0x106: {  	v3 =	vadd.s32 v1, v3;
	_ =	sdelay $0x1  }
0x107: {  	s0 =	rddreg [dreg:$0x1d]  }
0x108: {  	[tilespmem:s0], [sflag:$0x3] =	stream.indirect_vreg.gather [hbm4b:s4+s2], $0x80, v4, vm0, $0xb8;
	[tilespmem:$0x18100] =	vst v63  }
0x109: {  	s26 =	rddreg [dreg:$0x1e]  }
0x10a: {  	[tilespmem:s26], [sflag:$0x3] =	stream.indirect_vreg.gather [hbm4b:s4+s2], $0x80, v3, vm0, $0xb8;
	[tilespmem:$0x18100] =	vst v63  }
0x10b: {  	v3 =	vld [tilespmem:$0xC0];
	_ =	sdelay $0x4  }
0x10c: {  	v52 =	vshll.u32 v3, $0x1  }
0x10d: {  	v3 =	vand.u32 $0x7, v3;
	v4 =	vand.u32 $0xFFFFFFF0, v52  }
0x10e: {  	v3 =	vor.u32 v3, v4  }
0x10f: {  	v4 =	vperm.xlane v3, v0;
	_ =	sdelay $0x1  }
0x110: {  	v3 =	vperm.xlane v3, v2;
	v4 =	vadd.s32 v1, v4;
	_ =	sdelay $0x1  }
0x111: {  	v3 =	vadd.s32 v1, v3  }
0x112: {  	s0 =	rddreg [dreg:$0x1f]  }
0x113: {  	s26 =	sld [smem:$0x7F8]  }
0x114: {  	[tilespmem:s0], [sflag:$0x3] =	stream.indirect_vreg.gather [hbm4b:s4+s2], $0x80, v4, vm0, $0xb8;
	[tilespmem:$0x18100] =	vst v63  }
0x115: {  	_ = 	snop  }
0x116: {  	[tilespmem:s26], [sflag:$0x3] =	stream.indirect_vreg.gather [hbm4b:s4+s2], $0x80, v3, vm0, $0xb8;
	[tilespmem:$0x18100] =	vst v63  }
0x117: {  	v3 =	vld [tilespmem:$0xD0];
	_ =	sdelay $0x4  }
0x118: {  	v53 =	vshll.u32 v3, $0x1  }
0x119: {  	v3 =	vand.u32 $0x7, v3;
	v4 =	vand.u32 $0xFFFFFFF0, v53  }
0x11a: {  	v3 =	vor.u32 v3, v4  }
0x11b: {  	v4 =	vperm.xlane v3, v0;
	_ =	sdelay $0x1  }
0x11c: {  	v3 =	vperm.xlane v3, v2;
	v4 =	vadd.s32 v1, v4;
	_ =	sdelay $0x1  }
0x11d: {  	s0 =	sld [smem:$0x7F9];
	v3 =	vadd.s32 v1, v3;
	_ =	sdelay $0x1  }
0x11e: {  	s26 =	sld [smem:$0x7FA]  }
0x11f: {  	[tilespmem:s0], [sflag:$0x3] =	stream.indirect_vreg.gather [hbm4b:s4+s2], $0x80, v4, vm0, $0xb8;
	[tilespmem:$0x18100] =	vst v63  }
0x120: {  	_ = 	snop  }
0x121: {  	[tilespmem:s26], [sflag:$0x3] =	stream.indirect_vreg.gather [hbm4b:s4+s2], $0x80, v3, vm0, $0xb8;
	[tilespmem:$0x18100] =	vst v63  }
0x122: {  	v3 =	vld [tilespmem:$0xE0];
	_ =	sdelay $0x4  }
0x123: {  	v54 =	vshll.u32 v3, $0x1  }
0x124: {  	v3 =	vand.u32 $0x7, v3;
	v4 =	vand.u32 $0xFFFFFFF0, v54  }
0x125: {  	v3 =	vor.u32 v3, v4  }
0x126: {  	v4 =	vperm.xlane v3, v0;
	_ =	sdelay $0x1  }
0x127: {  	v3 =	vperm.xlane v3, v2;
	v4 =	vadd.s32 v1, v4;
	_ =	sdelay $0x1  }
0x128: {  	s0 =	sld [smem:$0x7FB];
	v3 =	vadd.s32 v1, v3;
	_ =	sdelay $0x1  }
0x129: {  	s26 =	sld [smem:$0x7FC]  }
0x12a: {  	[tilespmem:s0], [sflag:$0x3] =	stream.indirect_vreg.gather [hbm4b:s4+s2], $0x80, v4, vm0, $0xb8;
	[tilespmem:$0x18100] =	vst v63  }
0x12b: {  	_ = 	snop  }
0x12c: {  	[tilespmem:s26], [sflag:$0x3] =	stream.indirect_vreg.gather [hbm4b:s4+s2], $0x80, v3, vm0, $0xb8;
	[tilespmem:$0x18100] =	vst v63  }
0x12d: {  	v3 =	vld [tilespmem:$0xF0];
	_ =	sdelay $0x4  }
0x12e: {  	v55 =	vshll.u32 v3, $0x1  }
0x12f: {  	v3 =	vand.u32 $0x7, v3;
	v4 =	vand.u32 $0xFFFFFFF0, v55  }
0x130: {  	v3 =	vor.u32 v3, v4  }
0x131: {  	v4 =	vperm.xlane v3, v0;
	_ =	sdelay $0x1  }
0x132: {  	v3 =	vperm.xlane v3, v2;
	v4 =	vadd.s32 v1, v4;
	_ =	sdelay $0x1  }
0x133: {  	s26 =	sld [smem:$0x7FD];
	v3 =	vadd.s32 v1, v3;
	_ =	sdelay $0x2  }
0x134: {  	[tilespmem:s26], [sflag:$0x3] =	stream.indirect_vreg.gather [hbm4b:s4+s2], $0x80, v4, vm0, $0xb8;
	[tilespmem:$0x18100] =	vst v63  }
0x135: {  	s26 =	simm.s32 $0x17900  }
0x136: {  	[tilespmem:s26], [sflag:$0x3] =	stream.indirect_vreg.gather [hbm4b:s4+s2], $0x80, v3, vm0, $0xb8;
	[tilespmem:$0x18100] =	vst v63  }
0x137: {  	_ =	swait.ge [sflag:s28], $0x8000  }
0x138: {  	[sflag:s28] =	ssyncset.done $0x0  }
0x139: {  	s26 =	rddreg [dreg:$0x6];
	[sflag:s28] =	ssyncadd.s32 $0xFFFF8000  }
0x13a: {  	[hbm4b:s26+s2] =	stream.linear.scatter [tilespmem:s24], [sflag:$0x5], $0x8000, $0x38;
	[tilespmem:$0x18100] =	vst v63  }
0x13b: {  	_ =	swait.ge [sflag:s29], $0x8000  }
0x13c: {  	[sflag:s29] =	ssyncset.done $0x0  }
0x13d: {  	[sflag:s29] =	ssyncadd.s32 $0xFFFF8000  }
0x13e: {  	v3 =	vld [tilespmem:$0x80];
	_ =	sdelay $0x4  }
0x13f: {  	v56 =	vshll.u32 v3, $0x1  }
0x140: {  	v3 =	vand.u32 $0x7, v3;
	v4 =	vand.u32 $0xFFFFFFF0, v56  }
0x141: {  	v3 =	vor.u32 v3, v4  }
0x142: {  	v4 =	vperm.xlane v3, v0;
	_ =	sdelay $0x1  }
0x143: {  	v3 =	vperm.xlane v3, v2;
	v4 =	vadd.s32 v1, v4;
	_ =	sdelay $0x1  }
0x144: {  	v3 =	vadd.s32 v1, v3;
	_ =	sdelay $0x2  }
0x145: {  	[tilespmem:s8], [sflag:$0x1] =	stream.indirect_vreg.gather [hbm4b:s5+s2], $0x80, v4, vm0, $0xb8;
	[tilespmem:$0x18100] =	vst v63  }
0x146: {  	_ = 	snop  }
0x147: {  	[tilespmem:s9], [sflag:$0x1] =	stream.indirect_vreg.gather [hbm4b:s5+s2], $0x80, v3, vm0, $0xb8;
	[tilespmem:$0x18100] =	vst v63  }
0x148: {  	v3 =	vld [tilespmem:$0x90];
	_ =	sdelay $0x4  }
0x149: {  	v57 =	vshll.u32 v3, $0x1  }
0x14a: {  	v3 =	vand.u32 $0x7, v3;
	v4 =	vand.u32 $0xFFFFFFF0, v57  }
0x14b: {  	v3 =	vor.u32 v3, v4  }
0x14c: {  	v4 =	vperm.xlane v3, v0;
	_ =	sdelay $0x1  }
0x14d: {  	v3 =	vperm.xlane v3, v2;
	v4 =	vadd.s32 v1, v4;
	_ =	sdelay $0x1  }
0x14e: {  	v3 =	vadd.s32 v1, v3;
	_ =	sdelay $0x2  }
0x14f: {  	[tilespmem:s10], [sflag:$0x1] =	stream.indirect_vreg.gather [hbm4b:s5+s2], $0x80, v4, vm0, $0xb8;
	[tilespmem:$0x18100] =	vst v63  }
0x150: {  	_ = 	snop  }
0x151: {  	[tilespmem:s11], [sflag:$0x1] =	stream.indirect_vreg.gather [hbm4b:s5+s2], $0x80, v3, vm0, $0xb8;
	[tilespmem:$0x18100] =	vst v63  }
0x152: {  	v3 =	vld [tilespmem:$0xA0];
	_ =	sdelay $0x4  }
0x153: {  	v58 =	vshll.u32 v3, $0x1  }
0x154: {  	v3 =	vand.u32 $0x7, v3;
	v4 =	vand.u32 $0xFFFFFFF0, v58  }
0x155: {  	v3 =	vor.u32 v3, v4  }
0x156: {  	v4 =	vperm.xlane v3, v0;
	_ =	sdelay $0x1  }
0x157: {  	v3 =	vperm.xlane v3, v2;
	v4 =	vadd.s32 v1, v4;
	_ =	sdelay $0x1  }
0x158: {  	v3 =	vadd.s32 v1, v3;
	_ =	sdelay $0x2  }
0x159: {  	[tilespmem:s12], [sflag:$0x1] =	stream.indirect_vreg.gather [hbm4b:s5+s2], $0x80, v4, vm0, $0xb8;
	[tilespmem:$0x18100] =	vst v63  }
0x15a: {  	_ = 	snop  }
0x15b: {  	[tilespmem:s13], [sflag:$0x1] =	stream.indirect_vreg.gather [hbm4b:s5+s2], $0x80, v3, vm0, $0xb8;
	[tilespmem:$0x18100] =	vst v63  }
0x15c: {  	v3 =	vld [tilespmem:$0xB0];
	_ =	sdelay $0x4  }
0x15d: {  	v59 =	vshll.u32 v3, $0x1  }
0x15e: {  	v3 =	vand.u32 $0x7, v3;
	v4 =	vand.u32 $0xFFFFFFF0, v59  }
0x15f: {  	v3 =	vor.u32 v3, v4  }
0x160: {  	v4 =	vperm.xlane v3, v0;
	_ =	sdelay $0x1  }
0x161: {  	v3 =	vperm.xlane v3, v2;
	v4 =	vadd.s32 v1, v4;
	_ =	sdelay $0x1  }
0x162: {  	v3 =	vadd.s32 v1, v3;
	_ =	sdelay $0x2  }
0x163: {  	[tilespmem:s14], [sflag:$0x1] =	stream.indirect_vreg.gather [hbm4b:s5+s2], $0x80, v4, vm0, $0xb8;
	[tilespmem:$0x18100] =	vst v63  }
0x164: {  	_ = 	snop  }
0x165: {  	[tilespmem:s15], [sflag:$0x1] =	stream.indirect_vreg.gather [hbm4b:s5+s2], $0x80, v3, vm0, $0xb8;
	[tilespmem:$0x18100] =	vst v63  }
0x166: {  	v3 =	vld [tilespmem:$0xC0];
	_ =	sdelay $0x4  }
0x167: {  	v60 =	vshll.u32 v3, $0x1  }
0x168: {  	v3 =	vand.u32 $0x7, v3;
	v4 =	vand.u32 $0xFFFFFFF0, v60  }
0x169: {  	v3 =	vor.u32 v3, v4  }
0x16a: {  	v4 =	vperm.xlane v3, v0;
	_ =	sdelay $0x1  }
0x16b: {  	v3 =	vperm.xlane v3, v2;
	v4 =	vadd.s32 v1, v4;
	_ =	sdelay $0x1  }
0x16c: {  	v3 =	vadd.s32 v1, v3;
	_ =	sdelay $0x2  }
0x16d: {  	[tilespmem:s16], [sflag:$0x1] =	stream.indirect_vreg.gather [hbm4b:s5+s2], $0x80, v4, vm0, $0xb8;
	[tilespmem:$0x18100] =	vst v63  }
0x16e: {  	_ = 	snop  }
0x16f: {  	[tilespmem:s17], [sflag:$0x1] =	stream.indirect_vreg.gather [hbm4b:s5+s2], $0x80, v3, vm0, $0xb8;
	[tilespmem:$0x18100] =	vst v63  }
0x170: {  	v3 =	vld [tilespmem:$0xD0];
	_ =	sdelay $0x4  }
0x171: {  	v61 =	vshll.u32 v3, $0x1  }
0x172: {  	v3 =	vand.u32 $0x7, v3;
	v4 =	vand.u32 $0xFFFFFFF0, v61  }
0x173: {  	v3 =	vor.u32 v3, v4  }
0x174: {  	v4 =	vperm.xlane v3, v0;
	_ =	sdelay $0x1  }
0x175: {  	v3 =	vperm.xlane v3, v2;
	v4 =	vadd.s32 v1, v4;
	_ =	sdelay $0x1  }
0x176: {  	v3 =	vadd.s32 v1, v3;
	_ =	sdelay $0x2  }
0x177: {  	[tilespmem:s18], [sflag:$0x1] =	stream.indirect_vreg.gather [hbm4b:s5+s2], $0x80, v4, vm0, $0xb8;
	[tilespmem:$0x18100] =	vst v63  }
0x178: {  	_ = 	snop  }
0x179: {  	[tilespmem:s19], [sflag:$0x1] =	stream.indirect_vreg.gather [hbm4b:s5+s2], $0x80, v3, vm0, $0xb8;
	[tilespmem:$0x18100] =	vst v63  }
0x17a: {  	v3 =	vld [tilespmem:$0xE0];
	_ =	sdelay $0x4  }
0x17b: {  	v62 =	vshll.u32 v3, $0x1  }
0x17c: {  	v3 =	vand.u32 $0x7, v3;
	v4 =	vand.u32 $0xFFFFFFF0, v62  }
0x17d: {  	v3 =	vor.u32 v3, v4  }
0x17e: {  	v4 =	vperm.xlane v3, v0;
	_ =	sdelay $0x1  }
0x17f: {  	v3 =	vperm.xlane v3, v2;
	v4 =	vadd.s32 v1, v4;
	_ =	sdelay $0x1  }
0x180: {  	v3 =	vadd.s32 v1, v3;
	_ =	sdelay $0x2  }
0x181: {  	[tilespmem:s20], [sflag:$0x1] =	stream.indirect_vreg.gather [hbm4b:s5+s2], $0x80, v4, vm0, $0xb8;
	[tilespmem:$0x18100] =	vst v63  }
0x182: {  	_ = 	snop  }
0x183: {  	[tilespmem:s21], [sflag:$0x1] =	stream.indirect_vreg.gather [hbm4b:s5+s2], $0x80, v3, vm0, $0xb8;
	[tilespmem:$0x18100] =	vst v63  }
0x184: {  	v3 =	vld [tilespmem:$0xF0];
	_ =	sdelay $0x4  }
0x185: {  	v63 =	vshll.u32 v3, $0x1  }
0x186: {  	v3 =	vand.u32 $0x7, v3;
	v4 =	vand.u32 $0xFFFFFFF0, v63  }
0x187: {  	v3 =	vor.u32 v3, v4  }
0x188: {  	v4 =	vperm.xlane v3, v0;
	_ =	sdelay $0x1  }
0x189: {  	v3 =	vperm.xlane v3, v2;
	v4 =	vadd.s32 v1, v4;
	_ =	sdelay $0x1  }
0x18a: {  	v3 =	vadd.s32 v1, v3;
	_ =	sdelay $0x2  }
0x18b: {  	[tilespmem:s22], [sflag:$0x1] =	stream.indirect_vreg.gather [hbm4b:s5+s2], $0x80, v4, vm0, $0xb8;
	[tilespmem:$0x18100] =	vst v63  }
0x18c: {  	_ = 	snop  }
0x18d: {  	[tilespmem:s23], [sflag:$0x1] =	stream.indirect_vreg.gather [hbm4b:s5+s2], $0x80, v3, vm0, $0xb8;
	[tilespmem:$0x18100] =	vst v63  }
0x18e: {  	_ =	swait.ge [sflag:s30], $0x8000  }
0x18f: {  	[sflag:s30] =	ssyncset.done $0x0  }
0x190: {  	s26 =	rddreg [dreg:$0x7];
	[sflag:s30] =	ssyncadd.s32 $0xFFFF8000  }
0x191: {  	[hbm4b:s26+s2] =	stream.linear.scatter [tilespmem:s25], [sflag:$0x6], $0x8000, $0x38;
	[tilespmem:$0x18100] =	vst v63  }
0x192: {  	_ =	swait.ge [sflag:s3], $0x8000  }
0x193: {  	[sflag:s3] =	ssyncset.done $0x0  }
0x194: {  	s26 =	rddreg [dreg:$0x8];
	[sflag:s3] =	ssyncadd.s32 $0xFFFF8000  }
0x195: {  	[hbm4b:s26+s2] =	stream.linear.scatter [tilespmem:s8], [sflag:$0x4], $0x8000, $0x38;
	[tilespmem:$0x18100] =	vst v63  }
0x196: {  	_ =	swait.ge [sflag:s31], $0x8000  }
0x197: {  	[sflag:s31] =	ssyncset.done $0x0  }
0x198: {  	[sflag:s31] =	ssyncadd.s32 $0xFFFF8000  }
0x199: {  	p0 =	sne.s32 s6, $0x1;
	_ =	swait.ge [sflag:s1], $0x8000  }
.Ltmp0:
0x19a: {  	[sflag:s1] =	ssyncset.done $0x0;
	(pc) =	sbr.rel @p0 .LBB2_1-.Ltmp0, $4  }
0x19b: {  	[sflag:s1] =	ssyncadd.s32 $0xFFFF8000  }
0x19c: {  	_ =	swait.ge [sflag:s29], $0x8000  }
0x19d: {  	[sflag:s29] =	ssyncset.done $0x0  }
0x19e: {  	s6 =	sadd.s32 $0xFFFFFFFF, s6;
	[sflag:s29] =	ssyncadd.s32 $0xFFFF8000  }
0x19f: {  	_ =	sfence.sel $0x180000  }
0x1a0: {  	[bflag:$0x0] =	sbarrier.arrive $0xFFFF  }
0x1a1: {  	_ =	strace $0x90000047  }
0x1a2: {  	s0 =	stileid.u32;
	[bflag:$0x2] =	sbarrier.arrive $0xFFFF  }
0x1a3: {  	p0 =	sne.s32 s0, $0x0;
	s0 =	rddreg [dreg:$0x3]  }
0x1a4: {  	s0 =	sadd.s32 @!p0 $0x100000, s0  }
0x1a5: {  	[sflag:s0] =	ssyncadd.tile.s32 @!p0 $0x1;
	_ =	shalt  }
.Lfunc_end2:
_tile_overlayer_lowered:
.L_overlay_start_2:
0x1a6: {  	(tag) =	ssettag $0x2  }
0x1a7: {  	s0 =	rddreg [dreg:$0x0];
	s2 =	stileid.u32  }
0x1a8: {  	s1 =	rddreg [dreg:$0x1];
	p0 =	sne.s32 s2, $0x0  }
0x1a9: {  	s3 =	rddreg [dreg:$0x2];
	[bflag:$0x3] =	sbarrier.arrive $0xFFFF;
	s2 =	simm.s32 @!p0 $0x1C07  }
0x1aa: {  	[timem:s3], [sflag:s2] =	dma.local @!p0 [hbm:s0], s1  }
0x1ab: {  	s0 =	simm.s32 @!p0 $0x7  }
0x1ac: {  	_ =	swait.ge @!p0 [sflag:s0], s1  }
0x1ad: {  	s1 =	ssub.s32 @!p0 $0x0, s1;
	[sflag:s0] =	ssyncset.done @!p0 $0x0  }
0x1ae: {  	[sflag:s0] =	ssyncadd.s32 @!p0 s1  }
0x1af: {  	[bflag:$0x3] =	sbarrier.arrive $0xFFFF  }
0x1b0: {  	_ =	shalt  }

// kernel: kernel.14.cloned.1.call-start
scs
__scs_entry_jumppad:
0x0: {  	(pc) =	sbr.rel $0x88, $3  }
0x1: {  	(tag) =	ssettag $0x0;
	lr =	simm.s32 $0x1  }
0x2: {  	[smem:$0x3F97] =	sst lr;
	_ =	strace $0xD0000000  }
0x3: {  	_ = 	snop  }
0x4: {  	_ = 	snop  }
0x5: {  	_ = 	snop  }
0x6: {  	_ = 	snop  }
0x7: {  	_ = 	snop  }
__scs_overlays_trampoline_lowered:
0x8: {  	[smem:$0x3FA6] =	sst s0  }
0x9: {  	[smem:$0x3FA7] =	sst s1  }
0xa: {  	[smem:$0x3FA8] =	sst s2  }
0xb: {  	[smem:$0x3FA9] =	sst s3  }
0xc: {  	[smem:$0x3FAA] =	sst s4  }
0xd: {  	[smem:$0x3FAB] =	sst s5  }
0xe: {  	[smem:$0x3FAC] =	sst s6  }
0xf: {  	[smem:$0x3FAD] =	sst s7  }
0x10: {  	[smem:$0x3FAE] =	sst s8  }
0x11: {  	[smem:$0x3FAF] =	sst s9;
	s0 =	simm.s32 @!p0 $0x0  }
0x12: {  	s1 =	sld [smem:$0x3F95];
	s0 =	simm.s32 @p0 $0x1  }
0x13: {  	[smem:$0x3FB0] =	sst s0;
	s0 =	simm.s32 @!p1 $0x0  }
0x14: {  	s2 =	sld [smem:$0x3F94];
	s0 =	simm.s32 @p1 $0x1  }
0x15: {  	[smem:$0x3FB1] =	sst s0;
	s0 =	simm.s32 @!p2 $0x0  }
0x16: {  	s3 =	sld [smem:$0x3FDB];
	s0 =	simm.s32 @p2 $0x1  }
0x17: {  	s4 =	simm.s32 $0x1BF5;
	[smem:$0x3FB3] =	sst s0  }
0x18: {  	s0 =	sld [smem:$0x3F96];
	_ =	swait.ge [sflag:s4], $0x0  }
0x19: {  	s7 =	sld [smem:$0x3F97]  }
0x1a: {  	s8 =	sadd.s32 $0xFFFFE003, lr  }
0x1b: {  	s9 =	sadd.s32 $0xFFFFFEF7, lr;
	s5 =	simm.s32 $0xFFFFFFFF;
	p2 =	slt.u32 s8, $0xFFFFF086  }
0x1c: {  	p1 =	slt.u32 s9, $0xF7A;
	s5 =	simm.s32 @!p2 $0x0  }
0x1d: {  	s5 =	simm.s32 @p1 $0x1;
	p0 =	seq.s32 s7, s2  }
0x1e: {  	s7 =	smul.u32 @!p0 $0xF7A, s2;
	p2 =	seq.s32 @!p0 s5, $0x0  }
0x1f: {  	s9 =	smul.u32 $0xF7A, s1;
	s8 =	simm.s32 @!p0 $0x1BF5;
	p2 =	por !p2, p0  }
0x20: {  	[sflag:s8] =	ssyncset.s32 @!p0 $0xFFFFF086;
	s6 =	sadd.s32 @!p0 s3, s7;
	s7 =	simm.s32 @!p0 $0x108  }
0x21: {  	s3 =	sadd.s32 s3, s9;
	s6 =	sadd.s32 @!p0 $0x88, s6;
	s7 =	simm.s32 @p2 $0x1082  }
0x22: {  	[simem:s7], [sflag:s8] =	dma.local @!p0 [hbm:s6], $0xF7A  }
0x23: {  	s9 =	sor.u32 $0xD0000000, s2;
	s6 =	simm.s32 $0x108;
	_ =	swait.ge @!p0 [sflag:s8], $0x0  }
0x24: {  	s3 =	sadd.s32 $0x88, s3;
	s6 =	simm.s32 @!p1 $0x1082;
	[sflag:s4] =	ssyncset.s32 $0xFFFFF086  }
0x25: {  	[simem:s6], [sflag:s4] =	dma.local [hbm:s3], $0xF7A  }
0x26: {  	[smem:$0x3F97] =	sst s1;
	(tag) =	ssettag s2;
	_ =	strace s9  }
0x27: {  	s1 =	sld [smem:$0x3FA7]  }
0x28: {  	s2 =	sld [smem:$0x3FA8]  }
0x29: {  	s4 =	sld [smem:$0x3FAA]  }
0x2a: {  	p0 =	seq.s32 s5, $0x0;
	s5 =	sld [smem:$0x3FAB]  }
0x2b: {  	s6 =	sld [smem:$0x3FAC]  }
0x2c: {  	s7 =	sld [smem:$0x3FAD]  }
0x2d: {  	s3 =	simm.s32 $0x108;
	s8 =	sld [smem:$0x3FAE]  }
0x2e: {  	s3 =	simm.s32 @!p0 $0x1082;
	s9 =	sld [smem:$0x3FAF]  }
0x2f: {  	lr =	sadd.s32 s0, s3;
	s0 =	sld [smem:$0x3FA6]  }
0x30: {  	s3 =	sld [smem:$0x3FA9]  }
0x31: {  	[smem:$0x3FB2] =	sst s10  }
0x32: {  	s10 =	sld [smem:$0x3FB0];
	_ =	sdelay $0x3  }
0x33: {  	p0 =	seq.s32 s10, $0x1;
	s10 =	sld [smem:$0x3FB2];
	_ =	sdelay $0x3  }
0x34: {  	[smem:$0x3FB2] =	sst s10  }
0x35: {  	s10 =	sld [smem:$0x3FB1];
	_ =	sdelay $0x3  }
0x36: {  	p1 =	seq.s32 s10, $0x1;
	s10 =	sld [smem:$0x3FB2];
	_ =	sdelay $0x3  }
0x37: {  	[smem:$0x3FB2] =	sst s10  }
0x38: {  	s10 =	sld [smem:$0x3FB3]  }
0x39: {  	_ = 	snop;
	(pc) =	sbr.ind lr, $3  }
0x3a: {  	_ = 	snop  }
0x3b: {  	_ = 	snop  }
0x3c: {  	p2 =	seq.s32 s10, $0x1;
	s10 =	sld [smem:$0x3FB2]  }
0x3d: {  	_ =	shalt  }
0x3e: {  	_ =	shalt  }
0x3f: {  	_ =	shalt  }
0x40: {  	_ =	shalt  }
0x41: {  	_ =	shalt  }
0x42: {  	_ =	shalt  }
0x43: {  	_ =	shalt  }
0x44: {  	_ =	shalt  }
0x45: {  	_ =	shalt  }
0x46: {  	_ =	shalt  }
0x47: {  	_ =	shalt  }
0x48: {  	_ =	shalt  }
0x49: {  	_ =	shalt  }
0x4a: {  	_ =	shalt  }
0x4b: {  	_ =	shalt  }
0x4c: {  	_ =	shalt  }
0x4d: {  	_ =	shalt  }
0x4e: {  	_ =	shalt  }
0x4f: {  	_ =	shalt  }
0x50: {  	_ =	shalt  }
0x51: {  	_ =	shalt  }
0x52: {  	_ =	shalt  }
0x53: {  	_ =	shalt  }
0x54: {  	_ =	shalt  }
0x55: {  	_ =	shalt  }
0x56: {  	_ =	shalt  }
0x57: {  	_ =	shalt  }
0x58: {  	_ =	shalt  }
0x59: {  	_ =	shalt  }
0x5a: {  	_ =	shalt  }
0x5b: {  	_ =	shalt  }
0x5c: {  	_ =	shalt  }
0x5d: {  	_ =	shalt  }
0x5e: {  	_ =	shalt  }
0x5f: {  	_ =	shalt  }
0x60: {  	_ =	shalt  }
0x61: {  	_ =	shalt  }
0x62: {  	_ =	shalt  }
0x63: {  	_ =	shalt  }
0x64: {  	_ =	shalt  }
0x65: {  	_ =	shalt  }
0x66: {  	_ =	shalt  }
0x67: {  	_ =	shalt  }
0x68: {  	_ =	shalt  }
0x69: {  	_ =	shalt  }
0x6a: {  	_ =	shalt  }
0x6b: {  	_ =	shalt  }
0x6c: {  	_ =	shalt  }
0x6d: {  	_ =	shalt  }
0x6e: {  	_ =	shalt  }
0x6f: {  	_ =	shalt  }
0x70: {  	_ =	shalt  }
0x71: {  	_ =	shalt  }
0x72: {  	_ =	shalt  }
0x73: {  	_ =	shalt  }
0x74: {  	_ =	shalt  }
0x75: {  	_ =	shalt  }
0x76: {  	_ =	shalt  }
0x77: {  	_ =	shalt  }
0x78: {  	_ =	shalt  }
0x79: {  	_ =	shalt  }
0x7a: {  	_ =	shalt  }
0x7b: {  	_ =	shalt  }
0x7c: {  	_ =	shalt  }
0x7d: {  	_ =	shalt  }
0x7e: {  	_ =	shalt  }
0x7f: {  	_ =	shalt  }
0x80: {  	_ =	shalt  }
0x81: {  	_ =	shalt  }
0x82: {  	_ =	shalt  }
0x83: {  	_ =	shalt  }
0x84: {  	_ =	shalt  }
0x85: {  	_ =	shalt  }
0x86: {  	_ =	shalt  }
0x87: {  	_ =	shalt  }
.Lfunc_end0:
.L_simem_size_0:
called_computation.2_lowered:
.L_overlay_start_0:
0x88: {  	s2 =	sld [smem:$0x3FD9]  }
0x89: {  	s3 =	sld [smem:$0x3FFE];
	_ =	sdelay $0x1  }
0x8a: {  	s1 =	srdreg.scid  }
0x8b: {  	s0 =	sand.u32 $0x1, s1  }
0x8c: {  	s17 =	sshll.u32 s0, $0xA;
	s2 =	sadd.s32 s3, s2  }
0x8d: {  	s2 =	sadd.s32 s2, s17  }
0x8e: {  	[smem:$0x3FBE] =	sst s2  }
0x8f: {  	_ = 	snop  }
0x90: {  	s2 =	sld [smem:$0x3FD0];
	(tm) =	ssettm $0x1  }
0x91: {  	s18 =	sld [smem:$0x3FFB];
	_ =	sdelay $0x3  }
0x92: {  	_ =	strace s18  }
0x93: {  	s3 =	sld [smem:$0x3FFC];
	_ =	sdelay $0x3  }
0x94: {  	_ =	strace s3  }
0x95: {  	s3 =	sld [smem:$0x3FFD];
	_ =	sdelay $0x3  }
0x96: {  	_ =	strace s3  }
0x97: {  	_ =	strace $0x8FFFFFFF  }
0x98: {  	s19 =	sld [smem:$0x3FDB];
	_ =	sdelay $0x1  }
0x99: {  	s4 =	simm.s32 $_scs_section_size  }
0x9a: {  	s5 =	simm.s32 $_size__tile_overlayer_lowered;
	s6 =	simm.s32 $_tile_overlayer_lowered  }
0x9b: {  	s22 =	simm.s32 $0x1BFF;
	s21 =	sshll.u32 s6, $0x1;
	s3 =	sadd.s32 s4, s19  }
0x9c: {  	s7 =	simm.s32 $0x0;
	s20 =	sshll.u32 s5, $0x1;
	s5 =	sadd.s32 s21, s3  }
0x9d: {  	[timem:s7], [sflag:s22] =	dma.local [hbm:s5], s20  }
0x9e: {  	_ =	swait.ge [sflag:s22], s20  }
0x9f: {  	s4 =	ssub.s32 $0x0, s20;
	[sflag:s22] =	ssyncset.done $0x0  }
0xa0: {  	[sflag:s22] =	ssyncadd.s32 s4;
	_ =	sdelay $0x1  }
0xa1: {  	s23 =	simm.s32 $0x1B8B  }
0xa2: {  	_ =	swait.ge [sflag:s23], $0x1  }
0xa3: {  	[sflag:s23] =	ssyncset.done $0x0  }
0xa4: {  	s25 =	simm.s32 $0x1B8E;
	s24 =	sld [smem:$0x3FFE];
	[sflag:s23] =	ssyncadd.s32 $0xFFFFFFFF  }
0xa5: {  	s26 =	simm.s32 $execute0_lowered;
	[smem:$0x3FD2] =	sst s25  }
0xa6: {  	s5 =	sshll.u32 s26, $0x1;
	_ =	strace $0x8000004C;
	[dreg:$0x1] =	wrdreg $0xFFFFFFFF  }
0xa7: {  	s28 =	simm.s32 $_size_execute0_lowered;
	s3 =	sadd.s32 s3, s5;
	[dreg:$0x0] =	wrdreg $0x0  }
0xa8: {  	s5 =	sshll.u32 s28, $0x1;
	[dreg:$0x2] =	wrdreg s3  }
0xa9: {  	[dreg:$0x3] =	wrdreg s5  }
0xaa: {  	[dreg:$0x4] =	wrdreg $0xC0  }
0xab: {  	_ =	task [dreg:s7], $0x5FFFF  }
0xac: {  	[dreg:$0x1] =	wrdreg $0xFFFFFFFF  }
0xad: {  	[dreg:$0x0] =	wrdreg $0x60  }
0xae: {  	[dreg:$0x2] =	wrdreg s24  }
0xaf: {  	[dreg:$0x3] =	wrdreg s2  }
0xb0: {  	[dreg:$0x4] =	wrdreg $0x9  }
0xb1: {  	_ =	task.clear_ibuf [dreg:s7], $0x5FFFF;
	_ =	strace $0x9000004C  }
0xb2: {  	s29 =	simm.s32 $0x9;
	_ =	strace $0x8000004E  }
0xb3: {  	_ =	swait.ge [sflag:s29], $0x1  }
0xb4: {  	[sflag:s29] =	ssyncadd.s32 $0xFFFFFFFF  }
0xb5: {  	_ =	strace $0x9000004E  }
0xb6: {  	_ =	sfence  }
0xb7: {  	s30 =	sld [smem:$0x0];
	_ =	sdelay $0x2  }
0xb8: {  	s31 =	sshll.u32 s1, $0xD;
	s1 =	sshrl.u32 s1, $0x2  }
0xb9: {  	s3 =	sand.u32 $0x4000, s31;
	s1 =	sadd.s32 s1, s30  }
0xba: {  	s0 =	sor.u32 s3, s0;
	s1 =	sshll.u32 s1, $0x11  }
0xbb: {  	s0 =	sor.u32 s1, s0  }
0xbc: {  	s0 =	sadd.s32 $0x8F2B, s0  }
0xbd: {  	[sflag:s0] =	ssyncadd.remote.s32 $0x1  }
0xbe: {  	_ =	sfence.sel $0xFFFF  }
0xbf: {  	[dreg:$0x0] =	wrdreg $0xFFFFFFFF;
	(pc) =	sbr.abs _section_cstart, $3  }
0xc0: {  	[dreg:$0x1] =	wrdreg $0xFFFFFFFF  }
0xc1: {  	_ =	task.clear_ibuf [dreg:s7], $0x2FFFF;
	_ =	strace $0x9FFFFFFF  }
0xc2: {  	(tm) =	ssettm $0x7FFFFFFF  }
0xc3: {  	_ =	shalt  }
tec
execute0_lowered:
.L_overlay_start_1:
0x0: {  	(tag) =	ssettag $0x1  }
0x1: {  	s0 =	rddreg [dreg:$0x0];
	s1 =	srdreg.scid  }
0x2: {  	s8 =	stileid.u32;
	s3 =	rddreg [dreg:$0x1];
	s2 =	simm.s32 $0x0  }
0x3: {  	s17 =	simm.s32 $0x4;
	s28 =	simm.s32 $0x3A00;
	s29 =	simm.s32 $0x4200  }
0x4: {  	s30 =	simm.s32 $0x4A00;
	s31 =	simm.s32 $0x5200;
	s12 =	simm.s32 $0x8A00  }
0x5: {  	s13 =	simm.s32 $0x9200;
	s14 =	simm.s32 $0x9A00;
	s15 =	simm.s32 $0xA200  }
0x6: {  	s16 =	simm.s32 $0xAA00;
	s11 =	simm.s32 $0xDA00;
	s20 =	simm.s32 $0xEA00  }
0x7: {  	s21 =	simm.s32 $0xF200;
	s22 =	simm.s32 $0xFA00;
	s1 =	sand.u32 $0x1, s1  }
0x8: {  	s4 =	sshll.u32 s8, $0x1;
	[smem:$0x7FF] =	sst s2;
	s6 =	sadd.s32 $0x3400, s0  }
0x9: {  	p0 =	slt.u32 s8, $0x8;
	s8 =	sshll.u32 s8, $0xF;
	s4 =	sor.u32 s1, s4  }
0xa: {  	_ =	strace $0x8000004D;
	s1 =	ssub.s32 $0x2, s1;
	s8 =	sand.u32 $0x60000, s8  }
0xb: {  	s5 =	sshll.u32 s4, $0xE;
	s7 =	sshll.u32 s4, $0x6;
	s23 =	sshrl.u32 s1, $0x1  }
0xc: {  	s4 =	sshll.u32 s4, $0x11;
	s3 =	sadd.s32 s3, s8;
	s8 =	simm.s32 $0x8200  }
0xd: {  	s5 =	sadd.s32 s5, s0;
	s0 =	sadd.s32 s7, s0;
	s1 =	ssub.s32 s1, s23  }
0xe: {  	s24 =	sadd.s32 $0xFFE00000, s4;
	s26 =	sadd.s32 $0xFFE08000, s4;
	s9 =	sadd.s32 $0xFFE10000, s4  }
0xf: {  	s4 =	sadd.s32 $0xFFE18000, s4;
	s23 =	simm.s32 $0x2A00;
	s0 =	sadd.s32 $0x2C00, s0  }
0x10: {  	s25 =	sshrl.u32 s24, $0x3;
	s7 =	sshrl.u32 s26, $0x3;
	s9 =	sshrl.u32 s9, $0x3  }
0x11: {  	s4 =	sshrl.u32 s4, $0x3;
	s10 =	sadd.s32 $0x43400, s5;
	s24 =	simm.s32 $0x1  }
0x12: {  	s26 =	simm.s32 $0x3200;
	[dreg:$0x3] =	wrdreg s0;
	s0 =	sadd.s32 s6, s25  }
0x13: {  	s7 =	sadd.s32 s6, s7;
	s9 =	sadd.s32 s6, s9;
	s6 =	sadd.s32 s6, s4  }
0x14: {  	s4 =	sadd.s32 $0x44400, s5;
	s25 =	simm.s32 $0x3;
	s0 =	smov.u32 @p0 s10  }
0x15: {  	s10 =	sadd.s32 $0x45400, s5;
	s7 =	smov.u32 @p0 s4;
	s4 =	smax.u32 s1, $0x1  }
0x16: {  	s1 =	simm.s32 $0xC200;
	[dreg:$0x4] =	wrdreg s0;
	s0 =	sadd.s32 $0x46400, s5  }
0x17: {  	v2 =	vlaneseq.u32;
	[dreg:$0x5] =	wrdreg s7;
	s9 =	smov.u32 @p0 s10;
	s5 =	simm.s32 $0xB200  }
0x18: {  	vm0 =	vmmov $0xffff;
	v1 =	vshrl.u32 v2, $0x3;
	s10 =	simm.s32 $0xD200;
	[dreg:$0x6] =	wrdreg s9;
	s6 =	smov.u32 @p0 s0  }
0x19: {  	v0 =	vand.u32 $0x7, v2;
	v2 =	vor.u32 $0x8, v2;
	v1 =	vmul.u32 $0x8, v1;
	s9 =	simm.s32 $0xCA00;
	[dreg:$0x7] =	wrdreg s6;
	s6 =	simm.s32 $0xBA00  }
.LBB2_1:
0x1a: {  	s18 =	rddreg [dreg:$0x3];
	s0 =	simm.s32 $0x5  }
0x1b: {  	[tilespmem:s2], [sflag:$0x5] =	stream.linear.gather [hbm4b:s18+s2], $0x200, $0x38;
	[tilespmem:$0x10200] =	vst v63  }
0x1c: {  	_ =	swait.ge [sflag:s0], $0x200  }
0x1d: {  	[sflag:s0] =	ssyncset.done $0x0  }
0x1e: {  	s7 =	simm.s32 $0x200;
	s18 =	rddreg [dreg:$0x4];
	[sflag:s0] =	ssyncadd.s32 $0xFFFFFE00  }
0x1f: {  	[tilespmem:s7], [sflag:$0x1] =	stream.linear.gather [hbm4b:s18+s2], $0x8000, $0x38;
	[tilespmem:$0x10200] =	vst v63  }
0x20: {  	s19 =	rddreg [dreg:$0x5]  }
0x21: {  	[tilespmem:s8], [sflag:$0x2] =	stream.linear.gather [hbm4b:s19+s2], $0x8000, $0x38;
	[tilespmem:$0x10200] =	vst v63  }
0x22: {  	_ =	swait.ge [sflag:s24], $0x8000  }
0x23: {  	[sflag:s24] =	ssyncset.done $0x0  }
0x24: {  	[sflag:s24] =	ssyncadd.s32 $0xFFFF8000  }
0x25: {  	v3 =	vld [tilespmem:$0x0];
	_ =	sdelay $0x4  }
0x26: {  	v4 =	vshll.u32 v3, $0x1  }
0x27: {  	v3 =	vand.u32 $0x7, v3;
	v4 =	vand.u32 $0xFFFFFFF0, v4  }
0x28: {  	v3 =	vor.u32 v3, v4  }
0x29: {  	v4 =	vperm.xlane v3, v0;
	_ =	sdelay $0x1  }
0x2a: {  	v3 =	vperm.xlane v3, v2;
	v4 =	vadd.s32 v1, v4;
	_ =	sdelay $0x1  }
0x2b: {  	v3 =	vadd.s32 v1, v3;
	_ =	sdelay $0x2  }
0x2c: {  	[hbm4b:s3+s2] =	stream.indirect_vreg.scatter [tilespmem:s7], [sflag:$0x3], $0x80, v4, vm0, $0xb8;
	[tilespmem:$0x10200] =	vst v63  }
0x2d: {  	s19 =	simm.s32 $0xA00  }
0x2e: {  	[hbm4b:s3+s2] =	stream.indirect_vreg.scatter [tilespmem:s19], [sflag:$0x3], $0x80, v3, vm0, $0xb8;
	[tilespmem:$0x10200] =	vst v63  }
0x2f: {  	v3 =	vld [tilespmem:$0x10];
	_ =	sdelay $0x4  }
0x30: {  	v33 =	vshll.u32 v3, $0x1  }
0x31: {  	v3 =	vand.u32 $0x7, v3;
	v4 =	vand.u32 $0xFFFFFFF0, v33  }
0x32: {  	v3 =	vor.u32 v3, v4  }
0x33: {  	v4 =	vperm.xlane v3, v0;
	_ =	sdelay $0x1  }
0x34: {  	v3 =	vperm.xlane v3, v2;
	v4 =	vadd.s32 v1, v4;
	_ =	sdelay $0x1  }
0x35: {  	v3 =	vadd.s32 v1, v3;
	_ =	sdelay $0x1  }
0x36: {  	s18 =	simm.s32 $0x1200  }
0x37: {  	[hbm4b:s3+s2] =	stream.indirect_vreg.scatter [tilespmem:s18], [sflag:$0x3], $0x80, v4, vm0, $0xb8;
	[tilespmem:$0x10200] =	vst v63  }
0x38: {  	s19 =	simm.s32 $0x1A00  }
0x39: {  	[hbm4b:s3+s2] =	stream.indirect_vreg.scatter [tilespmem:s19], [sflag:$0x3], $0x80, v3, vm0, $0xb8;
	[tilespmem:$0x10200] =	vst v63  }
0x3a: {  	v3 =	vld [tilespmem:$0x20];
	_ =	sdelay $0x4  }
0x3b: {  	v34 =	vshll.u32 v3, $0x1  }
0x3c: {  	v3 =	vand.u32 $0x7, v3;
	v4 =	vand.u32 $0xFFFFFFF0, v34  }
0x3d: {  	v3 =	vor.u32 v3, v4  }
0x3e: {  	v4 =	vperm.xlane v3, v0;
	_ =	sdelay $0x1  }
0x3f: {  	v3 =	vperm.xlane v3, v2;
	v4 =	vadd.s32 v1, v4;
	_ =	sdelay $0x1  }
0x40: {  	v3 =	vadd.s32 v1, v3;
	_ =	sdelay $0x1  }
0x41: {  	s18 =	simm.s32 $0x2200  }
0x42: {  	[hbm4b:s3+s2] =	stream.indirect_vreg.scatter [tilespmem:s18], [sflag:$0x3], $0x80, v4, vm0, $0xb8;
	[tilespmem:$0x10200] =	vst v63  }
0x43: {  	_ = 	snop  }
0x44: {  	[hbm4b:s3+s2] =	stream.indirect_vreg.scatter [tilespmem:s23], [sflag:$0x3], $0x80, v3, vm0, $0xb8;
	[tilespmem:$0x10200] =	vst v63  }
0x45: {  	v3 =	vld [tilespmem:$0x30];
	_ =	sdelay $0x4  }
0x46: {  	v35 =	vshll.u32 v3, $0x1  }
0x47: {  	v3 =	vand.u32 $0x7, v3;
	v4 =	vand.u32 $0xFFFFFFF0, v35  }
0x48: {  	v3 =	vor.u32 v3, v4  }
0x49: {  	v4 =	vperm.xlane v3, v0;
	_ =	sdelay $0x1  }
0x4a: {  	v3 =	vperm.xlane v3, v2;
	v4 =	vadd.s32 v1, v4;
	_ =	sdelay $0x1  }
0x4b: {  	v3 =	vadd.s32 v1, v3;
	_ =	sdelay $0x2  }
0x4c: {  	[hbm4b:s3+s2] =	stream.indirect_vreg.scatter [tilespmem:s26], [sflag:$0x3], $0x80, v4, vm0, $0xb8;
	[tilespmem:$0x10200] =	vst v63  }
0x4d: {  	_ = 	snop  }
0x4e: {  	[hbm4b:s3+s2] =	stream.indirect_vreg.scatter [tilespmem:s28], [sflag:$0x3], $0x80, v3, vm0, $0xb8;
	[tilespmem:$0x10200] =	vst v63  }
0x4f: {  	v3 =	vld [tilespmem:$0x40];
	_ =	sdelay $0x4  }
0x50: {  	v36 =	vshll.u32 v3, $0x1  }
0x51: {  	v3 =	vand.u32 $0x7, v3;
	v4 =	vand.u32 $0xFFFFFFF0, v36  }
0x52: {  	v3 =	vor.u32 v3, v4  }
0x53: {  	v4 =	vperm.xlane v3, v0;
	_ =	sdelay $0x1  }
0x54: {  	v3 =	vperm.xlane v3, v2;
	v4 =	vadd.s32 v1, v4;
	_ =	sdelay $0x1  }
0x55: {  	v3 =	vadd.s32 v1, v3;
	_ =	sdelay $0x2  }
0x56: {  	[hbm4b:s3+s2] =	stream.indirect_vreg.scatter [tilespmem:s29], [sflag:$0x3], $0x80, v4, vm0, $0xb8;
	[tilespmem:$0x10200] =	vst v63  }
0x57: {  	_ = 	snop  }
0x58: {  	[hbm4b:s3+s2] =	stream.indirect_vreg.scatter [tilespmem:s30], [sflag:$0x3], $0x80, v3, vm0, $0xb8;
	[tilespmem:$0x10200] =	vst v63  }
0x59: {  	v3 =	vld [tilespmem:$0x50];
	_ =	sdelay $0x4  }
0x5a: {  	v37 =	vshll.u32 v3, $0x1  }
0x5b: {  	v3 =	vand.u32 $0x7, v3;
	v4 =	vand.u32 $0xFFFFFFF0, v37  }
0x5c: {  	v3 =	vor.u32 v3, v4  }
0x5d: {  	v4 =	vperm.xlane v3, v0;
	_ =	sdelay $0x1  }
0x5e: {  	v3 =	vperm.xlane v3, v2;
	v4 =	vadd.s32 v1, v4;
	_ =	sdelay $0x1  }
0x5f: {  	v3 =	vadd.s32 v1, v3;
	_ =	sdelay $0x2  }
0x60: {  	[hbm4b:s3+s2] =	stream.indirect_vreg.scatter [tilespmem:s31], [sflag:$0x3], $0x80, v4, vm0, $0xb8;
	[tilespmem:$0x10200] =	vst v63  }
0x61: {  	s19 =	simm.s32 $0x5A00  }
0x62: {  	[hbm4b:s3+s2] =	stream.indirect_vreg.scatter [tilespmem:s19], [sflag:$0x3], $0x80, v3, vm0, $0xb8;
	[tilespmem:$0x10200] =	vst v63  }
0x63: {  	v3 =	vld [tilespmem:$0x60];
	_ =	sdelay $0x4  }
0x64: {  	v38 =	vshll.u32 v3, $0x1  }
0x65: {  	v3 =	vand.u32 $0x7, v3;
	v4 =	vand.u32 $0xFFFFFFF0, v38  }
0x66: {  	v3 =	vor.u32 v3, v4  }
0x67: {  	v4 =	vperm.xlane v3, v0;
	_ =	sdelay $0x1  }
0x68: {  	v3 =	vperm.xlane v3, v2;
	v4 =	vadd.s32 v1, v4;
	_ =	sdelay $0x1  }
0x69: {  	v3 =	vadd.s32 v1, v3;
	_ =	sdelay $0x1  }
0x6a: {  	s18 =	simm.s32 $0x6200  }
0x6b: {  	[hbm4b:s3+s2] =	stream.indirect_vreg.scatter [tilespmem:s18], [sflag:$0x3], $0x80, v4, vm0, $0xb8;
	[tilespmem:$0x10200] =	vst v63  }
0x6c: {  	s19 =	simm.s32 $0x6A00  }
0x6d: {  	[hbm4b:s3+s2] =	stream.indirect_vreg.scatter [tilespmem:s19], [sflag:$0x3], $0x80, v3, vm0, $0xb8;
	[tilespmem:$0x10200] =	vst v63  }
0x6e: {  	v3 =	vld [tilespmem:$0x70];
	_ =	sdelay $0x4  }
0x6f: {  	v39 =	vshll.u32 v3, $0x1  }
0x70: {  	v3 =	vand.u32 $0x7, v3;
	v4 =	vand.u32 $0xFFFFFFF0, v39  }
0x71: {  	v3 =	vor.u32 v3, v4  }
0x72: {  	v4 =	vperm.xlane v3, v0;
	_ =	sdelay $0x1  }
0x73: {  	v3 =	vperm.xlane v3, v2;
	v4 =	vadd.s32 v1, v4;
	_ =	sdelay $0x1  }
0x74: {  	v3 =	vadd.s32 v1, v3;
	_ =	sdelay $0x1  }
0x75: {  	s18 =	simm.s32 $0x7200  }
0x76: {  	[hbm4b:s3+s2] =	stream.indirect_vreg.scatter [tilespmem:s18], [sflag:$0x3], $0x80, v4, vm0, $0xb8;
	[tilespmem:$0x10200] =	vst v63  }
0x77: {  	s19 =	simm.s32 $0x7A00  }
0x78: {  	[hbm4b:s3+s2] =	stream.indirect_vreg.scatter [tilespmem:s19], [sflag:$0x3], $0x80, v3, vm0, $0xb8;
	[tilespmem:$0x10200] =	vst v63  }
0x79: {  	_ =	swait.ge [sflag:s25], $0x8000  }
0x7a: {  	[sflag:s25] =	ssyncset.done $0x0  }
0x7b: {  	s0 =	rddreg [dreg:$0x6];
	[sflag:s25] =	ssyncadd.s32 $0xFFFF8000  }
0x7c: {  	[tilespmem:s7], [sflag:$0x1] =	stream.linear.gather [hbm4b:s0+s2], $0x8000, $0x38;
	[tilespmem:$0x10200] =	vst v63  }
0x7d: {  	s0 =	simm.s32 $0x2  }
0x7e: {  	_ =	swait.ge [sflag:s0], $0x8000  }
0x7f: {  	[sflag:s0] =	ssyncset.done $0x0  }
0x80: {  	[sflag:s0] =	ssyncadd.s32 $0xFFFF8000  }
0x81: {  	v3 =	vld [tilespmem:$0x80];
	_ =	sdelay $0x4  }
0x82: {  	v40 =	vshll.u32 v3, $0x1  }
0x83: {  	v3 =	vand.u32 $0x7, v3;
	v4 =	vand.u32 $0xFFFFFFF0, v40  }
0x84: {  	v3 =	vor.u32 v3, v4  }
0x85: {  	v4 =	vperm.xlane v3, v0;
	_ =	sdelay $0x1  }
0x86: {  	v3 =	vperm.xlane v3, v2;
	v4 =	vadd.s32 v1, v4;
	_ =	sdelay $0x1  }
0x87: {  	v3 =	vadd.s32 v1, v3;
	_ =	sdelay $0x2  }
0x88: {  	[hbm4b:s3+s2] =	stream.indirect_vreg.scatter [tilespmem:s8], [sflag:$0x4], $0x80, v4, vm0, $0xb8;
	[tilespmem:$0x10200] =	vst v63  }
0x89: {  	_ = 	snop  }
0x8a: {  	[hbm4b:s3+s2] =	stream.indirect_vreg.scatter [tilespmem:s12], [sflag:$0x4], $0x80, v3, vm0, $0xb8;
	[tilespmem:$0x10200] =	vst v63  }
0x8b: {  	v3 =	vld [tilespmem:$0x90];
	_ =	sdelay $0x4  }
0x8c: {  	v41 =	vshll.u32 v3, $0x1  }
0x8d: {  	v3 =	vand.u32 $0x7, v3;
	v4 =	vand.u32 $0xFFFFFFF0, v41  }
0x8e: {  	v3 =	vor.u32 v3, v4  }
0x8f: {  	v4 =	vperm.xlane v3, v0;
	_ =	sdelay $0x1  }
0x90: {  	v3 =	vperm.xlane v3, v2;
	v4 =	vadd.s32 v1, v4;
	_ =	sdelay $0x1  }
0x91: {  	v3 =	vadd.s32 v1, v3;
	_ =	sdelay $0x2  }
0x92: {  	[hbm4b:s3+s2] =	stream.indirect_vreg.scatter [tilespmem:s13], [sflag:$0x4], $0x80, v4, vm0, $0xb8;
	[tilespmem:$0x10200] =	vst v63  }
0x93: {  	_ = 	snop  }
0x94: {  	[hbm4b:s3+s2] =	stream.indirect_vreg.scatter [tilespmem:s14], [sflag:$0x4], $0x80, v3, vm0, $0xb8;
	[tilespmem:$0x10200] =	vst v63  }
0x95: {  	v3 =	vld [tilespmem:$0xA0];
	_ =	sdelay $0x4  }
0x96: {  	v42 =	vshll.u32 v3, $0x1  }
0x97: {  	v3 =	vand.u32 $0x7, v3;
	v4 =	vand.u32 $0xFFFFFFF0, v42  }
0x98: {  	v3 =	vor.u32 v3, v4  }
0x99: {  	v4 =	vperm.xlane v3, v0;
	_ =	sdelay $0x1  }
0x9a: {  	v3 =	vperm.xlane v3, v2;
	v4 =	vadd.s32 v1, v4;
	_ =	sdelay $0x1  }
0x9b: {  	v3 =	vadd.s32 v1, v3;
	_ =	sdelay $0x2  }
0x9c: {  	[hbm4b:s3+s2] =	stream.indirect_vreg.scatter [tilespmem:s15], [sflag:$0x4], $0x80, v4, vm0, $0xb8;
	[tilespmem:$0x10200] =	vst v63  }
0x9d: {  	_ = 	snop  }
0x9e: {  	[hbm4b:s3+s2] =	stream.indirect_vreg.scatter [tilespmem:s16], [sflag:$0x4], $0x80, v3, vm0, $0xb8;
	[tilespmem:$0x10200] =	vst v63  }
0x9f: {  	v3 =	vld [tilespmem:$0xB0];
	_ =	sdelay $0x4  }
0xa0: {  	v43 =	vshll.u32 v3, $0x1  }
0xa1: {  	v3 =	vand.u32 $0x7, v3;
	v4 =	vand.u32 $0xFFFFFFF0, v43  }
0xa2: {  	v3 =	vor.u32 v3, v4  }
0xa3: {  	v4 =	vperm.xlane v3, v0;
	_ =	sdelay $0x1  }
0xa4: {  	v3 =	vperm.xlane v3, v2;
	v4 =	vadd.s32 v1, v4;
	_ =	sdelay $0x1  }
0xa5: {  	v3 =	vadd.s32 v1, v3;
	_ =	sdelay $0x2  }
0xa6: {  	[hbm4b:s3+s2] =	stream.indirect_vreg.scatter [tilespmem:s5], [sflag:$0x4], $0x80, v4, vm0, $0xb8;
	[tilespmem:$0x10200] =	vst v63  }
0xa7: {  	_ = 	snop  }
0xa8: {  	[hbm4b:s3+s2] =	stream.indirect_vreg.scatter [tilespmem:s6], [sflag:$0x4], $0x80, v3, vm0, $0xb8;
	[tilespmem:$0x10200] =	vst v63  }
0xa9: {  	v3 =	vld [tilespmem:$0xC0];
	_ =	sdelay $0x4  }
0xaa: {  	v44 =	vshll.u32 v3, $0x1  }
0xab: {  	v3 =	vand.u32 $0x7, v3;
	v4 =	vand.u32 $0xFFFFFFF0, v44  }
0xac: {  	v3 =	vor.u32 v3, v4  }
0xad: {  	v4 =	vperm.xlane v3, v0;
	_ =	sdelay $0x1  }
0xae: {  	v3 =	vperm.xlane v3, v2;
	v4 =	vadd.s32 v1, v4;
	_ =	sdelay $0x1  }
0xaf: {  	v3 =	vadd.s32 v1, v3;
	_ =	sdelay $0x2  }
0xb0: {  	[hbm4b:s3+s2] =	stream.indirect_vreg.scatter [tilespmem:s1], [sflag:$0x4], $0x80, v4, vm0, $0xb8;
	[tilespmem:$0x10200] =	vst v63  }
0xb1: {  	_ = 	snop  }
0xb2: {  	[hbm4b:s3+s2] =	stream.indirect_vreg.scatter [tilespmem:s9], [sflag:$0x4], $0x80, v3, vm0, $0xb8;
	[tilespmem:$0x10200] =	vst v63  }
0xb3: {  	v3 =	vld [tilespmem:$0xD0];
	_ =	sdelay $0x4  }
0xb4: {  	v45 =	vshll.u32 v3, $0x1  }
0xb5: {  	v3 =	vand.u32 $0x7, v3;
	v4 =	vand.u32 $0xFFFFFFF0, v45  }
0xb6: {  	v3 =	vor.u32 v3, v4  }
0xb7: {  	v4 =	vperm.xlane v3, v0;
	_ =	sdelay $0x1  }
0xb8: {  	v3 =	vperm.xlane v3, v2;
	v4 =	vadd.s32 v1, v4;
	_ =	sdelay $0x1  }
0xb9: {  	v3 =	vadd.s32 v1, v3;
	_ =	sdelay $0x2  }
0xba: {  	[hbm4b:s3+s2] =	stream.indirect_vreg.scatter [tilespmem:s10], [sflag:$0x4], $0x80, v4, vm0, $0xb8;
	[tilespmem:$0x10200] =	vst v63  }
0xbb: {  	_ = 	snop  }
0xbc: {  	[hbm4b:s3+s2] =	stream.indirect_vreg.scatter [tilespmem:s11], [sflag:$0x4], $0x80, v3, vm0, $0xb8;
	[tilespmem:$0x10200] =	vst v63  }
0xbd: {  	v3 =	vld [tilespmem:$0xE0];
	_ =	sdelay $0x4  }
0xbe: {  	v46 =	vshll.u32 v3, $0x1  }
0xbf: {  	v3 =	vand.u32 $0x7, v3;
	v4 =	vand.u32 $0xFFFFFFF0, v46  }
0xc0: {  	v3 =	vor.u32 v3, v4  }
0xc1: {  	v4 =	vperm.xlane v3, v0;
	_ =	sdelay $0x1  }
0xc2: {  	v3 =	vperm.xlane v3, v2;
	v4 =	vadd.s32 v1, v4;
	_ =	sdelay $0x1  }
0xc3: {  	v3 =	vadd.s32 v1, v3;
	_ =	sdelay $0x1  }
0xc4: {  	s19 =	simm.s32 $0xE200  }
0xc5: {  	[hbm4b:s3+s2] =	stream.indirect_vreg.scatter [tilespmem:s19], [sflag:$0x4], $0x80, v4, vm0, $0xb8;
	[tilespmem:$0x10200] =	vst v63  }
0xc6: {  	_ = 	snop  }
0xc7: {  	[hbm4b:s3+s2] =	stream.indirect_vreg.scatter [tilespmem:s20], [sflag:$0x4], $0x80, v3, vm0, $0xb8;
	[tilespmem:$0x10200] =	vst v63  }
0xc8: {  	v3 =	vld [tilespmem:$0xF0];
	_ =	sdelay $0x4  }
0xc9: {  	v47 =	vshll.u32 v3, $0x1  }
0xca: {  	v3 =	vand.u32 $0x7, v3;
	v4 =	vand.u32 $0xFFFFFFF0, v47  }
0xcb: {  	v3 =	vor.u32 v3, v4  }
0xcc: {  	v4 =	vperm.xlane v3, v0;
	_ =	sdelay $0x1  }
0xcd: {  	v3 =	vperm.xlane v3, v2;
	v4 =	vadd.s32 v1, v4;
	_ =	sdelay $0x1  }
0xce: {  	v3 =	vadd.s32 v1, v3;
	_ =	sdelay $0x2  }
0xcf: {  	[hbm4b:s3+s2] =	stream.indirect_vreg.scatter [tilespmem:s21], [sflag:$0x4], $0x80, v4, vm0, $0xb8;
	[tilespmem:$0x10200] =	vst v63  }
0xd0: {  	_ = 	snop  }
0xd1: {  	[hbm4b:s3+s2] =	stream.indirect_vreg.scatter [tilespmem:s22], [sflag:$0x4], $0x80, v3, vm0, $0xb8;
	[tilespmem:$0x10200] =	vst v63  }
0xd2: {  	_ =	swait.ge [sflag:s17], $0x8000  }
0xd3: {  	[sflag:s17] =	ssyncset.done $0x0  }
0xd4: {  	s18 =	rddreg [dreg:$0x7];
	[sflag:s17] =	ssyncadd.s32 $0xFFFF8000  }
0xd5: {  	[tilespmem:s8], [sflag:$0x2] =	stream.linear.gather [hbm4b:s18+s2], $0x8000, $0x38;
	[tilespmem:$0x10200] =	vst v63  }
0xd6: {  	_ =	swait.ge [sflag:s24], $0x8000  }
0xd7: {  	[sflag:s24] =	ssyncset.done $0x0  }
0xd8: {  	[sflag:s24] =	ssyncadd.s32 $0xFFFF8000  }
0xd9: {  	v3 =	vld [tilespmem:$0x100];
	_ =	sdelay $0x4  }
0xda: {  	v48 =	vshll.u32 v3, $0x1  }
0xdb: {  	v3 =	vand.u32 $0x7, v3;
	v4 =	vand.u32 $0xFFFFFFF0, v48  }
0xdc: {  	v3 =	vor.u32 v3, v4  }
0xdd: {  	v4 =	vperm.xlane v3, v0;
	_ =	sdelay $0x1  }
0xde: {  	v3 =	vperm.xlane v3, v2;
	v4 =	vadd.s32 v1, v4;
	_ =	sdelay $0x1  }
0xdf: {  	v3 =	vadd.s32 v1, v3;
	_ =	sdelay $0x2  }
0xe0: {  	[hbm4b:s3+s2] =	stream.indirect_vreg.scatter [tilespmem:s7], [sflag:$0x3], $0x80, v4, vm0, $0xb8;
	[tilespmem:$0x10200] =	vst v63  }
0xe1: {  	s18 =	simm.s32 $0xA00  }
0xe2: {  	[hbm4b:s3+s2] =	stream.indirect_vreg.scatter [tilespmem:s18], [sflag:$0x3], $0x80, v3, vm0, $0xb8;
	[tilespmem:$0x10200] =	vst v63  }
0xe3: {  	v3 =	vld [tilespmem:$0x110];
	_ =	sdelay $0x4  }
0xe4: {  	v49 =	vshll.u32 v3, $0x1  }
0xe5: {  	v3 =	vand.u32 $0x7, v3;
	v4 =	vand.u32 $0xFFFFFFF0, v49  }
0xe6: {  	v3 =	vor.u32 v3, v4  }
0xe7: {  	v4 =	vperm.xlane v3, v0;
	_ =	sdelay $0x1  }
0xe8: {  	v3 =	vperm.xlane v3, v2;
	v4 =	vadd.s32 v1, v4;
	_ =	sdelay $0x1  }
0xe9: {  	v3 =	vadd.s32 v1, v3;
	_ =	sdelay $0x1  }
0xea: {  	s18 =	simm.s32 $0x1200  }
0xeb: {  	[hbm4b:s3+s2] =	stream.indirect_vreg.scatter [tilespmem:s18], [sflag:$0x3], $0x80, v4, vm0, $0xb8;
	[tilespmem:$0x10200] =	vst v63  }
0xec: {  	s18 =	simm.s32 $0x1A00  }
0xed: {  	[hbm4b:s3+s2] =	stream.indirect_vreg.scatter [tilespmem:s18], [sflag:$0x3], $0x80, v3, vm0, $0xb8;
	[tilespmem:$0x10200] =	vst v63  }
0xee: {  	v3 =	vld [tilespmem:$0x120];
	_ =	sdelay $0x4  }
0xef: {  	v50 =	vshll.u32 v3, $0x1  }
0xf0: {  	v3 =	vand.u32 $0x7, v3;
	v4 =	vand.u32 $0xFFFFFFF0, v50  }
0xf1: {  	v3 =	vor.u32 v3, v4  }
0xf2: {  	v4 =	vperm.xlane v3, v0;
	_ =	sdelay $0x1  }
0xf3: {  	v3 =	vperm.xlane v3, v2;
	v4 =	vadd.s32 v1, v4;
	_ =	sdelay $0x1  }
0xf4: {  	v3 =	vadd.s32 v1, v3;
	_ =	sdelay $0x1  }
0xf5: {  	s18 =	simm.s32 $0x2200  }
0xf6: {  	[hbm4b:s3+s2] =	stream.indirect_vreg.scatter [tilespmem:s18], [sflag:$0x3], $0x80, v4, vm0, $0xb8;
	[tilespmem:$0x10200] =	vst v63  }
0xf7: {  	_ = 	snop  }
0xf8: {  	[hbm4b:s3+s2] =	stream.indirect_vreg.scatter [tilespmem:s23], [sflag:$0x3], $0x80, v3, vm0, $0xb8;
	[tilespmem:$0x10200] =	vst v63  }
0xf9: {  	v3 =	vld [tilespmem:$0x130];
	_ =	sdelay $0x4  }
0xfa: {  	v51 =	vshll.u32 v3, $0x1  }
0xfb: {  	v3 =	vand.u32 $0x7, v3;
	v4 =	vand.u32 $0xFFFFFFF0, v51  }
0xfc: {  	v3 =	vor.u32 v3, v4  }
0xfd: {  	v4 =	vperm.xlane v3, v0;
	_ =	sdelay $0x1  }
0xfe: {  	v3 =	vperm.xlane v3, v2;
	v4 =	vadd.s32 v1, v4;
	_ =	sdelay $0x1  }
0xff: {  	v3 =	vadd.s32 v1, v3;
	_ =	sdelay $0x2  }
0x100: {  	[hbm4b:s3+s2] =	stream.indirect_vreg.scatter [tilespmem:s26], [sflag:$0x3], $0x80, v4, vm0, $0xb8;
	[tilespmem:$0x10200] =	vst v63  }
0x101: {  	_ = 	snop  }
0x102: {  	[hbm4b:s3+s2] =	stream.indirect_vreg.scatter [tilespmem:s28], [sflag:$0x3], $0x80, v3, vm0, $0xb8;
	[tilespmem:$0x10200] =	vst v63  }
0x103: {  	v3 =	vld [tilespmem:$0x140];
	_ =	sdelay $0x4  }
0x104: {  	v52 =	vshll.u32 v3, $0x1  }
0x105: {  	v3 =	vand.u32 $0x7, v3;
	v4 =	vand.u32 $0xFFFFFFF0, v52  }
0x106: {  	v3 =	vor.u32 v3, v4  }
0x107: {  	v4 =	vperm.xlane v3, v0;
	_ =	sdelay $0x1  }
0x108: {  	v3 =	vperm.xlane v3, v2;
	v4 =	vadd.s32 v1, v4;
	_ =	sdelay $0x1  }
0x109: {  	v3 =	vadd.s32 v1, v3;
	_ =	sdelay $0x2  }
0x10a: {  	[hbm4b:s3+s2] =	stream.indirect_vreg.scatter [tilespmem:s29], [sflag:$0x3], $0x80, v4, vm0, $0xb8;
	[tilespmem:$0x10200] =	vst v63  }
0x10b: {  	_ = 	snop  }
0x10c: {  	[hbm4b:s3+s2] =	stream.indirect_vreg.scatter [tilespmem:s30], [sflag:$0x3], $0x80, v3, vm0, $0xb8;
	[tilespmem:$0x10200] =	vst v63  }
0x10d: {  	v3 =	vld [tilespmem:$0x150];
	_ =	sdelay $0x4  }
0x10e: {  	v53 =	vshll.u32 v3, $0x1  }
0x10f: {  	v3 =	vand.u32 $0x7, v3;
	v4 =	vand.u32 $0xFFFFFFF0, v53  }
0x110: {  	v3 =	vor.u32 v3, v4  }
0x111: {  	v4 =	vperm.xlane v3, v0;
	_ =	sdelay $0x1  }
0x112: {  	v3 =	vperm.xlane v3, v2;
	v4 =	vadd.s32 v1, v4;
	_ =	sdelay $0x1  }
0x113: {  	v3 =	vadd.s32 v1, v3;
	_ =	sdelay $0x2  }
0x114: {  	[hbm4b:s3+s2] =	stream.indirect_vreg.scatter [tilespmem:s31], [sflag:$0x3], $0x80, v4, vm0, $0xb8;
	[tilespmem:$0x10200] =	vst v63  }
0x115: {  	s18 =	simm.s32 $0x5A00  }
0x116: {  	[hbm4b:s3+s2] =	stream.indirect_vreg.scatter [tilespmem:s18], [sflag:$0x3], $0x80, v3, vm0, $0xb8;
	[tilespmem:$0x10200] =	vst v63  }
0x117: {  	v3 =	vld [tilespmem:$0x160];
	_ =	sdelay $0x4  }
0x118: {  	v54 =	vshll.u32 v3, $0x1  }
0x119: {  	v3 =	vand.u32 $0x7, v3;
	v4 =	vand.u32 $0xFFFFFFF0, v54  }
0x11a: {  	v3 =	vor.u32 v3, v4  }
0x11b: {  	v4 =	vperm.xlane v3, v0;
	_ =	sdelay $0x1  }
0x11c: {  	v3 =	vperm.xlane v3, v2;
	v4 =	vadd.s32 v1, v4;
	_ =	sdelay $0x1  }
0x11d: {  	v3 =	vadd.s32 v1, v3;
	_ =	sdelay $0x1  }
0x11e: {  	s18 =	simm.s32 $0x6200  }
0x11f: {  	[hbm4b:s3+s2] =	stream.indirect_vreg.scatter [tilespmem:s18], [sflag:$0x3], $0x80, v4, vm0, $0xb8;
	[tilespmem:$0x10200] =	vst v63  }
0x120: {  	s18 =	simm.s32 $0x6A00  }
0x121: {  	[hbm4b:s3+s2] =	stream.indirect_vreg.scatter [tilespmem:s18], [sflag:$0x3], $0x80, v3, vm0, $0xb8;
	[tilespmem:$0x10200] =	vst v63  }
0x122: {  	v3 =	vld [tilespmem:$0x170];
	_ =	sdelay $0x4  }
0x123: {  	v55 =	vshll.u32 v3, $0x1  }
0x124: {  	v3 =	vand.u32 $0x7, v3;
	v4 =	vand.u32 $0xFFFFFFF0, v55  }
0x125: {  	v3 =	vor.u32 v3, v4  }
0x126: {  	v4 =	vperm.xlane v3, v0;
	_ =	sdelay $0x1  }
0x127: {  	v3 =	vperm.xlane v3, v2;
	v4 =	vadd.s32 v1, v4;
	_ =	sdelay $0x1  }
0x128: {  	v3 =	vadd.s32 v1, v3;
	_ =	sdelay $0x1  }
0x129: {  	s18 =	simm.s32 $0x7200  }
0x12a: {  	[hbm4b:s3+s2] =	stream.indirect_vreg.scatter [tilespmem:s18], [sflag:$0x3], $0x80, v4, vm0, $0xb8;
	[tilespmem:$0x10200] =	vst v63  }
0x12b: {  	s18 =	simm.s32 $0x7A00  }
0x12c: {  	[hbm4b:s3+s2] =	stream.indirect_vreg.scatter [tilespmem:s18], [sflag:$0x3], $0x80, v3, vm0, $0xb8;
	[tilespmem:$0x10200] =	vst v63  }
0x12d: {  	_ =	swait.ge [sflag:s0], $0x8000  }
0x12e: {  	[sflag:s0] =	ssyncset.done $0x0  }
0x12f: {  	[sflag:s0] =	ssyncadd.s32 $0xFFFF8000  }
0x130: {  	v3 =	vld [tilespmem:$0x180];
	_ =	sdelay $0x4  }
0x131: {  	v56 =	vshll.u32 v3, $0x1  }
0x132: {  	v3 =	vand.u32 $0x7, v3;
	v4 =	vand.u32 $0xFFFFFFF0, v56  }
0x133: {  	v3 =	vor.u32 v3, v4  }
0x134: {  	v4 =	vperm.xlane v3, v0;
	_ =	sdelay $0x1  }
0x135: {  	v3 =	vperm.xlane v3, v2;
	v4 =	vadd.s32 v1, v4;
	_ =	sdelay $0x1  }
0x136: {  	v3 =	vadd.s32 v1, v3;
	_ =	sdelay $0x2  }
0x137: {  	[hbm4b:s3+s2] =	stream.indirect_vreg.scatter [tilespmem:s8], [sflag:$0x4], $0x80, v4, vm0, $0xb8;
	[tilespmem:$0x10200] =	vst v63  }
0x138: {  	_ = 	snop  }
0x139: {  	[hbm4b:s3+s2] =	stream.indirect_vreg.scatter [tilespmem:s12], [sflag:$0x4], $0x80, v3, vm0, $0xb8;
	[tilespmem:$0x10200] =	vst v63  }
0x13a: {  	v3 =	vld [tilespmem:$0x190];
	_ =	sdelay $0x4  }
0x13b: {  	v57 =	vshll.u32 v3, $0x1  }
0x13c: {  	v3 =	vand.u32 $0x7, v3;
	v4 =	vand.u32 $0xFFFFFFF0, v57  }
0x13d: {  	v3 =	vor.u32 v3, v4  }
0x13e: {  	v4 =	vperm.xlane v3, v0;
	_ =	sdelay $0x1  }
0x13f: {  	v3 =	vperm.xlane v3, v2;
	v4 =	vadd.s32 v1, v4;
	_ =	sdelay $0x1  }
0x140: {  	v3 =	vadd.s32 v1, v3;
	_ =	sdelay $0x2  }
0x141: {  	[hbm4b:s3+s2] =	stream.indirect_vreg.scatter [tilespmem:s13], [sflag:$0x4], $0x80, v4, vm0, $0xb8;
	[tilespmem:$0x10200] =	vst v63  }
0x142: {  	_ = 	snop  }
0x143: {  	[hbm4b:s3+s2] =	stream.indirect_vreg.scatter [tilespmem:s14], [sflag:$0x4], $0x80, v3, vm0, $0xb8;
	[tilespmem:$0x10200] =	vst v63  }
0x144: {  	v3 =	vld [tilespmem:$0x1A0];
	_ =	sdelay $0x4  }
0x145: {  	v58 =	vshll.u32 v3, $0x1  }
0x146: {  	v3 =	vand.u32 $0x7, v3;
	v4 =	vand.u32 $0xFFFFFFF0, v58  }
0x147: {  	v3 =	vor.u32 v3, v4  }
0x148: {  	v4 =	vperm.xlane v3, v0;
	_ =	sdelay $0x1  }
0x149: {  	v3 =	vperm.xlane v3, v2;
	v4 =	vadd.s32 v1, v4;
	_ =	sdelay $0x1  }
0x14a: {  	v3 =	vadd.s32 v1, v3;
	_ =	sdelay $0x2  }
0x14b: {  	[hbm4b:s3+s2] =	stream.indirect_vreg.scatter [tilespmem:s15], [sflag:$0x4], $0x80, v4, vm0, $0xb8;
	[tilespmem:$0x10200] =	vst v63  }
0x14c: {  	_ = 	snop  }
0x14d: {  	[hbm4b:s3+s2] =	stream.indirect_vreg.scatter [tilespmem:s16], [sflag:$0x4], $0x80, v3, vm0, $0xb8;
	[tilespmem:$0x10200] =	vst v63  }
0x14e: {  	v3 =	vld [tilespmem:$0x1B0];
	_ =	sdelay $0x4  }
0x14f: {  	v59 =	vshll.u32 v3, $0x1  }
0x150: {  	v3 =	vand.u32 $0x7, v3;
	v4 =	vand.u32 $0xFFFFFFF0, v59  }
0x151: {  	v3 =	vor.u32 v3, v4  }
0x152: {  	v4 =	vperm.xlane v3, v0;
	_ =	sdelay $0x1  }
0x153: {  	v3 =	vperm.xlane v3, v2;
	v4 =	vadd.s32 v1, v4;
	_ =	sdelay $0x1  }
0x154: {  	v3 =	vadd.s32 v1, v3;
	_ =	sdelay $0x2  }
0x155: {  	[hbm4b:s3+s2] =	stream.indirect_vreg.scatter [tilespmem:s5], [sflag:$0x4], $0x80, v4, vm0, $0xb8;
	[tilespmem:$0x10200] =	vst v63  }
0x156: {  	_ = 	snop  }
0x157: {  	[hbm4b:s3+s2] =	stream.indirect_vreg.scatter [tilespmem:s6], [sflag:$0x4], $0x80, v3, vm0, $0xb8;
	[tilespmem:$0x10200] =	vst v63  }
0x158: {  	v3 =	vld [tilespmem:$0x1C0];
	_ =	sdelay $0x4  }
0x159: {  	v60 =	vshll.u32 v3, $0x1  }
0x15a: {  	v3 =	vand.u32 $0x7, v3;
	v4 =	vand.u32 $0xFFFFFFF0, v60  }
0x15b: {  	v3 =	vor.u32 v3, v4  }
0x15c: {  	v4 =	vperm.xlane v3, v0;
	_ =	sdelay $0x1  }
0x15d: {  	v3 =	vperm.xlane v3, v2;
	v4 =	vadd.s32 v1, v4;
	_ =	sdelay $0x1  }
0x15e: {  	v3 =	vadd.s32 v1, v3;
	_ =	sdelay $0x2  }
0x15f: {  	[hbm4b:s3+s2] =	stream.indirect_vreg.scatter [tilespmem:s1], [sflag:$0x4], $0x80, v4, vm0, $0xb8;
	[tilespmem:$0x10200] =	vst v63  }
0x160: {  	_ = 	snop  }
0x161: {  	[hbm4b:s3+s2] =	stream.indirect_vreg.scatter [tilespmem:s9], [sflag:$0x4], $0x80, v3, vm0, $0xb8;
	[tilespmem:$0x10200] =	vst v63  }
0x162: {  	v3 =	vld [tilespmem:$0x1D0];
	_ =	sdelay $0x4  }
0x163: {  	v61 =	vshll.u32 v3, $0x1  }
0x164: {  	v3 =	vand.u32 $0x7, v3;
	v4 =	vand.u32 $0xFFFFFFF0, v61  }
0x165: {  	v3 =	vor.u32 v3, v4  }
0x166: {  	v4 =	vperm.xlane v3, v0;
	_ =	sdelay $0x1  }
0x167: {  	v3 =	vperm.xlane v3, v2;
	v4 =	vadd.s32 v1, v4;
	_ =	sdelay $0x1  }
0x168: {  	v3 =	vadd.s32 v1, v3;
	_ =	sdelay $0x2  }
0x169: {  	[hbm4b:s3+s2] =	stream.indirect_vreg.scatter [tilespmem:s10], [sflag:$0x4], $0x80, v4, vm0, $0xb8;
	[tilespmem:$0x10200] =	vst v63  }
0x16a: {  	_ = 	snop  }
0x16b: {  	[hbm4b:s3+s2] =	stream.indirect_vreg.scatter [tilespmem:s11], [sflag:$0x4], $0x80, v3, vm0, $0xb8;
	[tilespmem:$0x10200] =	vst v63  }
0x16c: {  	v3 =	vld [tilespmem:$0x1E0];
	_ =	sdelay $0x4  }
0x16d: {  	v62 =	vshll.u32 v3, $0x1  }
0x16e: {  	v3 =	vand.u32 $0x7, v3;
	v4 =	vand.u32 $0xFFFFFFF0, v62  }
0x16f: {  	v3 =	vor.u32 v3, v4  }
0x170: {  	v4 =	vperm.xlane v3, v0;
	_ =	sdelay $0x1  }
0x171: {  	v3 =	vperm.xlane v3, v2;
	v4 =	vadd.s32 v1, v4;
	_ =	sdelay $0x1  }
0x172: {  	v3 =	vadd.s32 v1, v3;
	_ =	sdelay $0x2  }
0x173: {  	[hbm4b:s3+s2] =	stream.indirect_vreg.scatter [tilespmem:s19], [sflag:$0x4], $0x80, v4, vm0, $0xb8;
	[tilespmem:$0x10200] =	vst v63  }
0x174: {  	_ = 	snop  }
0x175: {  	[hbm4b:s3+s2] =	stream.indirect_vreg.scatter [tilespmem:s20], [sflag:$0x4], $0x80, v3, vm0, $0xb8;
	[tilespmem:$0x10200] =	vst v63  }
0x176: {  	v3 =	vld [tilespmem:$0x1F0];
	_ =	sdelay $0x4  }
0x177: {  	v63 =	vshll.u32 v3, $0x1  }
0x178: {  	v3 =	vand.u32 $0x7, v3;
	v4 =	vand.u32 $0xFFFFFFF0, v63  }
0x179: {  	v3 =	vor.u32 v3, v4  }
0x17a: {  	v4 =	vperm.xlane v3, v0;
	_ =	sdelay $0x1  }
0x17b: {  	v3 =	vperm.xlane v3, v2;
	v4 =	vadd.s32 v1, v4;
	_ =	sdelay $0x1  }
0x17c: {  	v3 =	vadd.s32 v1, v3;
	_ =	sdelay $0x2  }
0x17d: {  	[hbm4b:s3+s2] =	stream.indirect_vreg.scatter [tilespmem:s21], [sflag:$0x4], $0x80, v4, vm0, $0xb8;
	[tilespmem:$0x10200] =	vst v63  }
0x17e: {  	_ = 	snop  }
0x17f: {  	[hbm4b:s3+s2] =	stream.indirect_vreg.scatter [tilespmem:s22], [sflag:$0x4], $0x80, v3, vm0, $0xb8;
	[tilespmem:$0x10200] =	vst v63  }
0x180: {  	p0 =	sne.s32 s4, $0x1;
	_ =	swait.ge [sflag:s25], $0x8000  }
.Ltmp0:
0x181: {  	[sflag:s25] =	ssyncset.done $0x0;
	(pc) =	sbr.rel @p0 .LBB2_1-.Ltmp0, $4  }
0x182: {  	[sflag:s25] =	ssyncadd.s32 $0xFFFF8000  }
0x183: {  	_ =	swait.ge [sflag:s17], $0x8000  }
0x184: {  	[sflag:s17] =	ssyncset.done $0x0  }
0x185: {  	s4 =	sadd.s32 $0xFFFFFFFF, s4;
	[sflag:s17] =	ssyncadd.s32 $0xFFFF8000  }
0x186: {  	_ =	sfence.sel $0x180000  }
0x187: {  	[bflag:$0x0] =	sbarrier.arrive $0xFFFF  }
0x188: {  	_ =	strace $0x9000004D  }
0x189: {  	s0 =	stileid.u32;
	[bflag:$0x2] =	sbarrier.arrive $0xFFFF  }
0x18a: {  	p0 =	sne.s32 s0, $0x0;
	s0 =	rddreg [dreg:$0x2]  }
0x18b: {  	s0 =	sadd.s32 @!p0 $0x100000, s0  }
0x18c: {  	[sflag:s0] =	ssyncadd.tile.s32 @!p0 $0x1;
	_ =	shalt  }
.Lfunc_end2:
_tile_overlayer_lowered:
.L_overlay_start_2:
0x18d: {  	(tag) =	ssettag $0x2  }
0x18e: {  	s0 =	rddreg [dreg:$0x0];
	s2 =	stileid.u32  }
0x18f: {  	s1 =	rddreg [dreg:$0x1];
	p0 =	sne.s32 s2, $0x0  }
0x190: {  	s3 =	rddreg [dreg:$0x2];
	[bflag:$0x3] =	sbarrier.arrive $0xFFFF;
	s2 =	simm.s32 @!p0 $0x1C05  }
0x191: {  	[timem:s3], [sflag:s2] =	dma.local @!p0 [hbm:s0], s1  }
0x192: {  	s0 =	simm.s32 @!p0 $0x5  }
0x193: {  	_ =	swait.ge @!p0 [sflag:s0], s1  }
0x194: {  	s1 =	ssub.s32 @!p0 $0x0, s1;
	[sflag:s0] =	ssyncset.done @!p0 $0x0  }
0x195: {  	[sflag:s0] =	ssyncadd.s32 @!p0 s1  }
0x196: {  	[bflag:$0x3] =	sbarrier.arrive $0xFFFF  }
0x197: {  	_ =	shalt  }

// kernel: kernel.8.cloned.1.call-start
scs
__scs_entry_jumppad:
0x0: {  	(pc) =	sbr.rel $0x88, $3  }
0x1: {  	(tag) =	ssettag $0x0;
	lr =	simm.s32 $0x1  }
0x2: {  	[smem:$0x3F97] =	sst lr;
	_ =	strace $0xD0000000  }
0x3: {  	_ = 	snop  }
0x4: {  	_ = 	snop  }
0x5: {  	_ = 	snop  }
0x6: {  	_ = 	snop  }
0x7: {  	_ = 	snop  }
__scs_overlays_trampoline_lowered:
0x8: {  	[smem:$0x3FA6] =	sst s0  }
0x9: {  	[smem:$0x3FA7] =	sst s1  }
0xa: {  	[smem:$0x3FA8] =	sst s2  }
0xb: {  	[smem:$0x3FA9] =	sst s3  }
0xc: {  	[smem:$0x3FAA] =	sst s4  }
0xd: {  	[smem:$0x3FAB] =	sst s5  }
0xe: {  	[smem:$0x3FAC] =	sst s6  }
0xf: {  	[smem:$0x3FAD] =	sst s7  }
0x10: {  	[smem:$0x3FAE] =	sst s8  }
0x11: {  	[smem:$0x3FAF] =	sst s9;
	s0 =	simm.s32 @!p0 $0x0  }
0x12: {  	s1 =	sld [smem:$0x3F95];
	s0 =	simm.s32 @p0 $0x1  }
0x13: {  	[smem:$0x3FB0] =	sst s0;
	s0 =	simm.s32 @!p1 $0x0  }
0x14: {  	s2 =	sld [smem:$0x3F94];
	s0 =	simm.s32 @p1 $0x1  }
0x15: {  	[smem:$0x3FB1] =	sst s0;
	s0 =	simm.s32 @!p2 $0x0  }
0x16: {  	s3 =	sld [smem:$0x3FDB];
	s0 =	simm.s32 @p2 $0x1  }
0x17: {  	s4 =	simm.s32 $0x1BF5;
	[smem:$0x3FB3] =	sst s0  }
0x18: {  	s0 =	sld [smem:$0x3F96];
	_ =	swait.ge [sflag:s4], $0x0  }
0x19: {  	s7 =	sld [smem:$0x3F97]  }
0x1a: {  	s8 =	sadd.s32 $0xFFFFE003, lr  }
0x1b: {  	s9 =	sadd.s32 $0xFFFFFEF7, lr;
	s5 =	simm.s32 $0xFFFFFFFF;
	p2 =	slt.u32 s8, $0xFFFFF086  }
0x1c: {  	p1 =	slt.u32 s9, $0xF7A;
	s5 =	simm.s32 @!p2 $0x0  }
0x1d: {  	s5 =	simm.s32 @p1 $0x1;
	p0 =	seq.s32 s7, s2  }
0x1e: {  	s7 =	smul.u32 @!p0 $0xF7A, s2;
	p2 =	seq.s32 @!p0 s5, $0x0  }
0x1f: {  	s9 =	smul.u32 $0xF7A, s1;
	s8 =	simm.s32 @!p0 $0x1BF5;
	p2 =	por !p2, p0  }
0x20: {  	[sflag:s8] =	ssyncset.s32 @!p0 $0xFFFFF086;
	s6 =	sadd.s32 @!p0 s3, s7;
	s7 =	simm.s32 @!p0 $0x108  }
0x21: {  	s3 =	sadd.s32 s3, s9;
	s6 =	sadd.s32 @!p0 $0x88, s6;
	s7 =	simm.s32 @p2 $0x1082  }
0x22: {  	[simem:s7], [sflag:s8] =	dma.local @!p0 [hbm:s6], $0xF7A  }
0x23: {  	s9 =	sor.u32 $0xD0000000, s2;
	s6 =	simm.s32 $0x108;
	_ =	swait.ge @!p0 [sflag:s8], $0x0  }
0x24: {  	s3 =	sadd.s32 $0x88, s3;
	s6 =	simm.s32 @!p1 $0x1082;
	[sflag:s4] =	ssyncset.s32 $0xFFFFF086  }
0x25: {  	[simem:s6], [sflag:s4] =	dma.local [hbm:s3], $0xF7A  }
0x26: {  	[smem:$0x3F97] =	sst s1;
	(tag) =	ssettag s2;
	_ =	strace s9  }
0x27: {  	s1 =	sld [smem:$0x3FA7]  }
0x28: {  	s2 =	sld [smem:$0x3FA8]  }
0x29: {  	s4 =	sld [smem:$0x3FAA]  }
0x2a: {  	p0 =	seq.s32 s5, $0x0;
	s5 =	sld [smem:$0x3FAB]  }
0x2b: {  	s6 =	sld [smem:$0x3FAC]  }
0x2c: {  	s7 =	sld [smem:$0x3FAD]  }
0x2d: {  	s3 =	simm.s32 $0x108;
	s8 =	sld [smem:$0x3FAE]  }
0x2e: {  	s3 =	simm.s32 @!p0 $0x1082;
	s9 =	sld [smem:$0x3FAF]  }
0x2f: {  	lr =	sadd.s32 s0, s3;
	s0 =	sld [smem:$0x3FA6]  }
0x30: {  	s3 =	sld [smem:$0x3FA9]  }
0x31: {  	[smem:$0x3FB2] =	sst s10  }
0x32: {  	s10 =	sld [smem:$0x3FB0];
	_ =	sdelay $0x3  }
0x33: {  	p0 =	seq.s32 s10, $0x1;
	s10 =	sld [smem:$0x3FB2];
	_ =	sdelay $0x3  }
0x34: {  	[smem:$0x3FB2] =	sst s10  }
0x35: {  	s10 =	sld [smem:$0x3FB1];
	_ =	sdelay $0x3  }
0x36: {  	p1 =	seq.s32 s10, $0x1;
	s10 =	sld [smem:$0x3FB2];
	_ =	sdelay $0x3  }
0x37: {  	[smem:$0x3FB2] =	sst s10  }
0x38: {  	s10 =	sld [smem:$0x3FB3]  }
0x39: {  	_ = 	snop;
	(pc) =	sbr.ind lr, $3  }
0x3a: {  	_ = 	snop  }
0x3b: {  	_ = 	snop  }
0x3c: {  	p2 =	seq.s32 s10, $0x1;
	s10 =	sld [smem:$0x3FB2]  }
0x3d: {  	_ =	shalt  }
0x3e: {  	_ =	shalt  }
0x3f: {  	_ =	shalt  }
0x40: {  	_ =	shalt  }
0x41: {  	_ =	shalt  }
0x42: {  	_ =	shalt  }
0x43: {  	_ =	shalt  }
0x44: {  	_ =	shalt  }
0x45: {  	_ =	shalt  }
0x46: {  	_ =	shalt  }
0x47: {  	_ =	shalt  }
0x48: {  	_ =	shalt  }
0x49: {  	_ =	shalt  }
0x4a: {  	_ =	shalt  }
0x4b: {  	_ =	shalt  }
0x4c: {  	_ =	shalt  }
0x4d: {  	_ =	shalt  }
0x4e: {  	_ =	shalt  }
0x4f: {  	_ =	shalt  }
0x50: {  	_ =	shalt  }
0x51: {  	_ =	shalt  }
0x52: {  	_ =	shalt  }
0x53: {  	_ =	shalt  }
0x54: {  	_ =	shalt  }
0x55: {  	_ =	shalt  }
0x56: {  	_ =	shalt  }
0x57: {  	_ =	shalt  }
0x58: {  	_ =	shalt  }
0x59: {  	_ =	shalt  }
0x5a: {  	_ =	shalt  }
0x5b: {  	_ =	shalt  }
0x5c: {  	_ =	shalt  }
0x5d: {  	_ =	shalt  }
0x5e: {  	_ =	shalt  }
0x5f: {  	_ =	shalt  }
0x60: {  	_ =	shalt  }
0x61: {  	_ =	shalt  }
0x62: {  	_ =	shalt  }
0x63: {  	_ =	shalt  }
0x64: {  	_ =	shalt  }
0x65: {  	_ =	shalt  }
0x66: {  	_ =	shalt  }
0x67: {  	_ =	shalt  }
0x68: {  	_ =	shalt  }
0x69: {  	_ =	shalt  }
0x6a: {  	_ =	shalt  }
0x6b: {  	_ =	shalt  }
0x6c: {  	_ =	shalt  }
0x6d: {  	_ =	shalt  }
0x6e: {  	_ =	shalt  }
0x6f: {  	_ =	shalt  }
0x70: {  	_ =	shalt  }
0x71: {  	_ =	shalt  }
0x72: {  	_ =	shalt  }
0x73: {  	_ =	shalt  }
0x74: {  	_ =	shalt  }
0x75: {  	_ =	shalt  }
0x76: {  	_ =	shalt  }
0x77: {  	_ =	shalt  }
0x78: {  	_ =	shalt  }
0x79: {  	_ =	shalt  }
0x7a: {  	_ =	shalt  }
0x7b: {  	_ =	shalt  }
0x7c: {  	_ =	shalt  }
0x7d: {  	_ =	shalt  }
0x7e: {  	_ =	shalt  }
0x7f: {  	_ =	shalt  }
0x80: {  	_ =	shalt  }
0x81: {  	_ =	shalt  }
0x82: {  	_ =	shalt  }
0x83: {  	_ =	shalt  }
0x84: {  	_ =	shalt  }
0x85: {  	_ =	shalt  }
0x86: {  	_ =	shalt  }
0x87: {  	_ =	shalt  }
.Lfunc_end0:
.L_simem_size_0:
called_computation_lowered:
.L_overlay_start_0:
0x88: {  	s2 =	sld [smem:$0x3FD9]  }
0x89: {  	s3 =	sld [smem:$0x3FFE];
	_ =	sdelay $0x1  }
0x8a: {  	s1 =	srdreg.scid  }
0x8b: {  	s0 =	sand.u32 $0x1, s1  }
0x8c: {  	s17 =	sshll.u32 s0, $0xA;
	s2 =	sadd.s32 s3, s2  }
0x8d: {  	s2 =	sadd.s32 s2, s17  }
0x8e: {  	[smem:$0x3FBE] =	sst s2  }
0x8f: {  	_ = 	snop  }
0x90: {  	s18 =	sld [smem:$0x3FC9]  }
0x91: {  	s5 =	sld [smem:$0x3FC8]  }
0x92: {  	s4 =	sld [smem:$0x3FD0];
	(tm) =	ssettm $0x1  }
0x93: {  	s19 =	sld [smem:$0x3FFB];
	_ =	sdelay $0x3  }
0x94: {  	_ =	strace s19  }
0x95: {  	s2 =	sld [smem:$0x3FFC];
	_ =	sdelay $0x3  }
0x96: {  	_ =	strace s2  }
0x97: {  	s2 =	sld [smem:$0x3FFD];
	_ =	sdelay $0x3  }
0x98: {  	_ =	strace s2  }
0x99: {  	_ =	strace $0x8FFFFFFF  }
0x9a: {  	s20 =	sld [smem:$0x3FDB];
	_ =	sdelay $0x1  }
0x9b: {  	s6 =	simm.s32 $_scs_section_size  }
0x9c: {  	s7 =	simm.s32 $_size__tile_overlayer_lowered;
	s8 =	simm.s32 $_tile_overlayer_lowered  }
0x9d: {  	s9 =	simm.s32 $0x1BFF;
	s21 =	sshll.u32 s8, $0x1;
	s6 =	sadd.s32 s6, s20  }
0x9e: {  	s22 =	simm.s32 $0x0;
	s7 =	sshll.u32 s7, $0x1;
	s8 =	sadd.s32 s21, s6  }
0x9f: {  	[timem:s22], [sflag:s9] =	dma.local [hbm:s8], s7  }
0xa0: {  	_ =	swait.ge [sflag:s9], s7  }
0xa1: {  	s7 =	ssub.s32 $0x0, s7;
	[sflag:s9] =	ssyncset.done $0x0  }
0xa2: {  	[sflag:s9] =	ssyncadd.s32 s7;
	_ =	sdelay $0x1  }
0xa3: {  	s23 =	simm.s32 $0x1B8B  }
0xa4: {  	_ =	swait.ge [sflag:s23], $0x1  }
0xa5: {  	[sflag:s23] =	ssyncset.done $0x0  }
0xa6: {  	[sflag:s23] =	ssyncadd.s32 $0xFFFFFFFF  }
0xa7: {  	s7 =	sld [smem:$0x0]  }
0xa8: {  	s8 =	sand.u32 $0xFFFFFFFE, s1  }
0xa9: {  	p0 =	sne.s32 s1, s8  }
0xaa: {  	s8 =	sshll.u32 @p0 s8, $0xE  }
0xab: {  	s8 =	sadd.s32 @p0 $0x11B8D, s8;
	s9 =	sshll.u32 @p0 s7, $0x11  }
0xac: {  	s8 =	sor.u32 @p0 s9, s8  }
0xad: {  	[sflag:s8] =	ssyncadd.remote.s32 @p0 $0x1;
	_ =	sdelay $0x1  }
0xae: {  	s8 =	simm.s32 @p0 $0x1B8D  }
0xaf: {  	_ =	swait.eq @p0 [sflag:s8], $0x1  }
0xb0: {  	[sflag:s8] =	ssyncadd.s32 @p0 $0xFFFFFFFF  }
0xb1: {  	s9 =	sshll.u32 @!p0 s1, $0xE  }
0xb2: {  	s9 =	sor.u32 @!p0 $0x4000, s9;
	s8 =	simm.s32 @!p0 $0x1B8D  }
0xb3: {  	s7 =	sshll.u32 @!p0 s7, $0x11;
	s9 =	sadd.s32 @!p0 $0x11B8D, s9;
	_ =	swait.eq @!p0 [sflag:s8], $0x1  }
0xb4: {  	s7 =	sor.u32 @!p0 s7, s9;
	[sflag:s8] =	ssyncadd.s32 @!p0 $0xFFFFFFFF  }
0xb5: {  	s25 =	simm.s32 $0x1B8E;
	s24 =	sld [smem:$0x3FFE];
	[sflag:s7] =	ssyncadd.remote.s32 @!p0 $0x1  }
0xb6: {  	s26 =	simm.s32 $execute0_lowered;
	[smem:$0x3FD2] =	sst s25  }
0xb7: {  	s8 =	sshll.u32 s26, $0x1;
	_ =	strace $0x80000049;
	[dreg:$0x1] =	wrdreg $0xFFFFFFFF  }
0xb8: {  	s28 =	simm.s32 $_size_execute0_lowered;
	s6 =	sadd.s32 s6, s8;
	[dreg:$0x0] =	wrdreg $0x0  }
0xb9: {  	s8 =	sshll.u32 s28, $0x1;
	[dreg:$0x2] =	wrdreg s6  }
0xba: {  	[dreg:$0x3] =	wrdreg s8  }
0xbb: {  	[dreg:$0x4] =	wrdreg $0xC0  }
0xbc: {  	_ =	task [dreg:s22], $0x5FFFF  }
0xbd: {  	[dreg:$0x1] =	wrdreg $0xFFFFFFFF  }
0xbe: {  	[dreg:$0x0] =	wrdreg $0x60  }
0xbf: {  	[dreg:$0x2] =	wrdreg s5  }
0xc0: {  	[dreg:$0x3] =	wrdreg s18  }
0xc1: {  	[dreg:$0x4] =	wrdreg s24  }
0xc2: {  	[dreg:$0x5] =	wrdreg s4  }
0xc3: {  	[dreg:$0x6] =	wrdreg $0x9  }
0xc4: {  	_ =	task.clear_ibuf [dreg:s22], $0x7FFFF;
	_ =	strace $0x90000049  }
0xc5: {  	s29 =	simm.s32 $0x9;
	_ =	strace $0x8000004B  }
0xc6: {  	_ =	swait.ge [sflag:s29], $0x1  }
0xc7: {  	[sflag:s29] =	ssyncadd.s32 $0xFFFFFFFF  }
0xc8: {  	_ =	strace $0x9000004B  }
0xc9: {  	_ =	sfence  }
0xca: {  	s30 =	sld [smem:$0x0];
	_ =	sdelay $0x2  }
0xcb: {  	s31 =	sshll.u32 s1, $0xD;
	s1 =	sshrl.u32 s1, $0x2  }
0xcc: {  	s4 =	sand.u32 $0x4000, s31;
	s1 =	sadd.s32 s1, s30  }
0xcd: {  	s0 =	sor.u32 s4, s0;
	s1 =	sshll.u32 s1, $0x11  }
0xce: {  	s0 =	sor.u32 s1, s0  }
0xcf: {  	s0 =	sadd.s32 $0x8F2B, s0  }
0xd0: {  	[sflag:s0] =	ssyncadd.remote.s32 $0x1  }
0xd1: {  	_ =	sfence.sel $0xFFFF  }
0xd2: {  	[dreg:$0x0] =	wrdreg $0xFFFFFFFF;
	(pc) =	sbr.abs _section_cstart, $3  }
0xd3: {  	[dreg:$0x1] =	wrdreg $0xFFFFFFFF  }
0xd4: {  	_ =	task.clear_ibuf [dreg:s22], $0x2FFFF;
	_ =	strace $0x9FFFFFFF  }
0xd5: {  	(tm) =	ssettm $0x7FFFFFFF  }
tec
execute0_lowered:
.L_overlay_start_1:
0x0: {  	(tag) =	ssettag $0x1  }
0x1: {  	s1 =	srdreg.scid;
	s0 =	stileid.u32  }
0x2: {  	s1 =	sand.u32 $0x1, s1;
	s2 =	sshll.u32 s0, $0x1  }
0x3: {  	s3 =	sor.u32 s1, s2  }
0x4: {  	p1 =	seq.s32 s1, $0x1;
	p0 =	seq.s32 s3, $0x0  }
0x5: {  	p0 =	por !p0, !p1  }
0x6: {  	s4 =	rddreg [dreg:$0x0];
	s2 =	simm.s32 $0x1;
	p0 =	por !p0, !p0  }
0x7: {  	s5 =	rddreg [dreg:$0x1];
	s2 =	simm.s32 @!p0 $0x0  }
0x8: {  	s6 =	rddreg [dreg:$0x2];
	s2 =	ssub.s32 s0, s2  }
0x9: {  	s8 =	rddreg [dreg:$0x3];
	s7 =	sshll.u32 s1, $0x8;
	s2 =	sshll.u32 s2, $0x9  }
0xa: {  	s3 =	sshll.u32 s3, $0xD;
	s7 =	sor.u32 s7, s2;
	s2 =	simm.s32 $0x0  }
0xb: {  	s13 =	sadd.s32 s8, s3;
	[smem:$0x7FF] =	sst s2  }
0xc: {  	s16 =	simm.s32 $0x8900;
	_ =	strace $0x8000004A;
	[dreg:$0x6] =	wrdreg s13  }
0xd: {  	s17 =	simm.s32 $0x9100;
	s18 =	simm.s32 $0x9900;
	[dreg:$0xa] =	wrdreg s16  }
0xe: {  	s19 =	simm.s32 $0xA100;
	s20 =	simm.s32 $0xA900;
	[dreg:$0xb] =	wrdreg s17  }
0xf: {  	s22 =	simm.s32 $0xB100;
	s23 =	simm.s32 $0xB900;
	[dreg:$0xc] =	wrdreg s18  }
0x10: {  	s25 =	simm.s32 $0xC100;
	s26 =	simm.s32 $0xC900;
	[dreg:$0xd] =	wrdreg s19  }
0x11: {  	s9 =	simm.s32 $0xE100;
	s10 =	simm.s32 $0xE900;
	[dreg:$0xe] =	wrdreg s20  }
0x12: {  	s11 =	simm.s32 $0xF100;
	s12 =	simm.s32 $0xF900;
	[dreg:$0xf] =	wrdreg s22  }
0x13: {  	s28 =	simm.s32 $0x2;
	s29 =	simm.s32 $0x4;
	[dreg:$0x10] =	wrdreg s23  }
0x14: {  	s30 =	simm.s32 $0x3;
	s24 =	sshll.u32 s0, $0xE;
	[dreg:$0x11] =	wrdreg s25  }
0x15: {  	s1 =	ssub.s32 $0x2, s1;
	s0 =	simm.s32 $0xD100;
	[dreg:$0x12] =	wrdreg s26  }
0x16: {  	s31 =	simm.s32 $0x5;
	s21 =	sshrl.u32 s1, $0x1;
	[dreg:$0x13] =	wrdreg s0  }
0x17: {  	s1 =	ssub.s32 s1, s21;
	s7 =	sshrl.u32 s7, $0x3;
	[dreg:$0x15] =	wrdreg s9  }
0x18: {  	s21 =	simm.s32 $0x14900;
	s7 =	sadd.s32 s7, s6;
	[dreg:$0x16] =	wrdreg s10  }
0x19: {  	s6 =	sadd.s32 $0x83400, s6;
	s9 =	simm.s32 $0x900;
	[dreg:$0x17] =	wrdreg s11  }
0x1a: {  	s10 =	simm.s32 $0x1100;
	[dreg:$0x18] =	wrdreg s12;
	s13 =	simm.s32 $0x10900  }
0x1b: {  	s11 =	simm.s32 $0x1900;
	s12 =	simm.s32 $0x2100;
	[smem:$0x7F8] =	sst s21  }
0x1c: {  	s16 =	simm.s32 $0x12100;
	s17 =	simm.s32 $0x12900;
	[dreg:$0x19] =	wrdreg s13  }
0x1d: {  	s18 =	simm.s32 $0x13100;
	s19 =	simm.s32 $0x13900;
	[dreg:$0x1c] =	wrdreg s16  }
0x1e: {  	s20 =	simm.s32 $0x14100;
	s22 =	simm.s32 $0x15100;
	[dreg:$0x1d] =	wrdreg s17  }
0x1f: {  	s23 =	simm.s32 $0x15900;
	s21 =	simm.s32 $0x6900;
	[dreg:$0x1e] =	wrdreg s18  }
0x20: {  	s25 =	simm.s32 $0x16900;
	s26 =	simm.s32 $0x17100;
	[dreg:$0x1f] =	wrdreg s19  }
0x21: {  	s7 =	sadd.s32 $0x2C00, s7;
	s14 =	sadd.s32 s6, s3;
	[smem:$0x7F7] =	sst s20  }
0x22: {  	s3 =	sor.u32 $0x1000, s3;
	s13 =	simm.s32 $0x2900;
	[smem:$0x7F9] =	sst s22  }
0x23: {  	s16 =	simm.s32 $0x4100;
	s17 =	simm.s32 $0x4900;
	[smem:$0x7FA] =	sst s23  }
0x24: {  	s18 =	simm.s32 $0x5100;
	s19 =	simm.s32 $0x5900;
	[smem:$0x7FC] =	sst s25  }
0x25: {  	s20 =	simm.s32 $0x6100;
	s22 =	simm.s32 $0x7100;
	[smem:$0x7FD] =	sst s26  }
0x26: {  	s23 =	simm.s32 $0x7900;
	s25 =	simm.s32 $0x10100;
	[dreg:$0x5] =	wrdreg s7  }
0x27: {  	[dreg:$0x7] =	wrdreg s14;
	s15 =	sadd.s32 s8, s3;
	s3 =	sadd.s32 s6, s3  }
0x28: {  	s7 =	sand.u32 $0x20000, s24;
	s8 =	simm.s32 $0xD900;
	s6 =	smax.u32 s1, $0x1  }
0x29: {  	s14 =	simm.s32 $0x11100;
	s24 =	simm.s32 $0x16100;
	[dreg:$0x8] =	wrdreg s15  }
0x2a: {  	s1 =	simm.s32 $0x6;
	[dreg:$0x9] =	wrdreg s3;
	s3 =	simm.s32 $0x1  }
0x2b: {  	s4 =	sadd.s32 s4, s7;
	s5 =	sadd.s32 s5, s7;
	[dreg:$0x14] =	wrdreg s8  }
0x2c: {  	v2 =	vlaneseq.u32;
	s7 =	simm.s32 $0x7;
	s8 =	simm.s32 $0x100;
	[dreg:$0x1a] =	wrdreg s14  }
0x2d: {  	vm0 =	vmmov $0xffff;
	v1 =	vshrl.u32 v2, $0x3;
	s15 =	simm.s32 $0x11900;
	s14 =	simm.s32 $0x3100;
	[smem:$0x7FB] =	sst s24  }
0x2e: {  	v0 =	vand.u32 $0x7, v2;
	v2 =	vor.u32 $0x8, v2;
	v1 =	vmul.u32 $0x8, v1;
	s24 =	simm.s32 $0x8100;
	[dreg:$0x1b] =	wrdreg s15;
	s15 =	simm.s32 $0x3900  }
.LBB2_1:
0x2f: {  	s0 =	rddreg [dreg:$0x5]  }
0x30: {  	[tilespmem:s2], [sflag:$0x7] =	stream.linear.gather [hbm4b:s0+s2], $0x100, $0x38;
	[tilespmem:$0x18100] =	vst v63  }
0x31: {  	_ =	swait.ge [sflag:s7], $0x100  }
0x32: {  	[sflag:s7] =	ssyncset.done $0x0  }
0x33: {  	[sflag:s7] =	ssyncadd.s32 $0xFFFFFF00  }
0x34: {  	v3 =	vld [tilespmem:$0x0];
	_ =	sdelay $0x4  }
0x35: {  	v4 =	vshll.u32 v3, $0x1  }
0x36: {  	v3 =	vand.u32 $0x7, v3;
	v4 =	vand.u32 $0xFFFFFFF0, v4  }
0x37: {  	v3 =	vor.u32 v3, v4  }
0x38: {  	v4 =	vperm.xlane v3, v0;
	_ =	sdelay $0x1  }
0x39: {  	v3 =	vperm.xlane v3, v2;
	v4 =	vadd.s32 v1, v4;
	_ =	sdelay $0x1  }
0x3a: {  	v3 =	vadd.s32 v1, v3;
	_ =	sdelay $0x2  }
0x3b: {  	[tilespmem:s8], [sflag:$0x1] =	stream.indirect_vreg.gather [hbm4b:s4+s2], $0x80, v4, vm0, $0xb8;
	[tilespmem:$0x18100] =	vst v63  }
0x3c: {  	_ = 	snop  }
0x3d: {  	[tilespmem:s9], [sflag:$0x1] =	stream.indirect_vreg.gather [hbm4b:s4+s2], $0x80, v3, vm0, $0xb8;
	[tilespmem:$0x18100] =	vst v63  }
0x3e: {  	v3 =	vld [tilespmem:$0x10];
	_ =	sdelay $0x4  }
0x3f: {  	v33 =	vshll.u32 v3, $0x1  }
0x40: {  	v3 =	vand.u32 $0x7, v3;
	v4 =	vand.u32 $0xFFFFFFF0, v33  }
0x41: {  	v3 =	vor.u32 v3, v4  }
0x42: {  	v4 =	vperm.xlane v3, v0;
	_ =	sdelay $0x1  }
0x43: {  	v3 =	vperm.xlane v3, v2;
	v4 =	vadd.s32 v1, v4;
	_ =	sdelay $0x1  }
0x44: {  	v3 =	vadd.s32 v1, v3;
	_ =	sdelay $0x2  }
0x45: {  	[tilespmem:s10], [sflag:$0x1] =	stream.indirect_vreg.gather [hbm4b:s4+s2], $0x80, v4, vm0, $0xb8;
	[tilespmem:$0x18100] =	vst v63  }
0x46: {  	_ = 	snop  }
0x47: {  	[tilespmem:s11], [sflag:$0x1] =	stream.indirect_vreg.gather [hbm4b:s4+s2], $0x80, v3, vm0, $0xb8;
	[tilespmem:$0x18100] =	vst v63  }
0x48: {  	v3 =	vld [tilespmem:$0x20];
	_ =	sdelay $0x4  }
0x49: {  	v34 =	vshll.u32 v3, $0x1  }
0x4a: {  	v3 =	vand.u32 $0x7, v3;
	v4 =	vand.u32 $0xFFFFFFF0, v34  }
0x4b: {  	v3 =	vor.u32 v3, v4  }
0x4c: {  	v4 =	vperm.xlane v3, v0;
	_ =	sdelay $0x1  }
0x4d: {  	v3 =	vperm.xlane v3, v2;
	v4 =	vadd.s32 v1, v4;
	_ =	sdelay $0x1  }
0x4e: {  	v3 =	vadd.s32 v1, v3;
	_ =	sdelay $0x2  }
0x4f: {  	[tilespmem:s12], [sflag:$0x1] =	stream.indirect_vreg.gather [hbm4b:s4+s2], $0x80, v4, vm0, $0xb8;
	[tilespmem:$0x18100] =	vst v63  }
0x50: {  	_ = 	snop  }
0x51: {  	[tilespmem:s13], [sflag:$0x1] =	stream.indirect_vreg.gather [hbm4b:s4+s2], $0x80, v3, vm0, $0xb8;
	[tilespmem:$0x18100] =	vst v63  }
0x52: {  	v3 =	vld [tilespmem:$0x30];
	_ =	sdelay $0x4  }
0x53: {  	v35 =	vshll.u32 v3, $0x1  }
0x54: {  	v3 =	vand.u32 $0x7, v3;
	v4 =	vand.u32 $0xFFFFFFF0, v35  }
0x55: {  	v3 =	vor.u32 v3, v4  }
0x56: {  	v4 =	vperm.xlane v3, v0;
	_ =	sdelay $0x1  }
0x57: {  	v3 =	vperm.xlane v3, v2;
	v4 =	vadd.s32 v1, v4;
	_ =	sdelay $0x1  }
0x58: {  	v3 =	vadd.s32 v1, v3;
	_ =	sdelay $0x2  }
0x59: {  	[tilespmem:s14], [sflag:$0x1] =	stream.indirect_vreg.gather [hbm4b:s4+s2], $0x80, v4, vm0, $0xb8;
	[tilespmem:$0x18100] =	vst v63  }
0x5a: {  	_ = 	snop  }
0x5b: {  	[tilespmem:s15], [sflag:$0x1] =	stream.indirect_vreg.gather [hbm4b:s4+s2], $0x80, v3, vm0, $0xb8;
	[tilespmem:$0x18100] =	vst v63  }
0x5c: {  	v3 =	vld [tilespmem:$0x40];
	_ =	sdelay $0x4  }
0x5d: {  	v36 =	vshll.u32 v3, $0x1  }
0x5e: {  	v3 =	vand.u32 $0x7, v3;
	v4 =	vand.u32 $0xFFFFFFF0, v36  }
0x5f: {  	v3 =	vor.u32 v3, v4  }
0x60: {  	v4 =	vperm.xlane v3, v0;
	_ =	sdelay $0x1  }
0x61: {  	v3 =	vperm.xlane v3, v2;
	v4 =	vadd.s32 v1, v4;
	_ =	sdelay $0x1  }
0x62: {  	v3 =	vadd.s32 v1, v3;
	_ =	sdelay $0x2  }
0x63: {  	[tilespmem:s16], [sflag:$0x1] =	stream.indirect_vreg.gather [hbm4b:s4+s2], $0x80, v4, vm0, $0xb8;
	[tilespmem:$0x18100] =	vst v63  }
0x64: {  	_ = 	snop  }
0x65: {  	[tilespmem:s17], [sflag:$0x1] =	stream.indirect_vreg.gather [hbm4b:s4+s2], $0x80, v3, vm0, $0xb8;
	[tilespmem:$0x18100] =	vst v63  }
0x66: {  	v3 =	vld [tilespmem:$0x50];
	_ =	sdelay $0x4  }
0x67: {  	v37 =	vshll.u32 v3, $0x1  }
0x68: {  	v3 =	vand.u32 $0x7, v3;
	v4 =	vand.u32 $0xFFFFFFF0, v37  }
0x69: {  	v3 =	vor.u32 v3, v4  }
0x6a: {  	v4 =	vperm.xlane v3, v0;
	_ =	sdelay $0x1  }
0x6b: {  	v3 =	vperm.xlane v3, v2;
	v4 =	vadd.s32 v1, v4;
	_ =	sdelay $0x1  }
0x6c: {  	v3 =	vadd.s32 v1, v3;
	_ =	sdelay $0x2  }
0x6d: {  	[tilespmem:s18], [sflag:$0x1] =	stream.indirect_vreg.gather [hbm4b:s4+s2], $0x80, v4, vm0, $0xb8;
	[tilespmem:$0x18100] =	vst v63  }
0x6e: {  	_ = 	snop  }
0x6f: {  	[tilespmem:s19], [sflag:$0x1] =	stream.indirect_vreg.gather [hbm4b:s4+s2], $0x80, v3, vm0, $0xb8;
	[tilespmem:$0x18100] =	vst v63  }
0x70: {  	v3 =	vld [tilespmem:$0x60];
	_ =	sdelay $0x4  }
0x71: {  	v38 =	vshll.u32 v3, $0x1  }
0x72: {  	v3 =	vand.u32 $0x7, v3;
	v4 =	vand.u32 $0xFFFFFFF0, v38  }
0x73: {  	v3 =	vor.u32 v3, v4  }
0x74: {  	v4 =	vperm.xlane v3, v0;
	_ =	sdelay $0x1  }
0x75: {  	v3 =	vperm.xlane v3, v2;
	v4 =	vadd.s32 v1, v4;
	_ =	sdelay $0x1  }
0x76: {  	v3 =	vadd.s32 v1, v3;
	_ =	sdelay $0x2  }
0x77: {  	[tilespmem:s20], [sflag:$0x1] =	stream.indirect_vreg.gather [hbm4b:s4+s2], $0x80, v4, vm0, $0xb8;
	[tilespmem:$0x18100] =	vst v63  }
0x78: {  	_ = 	snop  }
0x79: {  	[tilespmem:s21], [sflag:$0x1] =	stream.indirect_vreg.gather [hbm4b:s4+s2], $0x80, v3, vm0, $0xb8;
	[tilespmem:$0x18100] =	vst v63  }
0x7a: {  	v3 =	vld [tilespmem:$0x70];
	_ =	sdelay $0x4  }
0x7b: {  	v39 =	vshll.u32 v3, $0x1  }
0x7c: {  	v3 =	vand.u32 $0x7, v3;
	v4 =	vand.u32 $0xFFFFFFF0, v39  }
0x7d: {  	v3 =	vor.u32 v3, v4  }
0x7e: {  	v4 =	vperm.xlane v3, v0;
	_ =	sdelay $0x1  }
0x7f: {  	v3 =	vperm.xlane v3, v2;
	v4 =	vadd.s32 v1, v4;
	_ =	sdelay $0x1  }
0x80: {  	v3 =	vadd.s32 v1, v3;
	_ =	sdelay $0x2  }
0x81: {  	[tilespmem:s22], [sflag:$0x1] =	stream.indirect_vreg.gather [hbm4b:s4+s2], $0x80, v4, vm0, $0xb8;
	[tilespmem:$0x18100] =	vst v63  }
0x82: {  	_ = 	snop  }
0x83: {  	[tilespmem:s23], [sflag:$0x1] =	stream.indirect_vreg.gather [hbm4b:s4+s2], $0x80, v3, vm0, $0xb8;
	[tilespmem:$0x18100] =	vst v63  }
0x84: {  	v3 =	vld [tilespmem:$0x0];
	_ =	sdelay $0x4  }
0x85: {  	v40 =	vshll.u32 v3, $0x1  }
0x86: {  	v3 =	vand.u32 $0x7, v3;
	v4 =	vand.u32 $0xFFFFFFF0, v40  }
0x87: {  	v3 =	vor.u32 v3, v4  }
0x88: {  	v4 =	vperm.xlane v3, v0;
	_ =	sdelay $0x1  }
0x89: {  	v3 =	vperm.xlane v3, v2;
	v4 =	vadd.s32 v1, v4;
	_ =	sdelay $0x1  }
0x8a: {  	v3 =	vadd.s32 v1, v3;
	_ =	sdelay $0x2  }
0x8b: {  	[tilespmem:s24], [sflag:$0x2] =	stream.indirect_vreg.gather [hbm4b:s5+s2], $0x80, v4, vm0, $0xb8;
	[tilespmem:$0x18100] =	vst v63  }
0x8c: {  	s26 =	rddreg [dreg:$0xa]  }
0x8d: {  	[tilespmem:s26], [sflag:$0x2] =	stream.indirect_vreg.gather [hbm4b:s5+s2], $0x80, v3, vm0, $0xb8;
	[tilespmem:$0x18100] =	vst v63  }
0x8e: {  	v3 =	vld [tilespmem:$0x10];
	_ =	sdelay $0x4  }
0x8f: {  	v41 =	vshll.u32 v3, $0x1  }
0x90: {  	v3 =	vand.u32 $0x7, v3;
	v4 =	vand.u32 $0xFFFFFFF0, v41  }
0x91: {  	v3 =	vor.u32 v3, v4  }
0x92: {  	v4 =	vperm.xlane v3, v0;
	_ =	sdelay $0x1  }
0x93: {  	v3 =	vperm.xlane v3, v2;
	v4 =	vadd.s32 v1, v4;
	_ =	sdelay $0x1  }
0x94: {  	v3 =	vadd.s32 v1, v3;
	_ =	sdelay $0x1  }
0x95: {  	s0 =	rddreg [dreg:$0xb]  }
0x96: {  	[tilespmem:s0], [sflag:$0x2] =	stream.indirect_vreg.gather [hbm4b:s5+s2], $0x80, v4, vm0, $0xb8;
	[tilespmem:$0x18100] =	vst v63  }
0x97: {  	s26 =	rddreg [dreg:$0xc]  }
0x98: {  	[tilespmem:s26], [sflag:$0x2] =	stream.indirect_vreg.gather [hbm4b:s5+s2], $0x80, v3, vm0, $0xb8;
	[tilespmem:$0x18100] =	vst v63  }
0x99: {  	v3 =	vld [tilespmem:$0x20];
	_ =	sdelay $0x4  }
0x9a: {  	v42 =	vshll.u32 v3, $0x1  }
0x9b: {  	v3 =	vand.u32 $0x7, v3;
	v4 =	vand.u32 $0xFFFFFFF0, v42  }
0x9c: {  	v3 =	vor.u32 v3, v4  }
0x9d: {  	v4 =	vperm.xlane v3, v0;
	_ =	sdelay $0x1  }
0x9e: {  	v3 =	vperm.xlane v3, v2;
	v4 =	vadd.s32 v1, v4;
	_ =	sdelay $0x1  }
0x9f: {  	v3 =	vadd.s32 v1, v3;
	_ =	sdelay $0x1  }
0xa0: {  	s0 =	rddreg [dreg:$0xd]  }
0xa1: {  	[tilespmem:s0], [sflag:$0x2] =	stream.indirect_vreg.gather [hbm4b:s5+s2], $0x80, v4, vm0, $0xb8;
	[tilespmem:$0x18100] =	vst v63  }
0xa2: {  	s26 =	rddreg [dreg:$0xe]  }
0xa3: {  	[tilespmem:s26], [sflag:$0x2] =	stream.indirect_vreg.gather [hbm4b:s5+s2], $0x80, v3, vm0, $0xb8;
	[tilespmem:$0x18100] =	vst v63  }
0xa4: {  	v3 =	vld [tilespmem:$0x30];
	_ =	sdelay $0x4  }
0xa5: {  	v43 =	vshll.u32 v3, $0x1  }
0xa6: {  	v3 =	vand.u32 $0x7, v3;
	v4 =	vand.u32 $0xFFFFFFF0, v43  }
0xa7: {  	v3 =	vor.u32 v3, v4  }
0xa8: {  	v4 =	vperm.xlane v3, v0;
	_ =	sdelay $0x1  }
0xa9: {  	v3 =	vperm.xlane v3, v2;
	v4 =	vadd.s32 v1, v4;
	_ =	sdelay $0x1  }
0xaa: {  	v3 =	vadd.s32 v1, v3;
	_ =	sdelay $0x1  }
0xab: {  	s0 =	rddreg [dreg:$0xf]  }
0xac: {  	[tilespmem:s0], [sflag:$0x2] =	stream.indirect_vreg.gather [hbm4b:s5+s2], $0x80, v4, vm0, $0xb8;
	[tilespmem:$0x18100] =	vst v63  }
0xad: {  	s26 =	rddreg [dreg:$0x10]  }
0xae: {  	[tilespmem:s26], [sflag:$0x2] =	stream.indirect_vreg.gather [hbm4b:s5+s2], $0x80, v3, vm0, $0xb8;
	[tilespmem:$0x18100] =	vst v63  }
0xaf: {  	v3 =	vld [tilespmem:$0x40];
	_ =	sdelay $0x4  }
0xb0: {  	v44 =	vshll.u32 v3, $0x1  }
0xb1: {  	v3 =	vand.u32 $0x7, v3;
	v4 =	vand.u32 $0xFFFFFFF0, v44  }
0xb2: {  	v3 =	vor.u32 v3, v4  }
0xb3: {  	v4 =	vperm.xlane v3, v0;
	_ =	sdelay $0x1  }
0xb4: {  	v3 =	vperm.xlane v3, v2;
	v4 =	vadd.s32 v1, v4;
	_ =	sdelay $0x1  }
0xb5: {  	v3 =	vadd.s32 v1, v3;
	_ =	sdelay $0x1  }
0xb6: {  	s0 =	rddreg [dreg:$0x11]  }
0xb7: {  	[tilespmem:s0], [sflag:$0x2] =	stream.indirect_vreg.gather [hbm4b:s5+s2], $0x80, v4, vm0, $0xb8;
	[tilespmem:$0x18100] =	vst v63  }
0xb8: {  	s26 =	rddreg [dreg:$0x12]  }
0xb9: {  	[tilespmem:s26], [sflag:$0x2] =	stream.indirect_vreg.gather [hbm4b:s5+s2], $0x80, v3, vm0, $0xb8;
	[tilespmem:$0x18100] =	vst v63  }
0xba: {  	v3 =	vld [tilespmem:$0x50];
	_ =	sdelay $0x4  }
0xbb: {  	v45 =	vshll.u32 v3, $0x1  }
0xbc: {  	v3 =	vand.u32 $0x7, v3;
	v4 =	vand.u32 $0xFFFFFFF0, v45  }
0xbd: {  	v3 =	vor.u32 v3, v4  }
0xbe: {  	v4 =	vperm.xlane v3, v0;
	_ =	sdelay $0x1  }
0xbf: {  	v3 =	vperm.xlane v3, v2;
	v4 =	vadd.s32 v1, v4;
	_ =	sdelay $0x1  }
0xc0: {  	v3 =	vadd.s32 v1, v3;
	_ =	sdelay $0x1  }
0xc1: {  	s0 =	rddreg [dreg:$0x13]  }
0xc2: {  	[tilespmem:s0], [sflag:$0x2] =	stream.indirect_vreg.gather [hbm4b:s5+s2], $0x80, v4, vm0, $0xb8;
	[tilespmem:$0x18100] =	vst v63  }
0xc3: {  	s26 =	rddreg [dreg:$0x14]  }
0xc4: {  	[tilespmem:s26], [sflag:$0x2] =	stream.indirect_vreg.gather [hbm4b:s5+s2], $0x80, v3, vm0, $0xb8;
	[tilespmem:$0x18100] =	vst v63  }
0xc5: {  	v3 =	vld [tilespmem:$0x60];
	_ =	sdelay $0x4  }
0xc6: {  	v46 =	vshll.u32 v3, $0x1  }
0xc7: {  	v3 =	vand.u32 $0x7, v3;
	v4 =	vand.u32 $0xFFFFFFF0, v46  }
0xc8: {  	v3 =	vor.u32 v3, v4  }
0xc9: {  	v4 =	vperm.xlane v3, v0;
	_ =	sdelay $0x1  }
0xca: {  	v3 =	vperm.xlane v3, v2;
	v4 =	vadd.s32 v1, v4;
	_ =	sdelay $0x1  }
0xcb: {  	v3 =	vadd.s32 v1, v3;
	_ =	sdelay $0x1  }
0xcc: {  	s0 =	rddreg [dreg:$0x15]  }
0xcd: {  	[tilespmem:s0], [sflag:$0x2] =	stream.indirect_vreg.gather [hbm4b:s5+s2], $0x80, v4, vm0, $0xb8;
	[tilespmem:$0x18100] =	vst v63  }
0xce: {  	s26 =	rddreg [dreg:$0x16]  }
0xcf: {  	[tilespmem:s26], [sflag:$0x2] =	stream.indirect_vreg.gather [hbm4b:s5+s2], $0x80, v3, vm0, $0xb8;
	[tilespmem:$0x18100] =	vst v63  }
0xd0: {  	v3 =	vld [tilespmem:$0x70];
	_ =	sdelay $0x4  }
0xd1: {  	v47 =	vshll.u32 v3, $0x1  }
0xd2: {  	v3 =	vand.u32 $0x7, v3;
	v4 =	vand.u32 $0xFFFFFFF0, v47  }
0xd3: {  	v3 =	vor.u32 v3, v4  }
0xd4: {  	v4 =	vperm.xlane v3, v0;
	_ =	sdelay $0x1  }
0xd5: {  	v3 =	vperm.xlane v3, v2;
	v4 =	vadd.s32 v1, v4;
	_ =	sdelay $0x1  }
0xd6: {  	v3 =	vadd.s32 v1, v3;
	_ =	sdelay $0x1  }
0xd7: {  	s0 =	rddreg [dreg:$0x17]  }
0xd8: {  	[tilespmem:s0], [sflag:$0x2] =	stream.indirect_vreg.gather [hbm4b:s5+s2], $0x80, v4, vm0, $0xb8;
	[tilespmem:$0x18100] =	vst v63  }
0xd9: {  	s26 =	rddreg [dreg:$0x18]  }
0xda: {  	[tilespmem:s26], [sflag:$0x2] =	stream.indirect_vreg.gather [hbm4b:s5+s2], $0x80, v3, vm0, $0xb8;
	[tilespmem:$0x18100] =	vst v63  }
0xdb: {  	_ =	swait.ge [sflag:s3], $0x8000  }
0xdc: {  	[sflag:s3] =	ssyncset.done $0x0  }
0xdd: {  	s26 =	rddreg [dreg:$0x6];
	[sflag:s3] =	ssyncadd.s32 $0xFFFF8000  }
0xde: {  	[hbm4b:s26+s2] =	stream.linear.scatter [tilespmem:s8], [sflag:$0x4], $0x8000, $0x38;
	[tilespmem:$0x18100] =	vst v63  }
0xdf: {  	v3 =	vld [tilespmem:$0x80];
	_ =	sdelay $0x4  }
0xe0: {  	v48 =	vshll.u32 v3, $0x1  }
0xe1: {  	v3 =	vand.u32 $0x7, v3;
	v4 =	vand.u32 $0xFFFFFFF0, v48  }
0xe2: {  	v3 =	vor.u32 v3, v4  }
0xe3: {  	v4 =	vperm.xlane v3, v0;
	_ =	sdelay $0x1  }
0xe4: {  	v3 =	vperm.xlane v3, v2;
	v4 =	vadd.s32 v1, v4;
	_ =	sdelay $0x1  }
0xe5: {  	v3 =	vadd.s32 v1, v3;
	_ =	sdelay $0x2  }
0xe6: {  	[tilespmem:s25], [sflag:$0x3] =	stream.indirect_vreg.gather [hbm4b:s4+s2], $0x80, v4, vm0, $0xb8;
	[tilespmem:$0x18100] =	vst v63  }
0xe7: {  	s26 =	rddreg [dreg:$0x19]  }
0xe8: {  	[tilespmem:s26], [sflag:$0x3] =	stream.indirect_vreg.gather [hbm4b:s4+s2], $0x80, v3, vm0, $0xb8;
	[tilespmem:$0x18100] =	vst v63  }
0xe9: {  	v3 =	vld [tilespmem:$0x90];
	_ =	sdelay $0x4  }
0xea: {  	v49 =	vshll.u32 v3, $0x1  }
0xeb: {  	v3 =	vand.u32 $0x7, v3;
	v4 =	vand.u32 $0xFFFFFFF0, v49  }
0xec: {  	v3 =	vor.u32 v3, v4  }
0xed: {  	v4 =	vperm.xlane v3, v0;
	_ =	sdelay $0x1  }
0xee: {  	v3 =	vperm.xlane v3, v2;
	v4 =	vadd.s32 v1, v4;
	_ =	sdelay $0x1  }
0xef: {  	v3 =	vadd.s32 v1, v3;
	_ =	sdelay $0x1  }
0xf0: {  	s0 =	rddreg [dreg:$0x1a]  }
0xf1: {  	[tilespmem:s0], [sflag:$0x3] =	stream.indirect_vreg.gather [hbm4b:s4+s2], $0x80, v4, vm0, $0xb8;
	[tilespmem:$0x18100] =	vst v63  }
0xf2: {  	s26 =	rddreg [dreg:$0x1b]  }
0xf3: {  	[tilespmem:s26], [sflag:$0x3] =	stream.indirect_vreg.gather [hbm4b:s4+s2], $0x80, v3, vm0, $0xb8;
	[tilespmem:$0x18100] =	vst v63  }
0xf4: {  	v3 =	vld [tilespmem:$0xA0];
	_ =	sdelay $0x4  }
0xf5: {  	v50 =	vshll.u32 v3, $0x1  }
0xf6: {  	v3 =	vand.u32 $0x7, v3;
	v4 =	vand.u32 $0xFFFFFFF0, v50  }
0xf7: {  	v3 =	vor.u32 v3, v4  }
0xf8: {  	v4 =	vperm.xlane v3, v0;
	_ =	sdelay $0x1  }
0xf9: {  	v3 =	vperm.xlane v3, v2;
	v4 =	vadd.s32 v1, v4;
	_ =	sdelay $0x1  }
0xfa: {  	v3 =	vadd.s32 v1, v3;
	_ =	sdelay $0x1  }
0xfb: {  	s0 =	rddreg [dreg:$0x1c]  }
0xfc: {  	[tilespmem:s0], [sflag:$0x3] =	stream.indirect_vreg.gather [hbm4b:s4+s2], $0x80, v4, vm0, $0xb8;
	[tilespmem:$0x18100] =	vst v63  }
0xfd: {  	s26 =	rddreg [dreg:$0x1d]  }
0xfe: {  	[tilespmem:s26], [sflag:$0x3] =	stream.indirect_vreg.gather [hbm4b:s4+s2], $0x80, v3, vm0, $0xb8;
	[tilespmem:$0x18100] =	vst v63  }
0xff: {  	v3 =	vld [tilespmem:$0xB0];
	_ =	sdelay $0x4  }
0x100: {  	v51 =	vshll.u32 v3, $0x1  }
0x101: {  	v3 =	vand.u32 $0x7, v3;
	v4 =	vand.u32 $0xFFFFFFF0, v51  }
0x102: {  	v3 =	vor.u32 v3, v4  }
0x103: {  	v4 =	vperm.xlane v3, v0;
	_ =	sdelay $0x1  }
0x104: {  	v3 =	vperm.xlane v3, v2;
	v4 =	vadd.s32 v1, v4;
	_ =	sdelay $0x1  }
0x105: {  	v3 =	vadd.s32 v1, v3;
	_ =	sdelay $0x1  }
0x106: {  	s0 =	rddreg [dreg:$0x1e]  }
0x107: {  	[tilespmem:s0], [sflag:$0x3] =	stream.indirect_vreg.gather [hbm4b:s4+s2], $0x80, v4, vm0, $0xb8;
	[tilespmem:$0x18100] =	vst v63  }
0x108: {  	s26 =	rddreg [dreg:$0x1f]  }
0x109: {  	[tilespmem:s26], [sflag:$0x3] =	stream.indirect_vreg.gather [hbm4b:s4+s2], $0x80, v3, vm0, $0xb8;
	[tilespmem:$0x18100] =	vst v63  }
0x10a: {  	v3 =	vld [tilespmem:$0xC0];
	_ =	sdelay $0x4  }
0x10b: {  	v52 =	vshll.u32 v3, $0x1  }
0x10c: {  	v3 =	vand.u32 $0x7, v3;
	v4 =	vand.u32 $0xFFFFFFF0, v52  }
0x10d: {  	v3 =	vor.u32 v3, v4  }
0x10e: {  	v4 =	vperm.xlane v3, v0;
	_ =	sdelay $0x1  }
0x10f: {  	v3 =	vperm.xlane v3, v2;
	v4 =	vadd.s32 v1, v4;
	_ =	sdelay $0x1  }
0x110: {  	s0 =	sld [smem:$0x7F7];
	v3 =	vadd.s32 v1, v3;
	_ =	sdelay $0x1  }
0x111: {  	s26 =	sld [smem:$0x7F8]  }
0x112: {  	[tilespmem:s0], [sflag:$0x3] =	stream.indirect_vreg.gather [hbm4b:s4+s2], $0x80, v4, vm0, $0xb8;
	[tilespmem:$0x18100] =	vst v63  }
0x113: {  	_ = 	snop  }
0x114: {  	[tilespmem:s26], [sflag:$0x3] =	stream.indirect_vreg.gather [hbm4b:s4+s2], $0x80, v3, vm0, $0xb8;
	[tilespmem:$0x18100] =	vst v63  }
0x115: {  	v3 =	vld [tilespmem:$0xD0];
	_ =	sdelay $0x4  }
0x116: {  	v53 =	vshll.u32 v3, $0x1  }
0x117: {  	v3 =	vand.u32 $0x7, v3;
	v4 =	vand.u32 $0xFFFFFFF0, v53  }
0x118: {  	v3 =	vor.u32 v3, v4  }
0x119: {  	v4 =	vperm.xlane v3, v0;
	_ =	sdelay $0x1  }
0x11a: {  	v3 =	vperm.xlane v3, v2;
	v4 =	vadd.s32 v1, v4;
	_ =	sdelay $0x1  }
0x11b: {  	s0 =	sld [smem:$0x7F9];
	v3 =	vadd.s32 v1, v3;
	_ =	sdelay $0x1  }
0x11c: {  	s26 =	sld [smem:$0x7FA]  }
0x11d: {  	[tilespmem:s0], [sflag:$0x3] =	stream.indirect_vreg.gather [hbm4b:s4+s2], $0x80, v4, vm0, $0xb8;
	[tilespmem:$0x18100] =	vst v63  }
0x11e: {  	_ = 	snop  }
0x11f: {  	[tilespmem:s26], [sflag:$0x3] =	stream.indirect_vreg.gather [hbm4b:s4+s2], $0x80, v3, vm0, $0xb8;
	[tilespmem:$0x18100] =	vst v63  }
0x120: {  	v3 =	vld [tilespmem:$0xE0];
	_ =	sdelay $0x4  }
0x121: {  	v54 =	vshll.u32 v3, $0x1  }
0x122: {  	v3 =	vand.u32 $0x7, v3;
	v4 =	vand.u32 $0xFFFFFFF0, v54  }
0x123: {  	v3 =	vor.u32 v3, v4  }
0x124: {  	v4 =	vperm.xlane v3, v0;
	_ =	sdelay $0x1  }
0x125: {  	v3 =	vperm.xlane v3, v2;
	v4 =	vadd.s32 v1, v4;
	_ =	sdelay $0x1  }
0x126: {  	s0 =	sld [smem:$0x7FB];
	v3 =	vadd.s32 v1, v3;
	_ =	sdelay $0x1  }
0x127: {  	s26 =	sld [smem:$0x7FC]  }
0x128: {  	[tilespmem:s0], [sflag:$0x3] =	stream.indirect_vreg.gather [hbm4b:s4+s2], $0x80, v4, vm0, $0xb8;
	[tilespmem:$0x18100] =	vst v63  }
0x129: {  	_ = 	snop  }
0x12a: {  	[tilespmem:s26], [sflag:$0x3] =	stream.indirect_vreg.gather [hbm4b:s4+s2], $0x80, v3, vm0, $0xb8;
	[tilespmem:$0x18100] =	vst v63  }
0x12b: {  	v3 =	vld [tilespmem:$0xF0];
	_ =	sdelay $0x4  }
0x12c: {  	v55 =	vshll.u32 v3, $0x1  }
0x12d: {  	v3 =	vand.u32 $0x7, v3;
	v4 =	vand.u32 $0xFFFFFFF0, v55  }
0x12e: {  	v3 =	vor.u32 v3, v4  }
0x12f: {  	v4 =	vperm.xlane v3, v0;
	_ =	sdelay $0x1  }
0x130: {  	v3 =	vperm.xlane v3, v2;
	v4 =	vadd.s32 v1, v4;
	_ =	sdelay $0x1  }
0x131: {  	s26 =	sld [smem:$0x7FD];
	v3 =	vadd.s32 v1, v3;
	_ =	sdelay $0x2  }
0x132: {  	[tilespmem:s26], [sflag:$0x3] =	stream.indirect_vreg.gather [hbm4b:s4+s2], $0x80, v4, vm0, $0xb8;
	[tilespmem:$0x18100] =	vst v63  }
0x133: {  	s26 =	simm.s32 $0x17900  }
0x134: {  	[tilespmem:s26], [sflag:$0x3] =	stream.indirect_vreg.gather [hbm4b:s4+s2], $0x80, v3, vm0, $0xb8;
	[tilespmem:$0x18100] =	vst v63  }
0x135: {  	_ =	swait.ge [sflag:s28], $0x8000  }
0x136: {  	[sflag:s28] =	ssyncset.done $0x0  }
0x137: {  	s26 =	rddreg [dreg:$0x7];
	[sflag:s28] =	ssyncadd.s32 $0xFFFF8000  }
0x138: {  	[hbm4b:s26+s2] =	stream.linear.scatter [tilespmem:s24], [sflag:$0x5], $0x8000, $0x38;
	[tilespmem:$0x18100] =	vst v63  }
0x139: {  	_ =	swait.ge [sflag:s29], $0x8000  }
0x13a: {  	[sflag:s29] =	ssyncset.done $0x0  }
0x13b: {  	[sflag:s29] =	ssyncadd.s32 $0xFFFF8000  }
0x13c: {  	v3 =	vld [tilespmem:$0x80];
	_ =	sdelay $0x4  }
0x13d: {  	v56 =	vshll.u32 v3, $0x1  }
0x13e: {  	v3 =	vand.u32 $0x7, v3;
	v4 =	vand.u32 $0xFFFFFFF0, v56  }
0x13f: {  	v3 =	vor.u32 v3, v4  }
0x140: {  	v4 =	vperm.xlane v3, v0;
	_ =	sdelay $0x1  }
0x141: {  	v3 =	vperm.xlane v3, v2;
	v4 =	vadd.s32 v1, v4;
	_ =	sdelay $0x1  }
0x142: {  	v3 =	vadd.s32 v1, v3;
	_ =	sdelay $0x2  }
0x143: {  	[tilespmem:s8], [sflag:$0x1] =	stream.indirect_vreg.gather [hbm4b:s5+s2], $0x80, v4, vm0, $0xb8;
	[tilespmem:$0x18100] =	vst v63  }
0x144: {  	_ = 	snop  }
0x145: {  	[tilespmem:s9], [sflag:$0x1] =	stream.indirect_vreg.gather [hbm4b:s5+s2], $0x80, v3, vm0, $0xb8;
	[tilespmem:$0x18100] =	vst v63  }
0x146: {  	v3 =	vld [tilespmem:$0x90];
	_ =	sdelay $0x4  }
0x147: {  	v57 =	vshll.u32 v3, $0x1  }
0x148: {  	v3 =	vand.u32 $0x7, v3;
	v4 =	vand.u32 $0xFFFFFFF0, v57  }
0x149: {  	v3 =	vor.u32 v3, v4  }
0x14a: {  	v4 =	vperm.xlane v3, v0;
	_ =	sdelay $0x1  }
0x14b: {  	v3 =	vperm.xlane v3, v2;
	v4 =	vadd.s32 v1, v4;
	_ =	sdelay $0x1  }
0x14c: {  	v3 =	vadd.s32 v1, v3;
	_ =	sdelay $0x2  }
0x14d: {  	[tilespmem:s10], [sflag:$0x1] =	stream.indirect_vreg.gather [hbm4b:s5+s2], $0x80, v4, vm0, $0xb8;
	[tilespmem:$0x18100] =	vst v63  }
0x14e: {  	_ = 	snop  }
0x14f: {  	[tilespmem:s11], [sflag:$0x1] =	stream.indirect_vreg.gather [hbm4b:s5+s2], $0x80, v3, vm0, $0xb8;
	[tilespmem:$0x18100] =	vst v63  }
0x150: {  	v3 =	vld [tilespmem:$0xA0];
	_ =	sdelay $0x4  }
0x151: {  	v58 =	vshll.u32 v3, $0x1  }
0x152: {  	v3 =	vand.u32 $0x7, v3;
	v4 =	vand.u32 $0xFFFFFFF0, v58  }
0x153: {  	v3 =	vor.u32 v3, v4  }
0x154: {  	v4 =	vperm.xlane v3, v0;
	_ =	sdelay $0x1  }
0x155: {  	v3 =	vperm.xlane v3, v2;
	v4 =	vadd.s32 v1, v4;
	_ =	sdelay $0x1  }
0x156: {  	v3 =	vadd.s32 v1, v3;
	_ =	sdelay $0x2  }
0x157: {  	[tilespmem:s12], [sflag:$0x1] =	stream.indirect_vreg.gather [hbm4b:s5+s2], $0x80, v4, vm0, $0xb8;
	[tilespmem:$0x18100] =	vst v63  }
0x158: {  	_ = 	snop  }
0x159: {  	[tilespmem:s13], [sflag:$0x1] =	stream.indirect_vreg.gather [hbm4b:s5+s2], $0x80, v3, vm0, $0xb8;
	[tilespmem:$0x18100] =	vst v63  }
0x15a: {  	v3 =	vld [tilespmem:$0xB0];
	_ =	sdelay $0x4  }
0x15b: {  	v59 =	vshll.u32 v3, $0x1  }
0x15c: {  	v3 =	vand.u32 $0x7, v3;
	v4 =	vand.u32 $0xFFFFFFF0, v59  }
0x15d: {  	v3 =	vor.u32 v3, v4  }
0x15e: {  	v4 =	vperm.xlane v3, v0;
	_ =	sdelay $0x1  }
0x15f: {  	v3 =	vperm.xlane v3, v2;
	v4 =	vadd.s32 v1, v4;
	_ =	sdelay $0x1  }
0x160: {  	v3 =	vadd.s32 v1, v3;
	_ =	sdelay $0x2  }
0x161: {  	[tilespmem:s14], [sflag:$0x1] =	stream.indirect_vreg.gather [hbm4b:s5+s2], $0x80, v4, vm0, $0xb8;
	[tilespmem:$0x18100] =	vst v63  }
0x162: {  	_ = 	snop  }
0x163: {  	[tilespmem:s15], [sflag:$0x1] =	stream.indirect_vreg.gather [hbm4b:s5+s2], $0x80, v3, vm0, $0xb8;
	[tilespmem:$0x18100] =	vst v63  }
0x164: {  	v3 =	vld [tilespmem:$0xC0];
	_ =	sdelay $0x4  }
0x165: {  	v60 =	vshll.u32 v3, $0x1  }
0x166: {  	v3 =	vand.u32 $0x7, v3;
	v4 =	vand.u32 $0xFFFFFFF0, v60  }
0x167: {  	v3 =	vor.u32 v3, v4  }
0x168: {  	v4 =	vperm.xlane v3, v0;
	_ =	sdelay $0x1  }
0x169: {  	v3 =	vperm.xlane v3, v2;
	v4 =	vadd.s32 v1, v4;
	_ =	sdelay $0x1  }
0x16a: {  	v3 =	vadd.s32 v1, v3;
	_ =	sdelay $0x2  }
0x16b: {  	[tilespmem:s16], [sflag:$0x1] =	stream.indirect_vreg.gather [hbm4b:s5+s2], $0x80, v4, vm0, $0xb8;
	[tilespmem:$0x18100] =	vst v63  }
0x16c: {  	_ = 	snop  }
0x16d: {  	[tilespmem:s17], [sflag:$0x1] =	stream.indirect_vreg.gather [hbm4b:s5+s2], $0x80, v3, vm0, $0xb8;
	[tilespmem:$0x18100] =	vst v63  }
0x16e: {  	v3 =	vld [tilespmem:$0xD0];
	_ =	sdelay $0x4  }
0x16f: {  	v61 =	vshll.u32 v3, $0x1  }
0x170: {  	v3 =	vand.u32 $0x7, v3;
	v4 =	vand.u32 $0xFFFFFFF0, v61  }
0x171: {  	v3 =	vor.u32 v3, v4  }
0x172: {  	v4 =	vperm.xlane v3, v0;
	_ =	sdelay $0x1  }
0x173: {  	v3 =	vperm.xlane v3, v2;
	v4 =	vadd.s32 v1, v4;
	_ =	sdelay $0x1  }
0x174: {  	v3 =	vadd.s32 v1, v3;
	_ =	sdelay $0x2  }
0x175: {  	[tilespmem:s18], [sflag:$0x1] =	stream.indirect_vreg.gather [hbm4b:s5+s2], $0x80, v4, vm0, $0xb8;
	[tilespmem:$0x18100] =	vst v63  }
0x176: {  	_ = 	snop  }
0x177: {  	[tilespmem:s19], [sflag:$0x1] =	stream.indirect_vreg.gather [hbm4b:s5+s2], $0x80, v3, vm0, $0xb8;
	[tilespmem:$0x18100] =	vst v63  }
0x178: {  	v3 =	vld [tilespmem:$0xE0];
	_ =	sdelay $0x4  }
0x179: {  	v62 =	vshll.u32 v3, $0x1  }
0x17a: {  	v3 =	vand.u32 $0x7, v3;
	v4 =	vand.u32 $0xFFFFFFF0, v62  }
0x17b: {  	v3 =	vor.u32 v3, v4  }
0x17c: {  	v4 =	vperm.xlane v3, v0;
	_ =	sdelay $0x1  }
0x17d: {  	v3 =	vperm.xlane v3, v2;
	v4 =	vadd.s32 v1, v4;
	_ =	sdelay $0x1  }
0x17e: {  	v3 =	vadd.s32 v1, v3;
	_ =	sdelay $0x2  }
0x17f: {  	[tilespmem:s20], [sflag:$0x1] =	stream.indirect_vreg.gather [hbm4b:s5+s2], $0x80, v4, vm0, $0xb8;
	[tilespmem:$0x18100] =	vst v63  }
0x180: {  	_ = 	snop  }
0x181: {  	[tilespmem:s21], [sflag:$0x1] =	stream.indirect_vreg.gather [hbm4b:s5+s2], $0x80, v3, vm0, $0xb8;
	[tilespmem:$0x18100] =	vst v63  }
0x182: {  	v3 =	vld [tilespmem:$0xF0];
	_ =	sdelay $0x4  }
0x183: {  	v63 =	vshll.u32 v3, $0x1  }
0x184: {  	v3 =	vand.u32 $0x7, v3;
	v4 =	vand.u32 $0xFFFFFFF0, v63  }
0x185: {  	v3 =	vor.u32 v3, v4  }
0x186: {  	v4 =	vperm.xlane v3, v0;
	_ =	sdelay $0x1  }
0x187: {  	v3 =	vperm.xlane v3, v2;
	v4 =	vadd.s32 v1, v4;
	_ =	sdelay $0x1  }
0x188: {  	v3 =	vadd.s32 v1, v3;
	_ =	sdelay $0x2  }
0x189: {  	[tilespmem:s22], [sflag:$0x1] =	stream.indirect_vreg.gather [hbm4b:s5+s2], $0x80, v4, vm0, $0xb8;
	[tilespmem:$0x18100] =	vst v63  }
0x18a: {  	_ = 	snop  }
0x18b: {  	[tilespmem:s23], [sflag:$0x1] =	stream.indirect_vreg.gather [hbm4b:s5+s2], $0x80, v3, vm0, $0xb8;
	[tilespmem:$0x18100] =	vst v63  }
0x18c: {  	_ =	swait.ge [sflag:s30], $0x8000  }
0x18d: {  	[sflag:s30] =	ssyncset.done $0x0  }
0x18e: {  	s26 =	rddreg [dreg:$0x8];
	[sflag:s30] =	ssyncadd.s32 $0xFFFF8000  }
0x18f: {  	[hbm4b:s26+s2] =	stream.linear.scatter [tilespmem:s25], [sflag:$0x6], $0x8000, $0x38;
	[tilespmem:$0x18100] =	vst v63  }
0x190: {  	_ =	swait.ge [sflag:s3], $0x8000  }
0x191: {  	[sflag:s3] =	ssyncset.done $0x0  }
0x192: {  	s26 =	rddreg [dreg:$0x9];
	[sflag:s3] =	ssyncadd.s32 $0xFFFF8000  }
0x193: {  	[hbm4b:s26+s2] =	stream.linear.scatter [tilespmem:s8], [sflag:$0x4], $0x8000, $0x38;
	[tilespmem:$0x18100] =	vst v63  }
0x194: {  	_ =	swait.ge [sflag:s31], $0x8000  }
0x195: {  	[sflag:s31] =	ssyncset.done $0x0  }
0x196: {  	[sflag:s31] =	ssyncadd.s32 $0xFFFF8000  }
0x197: {  	p0 =	sne.s32 s6, $0x1;
	_ =	swait.ge [sflag:s1], $0x8000  }
.Ltmp0:
0x198: {  	[sflag:s1] =	ssyncset.done $0x0;
	(pc) =	sbr.rel @p0 .LBB2_1-.Ltmp0, $4  }
0x199: {  	[sflag:s1] =	ssyncadd.s32 $0xFFFF8000  }
0x19a: {  	_ =	swait.ge [sflag:s29], $0x8000  }
0x19b: {  	[sflag:s29] =	ssyncset.done $0x0  }
0x19c: {  	s6 =	sadd.s32 $0xFFFFFFFF, s6;
	[sflag:s29] =	ssyncadd.s32 $0xFFFF8000  }
0x19d: {  	_ =	sfence.sel $0x180000  }
0x19e: {  	[bflag:$0x0] =	sbarrier.arrive $0xFFFF  }
0x19f: {  	_ =	strace $0x9000004A  }
0x1a0: {  	s0 =	stileid.u32;
	[bflag:$0x2] =	sbarrier.arrive $0xFFFF  }
0x1a1: {  	p0 =	sne.s32 s0, $0x0;
	s0 =	rddreg [dreg:$0x4]  }
0x1a2: {  	s0 =	sadd.s32 @!p0 $0x100000, s0  }
0x1a3: {  	[sflag:s0] =	ssyncadd.tile.s32 @!p0 $0x1;
	_ =	shalt  }
.Lfunc_end2:
_tile_overlayer_lowered:
.L_overlay_start_2:
0x1a4: {  	(tag) =	ssettag $0x2  }
0x1a5: {  	s0 =	rddreg [dreg:$0x0];
	s2 =	stileid.u32  }
0x1a6: {  	s1 =	rddreg [dreg:$0x1];
	p0 =	sne.s32 s2, $0x0  }
0x1a7: {  	s3 =	rddreg [dreg:$0x2];
	[bflag:$0x3] =	sbarrier.arrive $0xFFFF;
	s2 =	simm.s32 @!p0 $0x1C07  }
0x1a8: {  	[timem:s3], [sflag:s2] =	dma.local @!p0 [hbm:s0], s1  }
0x1a9: {  	s0 =	simm.s32 @!p0 $0x7  }
0x1aa: {  	_ =	swait.ge @!p0 [sflag:s0], s1  }
0x1ab: {  	s1 =	ssub.s32 @!p0 $0x0, s1;
	[sflag:s0] =	ssyncset.done @!p0 $0x0  }
0x1ac: {  	[sflag:s0] =	ssyncadd.s32 @!p0 s1  }
0x1ad: {  	[bflag:$0x3] =	sbarrier.arrive $0xFFFF  }
0x1ae: {  	_ =	shalt  }

</sc_bundles>
